<compile_context>
chip_gen: v7x
topology: tpu7x:2x2x1
jax: 0.10.2.dev20260603
libtpu: 0.0.44.dev20260713+nightly
codegen_flags: <defaults>
</compile_context>

<pallas_src>
import jax
import jax.numpy as jnp
from jax import lax
from jax.experimental import pallas as pl
from jax.experimental.pallas import tpu as pltpu
from jax.experimental.pallas import tpu_sc as plsc

SEQ = 200
DIM = 64
PAD_DIM = 128
NUM_CORES = 2
NUM_SUBCORES = 16
NUM_WORKERS = NUM_CORES * NUM_SUBCORES
BW = 128
NSLOT = 2


PITCH = 129


def _body(table_hbm, idxt_hbm, pos_hbm, out_hbm, idx_v, gbuf, sbuf, pos_v,
          tbuf, gsems, ssems):
    wid = lax.axis_index("s") * NUM_CORES + lax.axis_index("c")
    b0 = wid * BW
    lanes = lax.iota(jnp.int32, 16)
    lanep = lanes * PITCH

    pltpu.sync_copy(pos_hbm, pos_v)
    pltpu.sync_copy(idxt_hbm.at[:, pl.ds(b0, BW)], idx_v)

    def fire_gather(s, slot):
        pltpu.async_copy(
            table_hbm.at[idx_v.at[s]], gbuf.at[slot], gsems.at[slot],
        )

    def wait_gather(slot):
        pltpu.make_async_copy(
            table_hbm.at[idx_v.at[0]], gbuf.at[slot], gsems.at[slot],
        ).wait()

    def fire_store(s, slot):
        pltpu.async_copy(
            sbuf.at[slot], out_hbm.at[s, :, pl.ds(b0, BW)], ssems.at[slot],
        )

    def wait_store(slot):
        pltpu.make_async_copy(
            sbuf.at[slot], out_hbm.at[0, :, pl.ds(b0, BW)], ssems.at[slot],
        ).wait()

    for slot in range(NSLOT):
        fire_gather(slot, slot)

    @pl.loop(0, SEQ // NSLOT)
    def _pos_loop(i):
        for slot in range(NSLOT):
            s = i * NSLOT + slot
            wait_gather(slot)

            @pl.when(i >= 1)
            def _():
                wait_store(slot)

            pos_rows = [pos_v[s, pl.ds(c * 16, 16)] for c in range(DIM // 16)]

            @plsc.parallel_loop(0, BW, unroll=8)
            def _b_loop(b):
                for c in range(DIM // 16):
                    tok = gbuf[slot, b, pl.ds(c * 16, 16)]
                    addr = lanep + (b + c * 16 * PITCH)
                    plsc.store_scatter(tbuf, [addr], tok + pos_rows[c])

            @plsc.parallel_loop(0, DIM, unroll=8)
            def _d_loop(d):
                base = d * PITCH
                for k in range(BW // 16):
                    v = plsc.load_gather(tbuf, [lanes + (base + k * 16)])
                    sbuf[slot, d, pl.ds(k * 16, 16)] = v

            @pl.when(i < SEQ // NSLOT - 1)
            def _():
                fire_gather(s + NSLOT, slot)

            fire_store(s, slot)

    for slot in range(NSLOT):
        wait_store(slot)


def kernel(inputs, token_table, pos_table):
    batch, seq = inputs.shape
    idx_t = inputs.T
    table_pad = jnp.pad(token_table, ((0, 0), (0, PAD_DIM - DIM)))
    pos_pad = jnp.pad(pos_table, ((0, 0), (0, PAD_DIM - DIM)))
    mesh = plsc.VectorSubcoreMesh(
        core_axis_name="c",
        subcore_axis_name="s",
        num_cores=NUM_CORES,
        num_subcores=NUM_SUBCORES,
    )
    out_t = pl.kernel(
        _body,
        out_type=jax.ShapeDtypeStruct((seq, DIM, batch), jnp.float32),
        mesh=mesh,
        scratch_types=[
            pltpu.VMEM((SEQ, BW), jnp.int32),
            pltpu.VMEM((NSLOT, BW, PAD_DIM), jnp.float32),
            pltpu.VMEM((NSLOT, DIM, BW), jnp.float32),
            pltpu.VMEM((SEQ, PAD_DIM), jnp.float32),
            pltpu.VMEM((DIM * PITCH + 16,), jnp.float32),
            pltpu.SemaphoreType.DMA((NSLOT,)),
            pltpu.SemaphoreType.DMA((NSLOT,)),
        ],
        compiler_params=pltpu.CompilerParams(
            use_tc_tiling_on_sc=True, needs_layout_passes=False,
        ),
    )(table_pad, idx_t, pos_pad)
    return jnp.transpose(out_t, (2, 0, 1))

# --- scband reference (transcript-rebuilt; emitter-appended) ---
"""Pipeline reference for scband-positional-embedding-9775345566081 (READ-ONLY COPY).

The authoritative reference and input builder live on the scoring server;
editing this copy changes nothing except your own understanding.
"""

import jax, jax.numpy as jnp
import numpy as np

SEQUENCE_LENGTH = 200
INPUT_DIM = 100000
OUTPUT_DIM = 64
BATCH = 4096

def setup_inputs(seed: int = 0) -> dict:
    key = jax.random.key(seed)
    k1, k2, k3 = jax.random.split(key, 3)
    inputs = jax.random.randint(k1, (BATCH, SEQUENCE_LENGTH), 0, INPUT_DIM, dtype=jnp.int64 if jax.config.jax_enable_x64 else jnp.int32).astype(jnp.int32)
    token_table = jax.random.normal(k2, (INPUT_DIM, OUTPUT_DIM), dtype=jnp.float32) * 0.05
    pos_table = jax.random.normal(k3, (SEQUENCE_LENGTH, OUTPUT_DIM), dtype=jnp.float32) * 0.05
    return {"inputs": inputs, "token_table": token_table, "pos_table": pos_table}

def reference(inputs, token_table, pos_table):
    length = inputs.shape[-1]
    positions = jnp.arange(length)
    embedded_tokens = jnp.take(token_table, inputs, axis=0)
    embedded_positions = jnp.take(pos_table, positions, axis=0)
    return embedded_tokens + embedded_positions

if __name__ == "__main__":
    import jax
    _d = setup_inputs()
    print(jax.jit(kernel)(*tuple(_d.values())))

</pallas_src>

<mosaic_0001>
#map = affine_map<(d0, d1) -> (0, 0)>
#map1 = affine_map<(d0, d1) -> (0, 0, 0)>
module attributes {stable_mosaic.version = 14 : i64} {
  func.func @_body(%arg0: i32, %arg1: i32, %arg2: memref<100000x128xf32, #tpu.memory_space<hbm>>, %arg3: memref<200x4096xi32, #tpu.memory_space<hbm>>, %arg4: memref<200x128xf32, #tpu.memory_space<hbm>>, %arg5: memref<200x64x4096xf32, #tpu.memory_space<hbm>>, %arg6: memref<200x128xi32, #tpu.memory_space<vmem>>, %arg7: memref<2x128x128xf32, #tpu.memory_space<vmem>>, %arg8: memref<2x64x128xf32, #tpu.memory_space<vmem>>, %arg9: memref<200x128xf32, #tpu.memory_space<vmem>>, %arg10: memref<8272xf32, #tpu.memory_space<vmem>>, %arg11: memref<2x!tpu.dma_semaphore, #tpu.memory_space<semaphore_mem>>, %arg12: memref<2x!tpu.dma_semaphore, #tpu.memory_space<semaphore_mem>>) attributes {dimension_semantics = [#tpu.dimension_semantics<core_parallel>, #tpu.dimension_semantics<subcore_parallel>], iteration_bounds = array<i64: 2, 16>, scalar_prefetch = 0 : i64, scratch_operands = 7 : i64, tpu.core_type = #tpu.core_type<sc_vector_subcore>, window_params = [{transform_indices = #map}, {transform_indices = #map}, {transform_indices = #map}, {transform_indices = #map1}]} {
    %mul3A = arith.constant 2 : i32
    %mul3A_0 = arith.muli %arg1, %mul3A : i32
    %add3A = arith.addi %mul3A_0, %arg0 : i32
    %mul3A_1 = arith.constant 128 : i32
    %mul3A_2 = arith.muli %add3A, %mul3A_1 : i32
    %iota3A = tpu.iota {dimensions = array<i32: 0>} : vector<16xi32>
    %mul3A_3 = arith.constant 129 : i32
    %mul3A_4 = vector.broadcast %mul3A_3 : i32 to vector<16xi32>
    %mul3A_5 = arith.muli %iota3A, %mul3A_4 : vector<16xi32>
    "tpu.region"() ({
      %run_scoped3A = tpu.sem_alloc : memref<!tpu.dma_semaphore, #tpu.memory_space<semaphore_mem>>
      tpu.enqueue_dma source(%arg4 : memref<200x128xf32, #tpu.memory_space<hbm>>) target(%arg9 : memref<200x128xf32, #tpu.memory_space<vmem>>) target_semaphore(%run_scoped3A : memref<!tpu.dma_semaphore, #tpu.memory_space<semaphore_mem>>)
      tpu.wait_dma2 semaphore(%run_scoped3A : memref<!tpu.dma_semaphore, #tpu.memory_space<semaphore_mem>>) src(%arg4 : memref<200x128xf32, #tpu.memory_space<hbm>>) dst(%arg9 : memref<200x128xf32, #tpu.memory_space<vmem>>)
      tpu.yield
    }) : () -> ()
    "tpu.region"() ({
      %run_scoped3A = tpu.sem_alloc : memref<!tpu.dma_semaphore, #tpu.memory_space<semaphore_mem>>
      %dma_start3A_76 = arith.constant 0 : i32
      %dma_start3A_77 = tpu.memref_slice %arg3[%dma_start3A_76, %mul3A_2] : memref<200x4096xi32, #tpu.memory_space<hbm>> -> memref<200x128xi32, #tpu.memory_space<hbm>>
      %dma_start3A_78 = arith.constant 0 : i32
      %dma_start3A_79 = tpu.memref_slice %arg3[%dma_start3A_78, %mul3A_2] : memref<200x4096xi32, #tpu.memory_space<hbm>> -> memref<200x128xi32, #tpu.memory_space<hbm>>
      tpu.enqueue_dma source(%dma_start3A_79 : memref<200x128xi32, #tpu.memory_space<hbm>>) target(%arg6 : memref<200x128xi32, #tpu.memory_space<vmem>>) target_semaphore(%run_scoped3A : memref<!tpu.dma_semaphore, #tpu.memory_space<semaphore_mem>>)
      %dma_wait3A_80 = arith.constant 0 : i32
      %dma_wait3A_81 = tpu.memref_slice %arg3[%dma_wait3A_80, %mul3A_2] : memref<200x4096xi32, #tpu.memory_space<hbm>> -> memref<200x128xi32, #tpu.memory_space<hbm>>
      %dma_wait3A_82 = arith.constant 0 : i32
      %dma_wait3A_83 = tpu.memref_slice %arg3[%dma_wait3A_82, %mul3A_2] : memref<200x4096xi32, #tpu.memory_space<hbm>> -> memref<200x128xi32, #tpu.memory_space<hbm>>
      tpu.wait_dma2 semaphore(%run_scoped3A : memref<!tpu.dma_semaphore, #tpu.memory_space<semaphore_mem>>) src(%dma_wait3A_83 : memref<200x128xi32, #tpu.memory_space<hbm>>) dst(%arg6 : memref<200x128xi32, #tpu.memory_space<vmem>>)
      tpu.yield
    }) : () -> ()
    %dma_start3A = arith.constant 0 : i32
    %dma_start3A_6 = arith.constant 0 : i32
    %dma_start3A_7 = arith.constant 0 : i32
    %dma_start3A_8 = arith.constant 0 : i32
    %dma_start3A_9 = arith.constant 0 : i32
    %dma_start3A_10 = tpu.memref_slice %arg7[%dma_start3A_6, %dma_start3A_8, %dma_start3A_9] : memref<2x128x128xf32, #tpu.memory_space<vmem>> -> memref<1x128x128xf32, #tpu.memory_space<vmem>>
    %dma_start3A_11 = tpu.memref_squeeze %dma_start3A_10 : memref<1x128x128xf32, #tpu.memory_space<vmem>> -> memref<128x128xf32, #tpu.memory_space<vmem>>
    %dma_start3A_12 = arith.constant 0 : i32
    %dma_start3A_13 = tpu.memref_slice %arg6[%dma_start3A, %dma_start3A_12] : memref<200x128xi32, #tpu.memory_space<vmem>> -> memref<1x128xi32, #tpu.memory_space<vmem>>
    %dma_start3A_14 = tpu.memref_squeeze %dma_start3A_13 : memref<1x128xi32, #tpu.memory_space<vmem>> -> memref<128xi32, #tpu.memory_space<vmem>>
    %dma_start3A_15 = arith.constant 0 : i32
    %dma_start3A_16 = arith.constant 0 : i32
    %dma_start3A_17 = tpu.memref_slice %arg2[%dma_start3A_15, %dma_start3A_16] : memref<100000x128xf32, #tpu.memory_space<hbm>> -> memref<100000x128xf32, #tpu.memory_space<hbm>>
    %dma_start3A_18 = tpu.memref_slice %arg11[%dma_start3A_7] : memref<2x!tpu.dma_semaphore, #tpu.memory_space<semaphore_mem>> -> memref<1x!tpu.dma_semaphore, #tpu.memory_space<semaphore_mem>>
    %dma_start3A_19 = tpu.memref_squeeze %dma_start3A_18 : memref<1x!tpu.dma_semaphore, #tpu.memory_space<semaphore_mem>> -> memref<!tpu.dma_semaphore, #tpu.memory_space<semaphore_mem>>
    tpu.enqueue_indirect_dma source(%dma_start3A_17 : memref<100000x128xf32, #tpu.memory_space<hbm>>) target(%dma_start3A_11 : memref<128x128xf32, #tpu.memory_space<vmem>>) offsets(%dma_start3A_14 : memref<128xi32, #tpu.memory_space<vmem>>) semaphore(%dma_start3A_19 : memref<!tpu.dma_semaphore, #tpu.memory_space<semaphore_mem>>)
    %dma_start3A_20 = arith.constant 1 : i32
    %dma_start3A_21 = arith.constant 1 : i32
    %dma_start3A_22 = arith.constant 1 : i32
    %dma_start3A_23 = arith.constant 0 : i32
    %dma_start3A_24 = arith.constant 0 : i32
    %dma_start3A_25 = tpu.memref_slice %arg7[%dma_start3A_21, %dma_start3A_23, %dma_start3A_24] : memref<2x128x128xf32, #tpu.memory_space<vmem>> -> memref<1x128x128xf32, #tpu.memory_space<vmem>>
    %dma_start3A_26 = tpu.memref_squeeze %dma_start3A_25 : memref<1x128x128xf32, #tpu.memory_space<vmem>> -> memref<128x128xf32, #tpu.memory_space<vmem>>
    %dma_start3A_27 = arith.constant 0 : i32
    %dma_start3A_28 = tpu.memref_slice %arg6[%dma_start3A_20, %dma_start3A_27] : memref<200x128xi32, #tpu.memory_space<vmem>> -> memref<1x128xi32, #tpu.memory_space<vmem>>
    %dma_start3A_29 = tpu.memref_squeeze %dma_start3A_28 : memref<1x128xi32, #tpu.memory_space<vmem>> -> memref<128xi32, #tpu.memory_space<vmem>>
    %dma_start3A_30 = arith.constant 0 : i32
    %dma_start3A_31 = arith.constant 0 : i32
    %dma_start3A_32 = tpu.memref_slice %arg2[%dma_start3A_30, %dma_start3A_31] : memref<100000x128xf32, #tpu.memory_space<hbm>> -> memref<100000x128xf32, #tpu.memory_space<hbm>>
    %dma_start3A_33 = tpu.memref_slice %arg11[%dma_start3A_22] : memref<2x!tpu.dma_semaphore, #tpu.memory_space<semaphore_mem>> -> memref<1x!tpu.dma_semaphore, #tpu.memory_space<semaphore_mem>>
    %dma_start3A_34 = tpu.memref_squeeze %dma_start3A_33 : memref<1x!tpu.dma_semaphore, #tpu.memory_space<semaphore_mem>> -> memref<!tpu.dma_semaphore, #tpu.memory_space<semaphore_mem>>
    tpu.enqueue_indirect_dma source(%dma_start3A_32 : memref<100000x128xf32, #tpu.memory_space<hbm>>) target(%dma_start3A_26 : memref<128x128xf32, #tpu.memory_space<vmem>>) offsets(%dma_start3A_29 : memref<128xi32, #tpu.memory_space<vmem>>) semaphore(%dma_start3A_34 : memref<!tpu.dma_semaphore, #tpu.memory_space<semaphore_mem>>)
    %scan3A = arith.constant 0 : i32
    %scan3A_35 = arith.constant 100 : i32
    %scan3A_36 = arith.addi %scan3A, %scan3A_35 : i32
    %scan3A_37 = arith.constant 1 : i32
    scf.for %scan3A_76 = %scan3A to %scan3A_36 step %scan3A_37  : i32 {
      %mul3A_77 = arith.constant 1 : i32
      %mul3A_78 = arith.muli %scan3A_76, %mul3A_77 : i32
      %add3A_79 = arith.constant 0 : i32
      %add3A_80 = arith.addi %add3A_79, %mul3A_78 : i32
      %mul3A_81 = arith.constant 2 : i32
      %mul3A_82 = arith.muli %add3A_80, %mul3A_81 : i32
      %add3A_83 = arith.constant 0 : i32
      %add3A_84 = arith.addi %mul3A_82, %add3A_83 : i32
      %dma_wait3A_85 = arith.constant 0 : i32
      %dma_wait3A_86 = arith.constant 0 : i32
      %dma_wait3A_87 = arith.constant 0 : i32
      %dma_wait3A_88 = arith.constant 0 : i32
      %dma_wait3A_89 = arith.constant 0 : i32
      %dma_wait3A_90 = tpu.memref_slice %arg7[%dma_wait3A_86, %dma_wait3A_88, %dma_wait3A_89] : memref<2x128x128xf32, #tpu.memory_space<vmem>> -> memref<1x128x128xf32, #tpu.memory_space<vmem>>
      %dma_wait3A_91 = tpu.memref_squeeze %dma_wait3A_90 : memref<1x128x128xf32, #tpu.memory_space<vmem>> -> memref<128x128xf32, #tpu.memory_space<vmem>>
      %dma_wait3A_92 = arith.constant 0 : i32
      %dma_wait3A_93 = tpu.memref_slice %arg6[%dma_wait3A_85, %dma_wait3A_92] : memref<200x128xi32, #tpu.memory_space<vmem>> -> memref<1x128xi32, #tpu.memory_space<vmem>>
      %dma_wait3A_94 = tpu.memref_squeeze %dma_wait3A_93 : memref<1x128xi32, #tpu.memory_space<vmem>> -> memref<128xi32, #tpu.memory_space<vmem>>
      %dma_wait3A_95 = arith.constant 0 : i32
      %dma_wait3A_96 = arith.constant 0 : i32
      %dma_wait3A_97 = tpu.memref_slice %arg2[%dma_wait3A_95, %dma_wait3A_96] : memref<100000x128xf32, #tpu.memory_space<hbm>> -> memref<100000x128xf32, #tpu.memory_space<hbm>>
      %dma_wait3A_98 = tpu.memref_slice %arg11[%dma_wait3A_87] : memref<2x!tpu.dma_semaphore, #tpu.memory_space<semaphore_mem>> -> memref<1x!tpu.dma_semaphore, #tpu.memory_space<semaphore_mem>>
      %dma_wait3A_99 = tpu.memref_squeeze %dma_wait3A_98 : memref<1x!tpu.dma_semaphore, #tpu.memory_space<semaphore_mem>> -> memref<!tpu.dma_semaphore, #tpu.memory_space<semaphore_mem>>
      tpu.wait_indirect_dma semaphore(%dma_wait3A_99 : memref<!tpu.dma_semaphore, #tpu.memory_space<semaphore_mem>>) src(%dma_wait3A_97 : memref<100000x128xf32, #tpu.memory_space<hbm>>) dst(%dma_wait3A_91 : memref<128x128xf32, #tpu.memory_space<vmem>>)
      %ge3A = arith.constant 1 : i32
      %ge3A_100 = arith.cmpi sge, %add3A_80, %ge3A : i32
      %convert_element_type3A = arith.extui %ge3A_100 : i1 to i32
      %cond3A = arith.constant 0 : i32
      %cond3A_101 = arith.cmpi ne, %convert_element_type3A, %cond3A : i32
      scf.if %cond3A_101 {
        %dma_wait3A_205 = arith.constant 0 : i32
        %dma_wait3A_206 = arith.constant 0 : i32
        %dma_wait3A_207 = arith.constant 0 : i32
        %dma_wait3A_208 = arith.constant 0 : i32
        %dma_wait3A_209 = arith.constant 0 : i32
        %dma_wait3A_210 = tpu.memref_slice %arg8[%dma_wait3A_205, %dma_wait3A_208, %dma_wait3A_209] : memref<2x64x128xf32, #tpu.memory_space<vmem>> -> memref<1x64x128xf32, #tpu.memory_space<vmem>>
        %dma_wait3A_211 = tpu.memref_squeeze %dma_wait3A_210 : memref<1x64x128xf32, #tpu.memory_space<vmem>> -> memref<64x128xf32, #tpu.memory_space<vmem>>
        %dma_wait3A_212 = arith.constant 0 : i32
        %dma_wait3A_213 = tpu.memref_slice %arg5[%dma_wait3A_206, %dma_wait3A_212, %mul3A_2] : memref<200x64x4096xf32, #tpu.memory_space<hbm>> -> memref<1x64x128xf32, #tpu.memory_space<hbm>>
        %dma_wait3A_214 = tpu.memref_squeeze %dma_wait3A_213 : memref<1x64x128xf32, #tpu.memory_space<hbm>> -> memref<64x128xf32, #tpu.memory_space<hbm>>
        %dma_wait3A_215 = tpu.memref_slice %arg12[%dma_wait3A_207] : memref<2x!tpu.dma_semaphore, #tpu.memory_space<semaphore_mem>> -> memref<1x!tpu.dma_semaphore, #tpu.memory_space<semaphore_mem>>
        %dma_wait3A_216 = tpu.memref_squeeze %dma_wait3A_215 : memref<1x!tpu.dma_semaphore, #tpu.memory_space<semaphore_mem>> -> memref<!tpu.dma_semaphore, #tpu.memory_space<semaphore_mem>>
        %dma_wait3A_217 = arith.constant 0 : i32
        %dma_wait3A_218 = tpu.memref_slice %arg5[%dma_wait3A_206, %dma_wait3A_217, %mul3A_2] : memref<200x64x4096xf32, #tpu.memory_space<hbm>> -> memref<1x64x128xf32, #tpu.memory_space<hbm>>
        %dma_wait3A_219 = tpu.memref_squeeze %dma_wait3A_218 : memref<1x64x128xf32, #tpu.memory_space<hbm>> -> memref<64x128xf32, #tpu.memory_space<hbm>>
        %dma_wait3A_220 = arith.constant 0 : i32
        %dma_wait3A_221 = arith.constant 0 : i32
        %dma_wait3A_222 = tpu.memref_slice %arg8[%dma_wait3A_205, %dma_wait3A_220, %dma_wait3A_221] : memref<2x64x128xf32, #tpu.memory_space<vmem>> -> memref<1x64x128xf32, #tpu.memory_space<vmem>>
        %dma_wait3A_223 = tpu.memref_squeeze %dma_wait3A_222 : memref<1x64x128xf32, #tpu.memory_space<vmem>> -> memref<64x128xf32, #tpu.memory_space<vmem>>
        tpu.wait_dma2 semaphore(%dma_wait3A_216 : memref<!tpu.dma_semaphore, #tpu.memory_space<semaphore_mem>>) src(%dma_wait3A_223 : memref<64x128xf32, #tpu.memory_space<vmem>>) dst(%dma_wait3A_219 : memref<64x128xf32, #tpu.memory_space<hbm>>)
      } else {
      }
      %get3A = arith.index_cast %add3A_84 : i32 to index
      %get3A_102 = arith.constant 0 : index
      %get3A_103 = tpu.vector_load %arg9[%get3A, %get3A_102] {strides = array<i32>} : memref<200x128xf32, #tpu.memory_space<vmem>>, vector<16xf32>,
      %get3A_104 = arith.index_cast %add3A_84 : i32 to index
      %get3A_105 = arith.constant 16 : index
      %get3A_106 = tpu.vector_load %arg9[%get3A_104, %get3A_105] {strides = array<i32>} : memref<200x128xf32, #tpu.memory_space<vmem>>, vector<16xf32>,
      %get3A_107 = arith.index_cast %add3A_84 : i32 to index
      %get3A_108 = arith.constant 32 : index
      %get3A_109 = tpu.vector_load %arg9[%get3A_107, %get3A_108] {strides = array<i32>} : memref<200x128xf32, #tpu.memory_space<vmem>>, vector<16xf32>,
      %get3A_110 = arith.index_cast %add3A_84 : i32 to index
      %get3A_111 = arith.constant 48 : index
      %get3A_112 = tpu.vector_load %arg9[%get3A_110, %get3A_111] {strides = array<i32>} : memref<200x128xf32, #tpu.memory_space<vmem>>, vector<16xf32>,
      %parallel_loop3A = arith.constant 0 : i32
      %parallel_loop3A_113 = arith.constant 128 : i32
      %parallel_loop3A_114 = arith.constant 1 : i32
      scf.for %parallel_loop3A_205 = %parallel_loop3A to %parallel_loop3A_113 step %parallel_loop3A_114  : i32 {
        %parallel_loop3A_206 = arith.constant 0 : i32
        %parallel_loop3A_207 = arith.index_cast %parallel_loop3A_206 : i32 to index
        %parallel_loop3A_208 = arith.index_cast %parallel_loop3A_205 : i32 to index
        %parallel_loop3A_209 = arith.constant 0 : index
        %parallel_loop3A_210 = tpu.vector_load %arg7[%parallel_loop3A_207, %parallel_loop3A_208, %parallel_loop3A_209] {strides = array<i32>} : memref<2x128x128xf32, #tpu.memory_space<vmem>>, vector<16xf32>,
        %parallel_loop3A_211 = arith.constant 0 : i32
        %parallel_loop3A_212 = arith.addi %parallel_loop3A_205, %parallel_loop3A_211 : i32
        %parallel_loop3A_213 = vector.broadcast %parallel_loop3A_212 : i32 to vector<16xi32>
        %parallel_loop3A_214 = arith.addi %mul3A_5, %parallel_loop3A_213 : vector<16xi32>
        %parallel_loop3A_215 = arith.addf %parallel_loop3A_210, %get3A_103 : vector<16xf32>
        tpu.vector_store_idx %arg10[%parallel_loop3A_214], %parallel_loop3A_215 : memref<8272xf32, #tpu.memory_space<vmem>>[vector<16xi32>], vector<16xf32>,
        %parallel_loop3A_216 = arith.constant 0 : i32
        %parallel_loop3A_217 = arith.index_cast %parallel_loop3A_216 : i32 to index
        %parallel_loop3A_218 = arith.index_cast %parallel_loop3A_205 : i32 to index
        %parallel_loop3A_219 = arith.constant 16 : index
        %parallel_loop3A_220 = tpu.vector_load %arg7[%parallel_loop3A_217, %parallel_loop3A_218, %parallel_loop3A_219] {strides = array<i32>} : memref<2x128x128xf32, #tpu.memory_space<vmem>>, vector<16xf32>,
        %parallel_loop3A_221 = arith.constant 2064 : i32
        %parallel_loop3A_222 = arith.addi %parallel_loop3A_205, %parallel_loop3A_221 : i32
        %parallel_loop3A_223 = vector.broadcast %parallel_loop3A_222 : i32 to vector<16xi32>
        %parallel_loop3A_224 = arith.addi %mul3A_5, %parallel_loop3A_223 : vector<16xi32>
        %parallel_loop3A_225 = arith.addf %parallel_loop3A_220, %get3A_106 : vector<16xf32>
        tpu.vector_store_idx %arg10[%parallel_loop3A_224], %parallel_loop3A_225 : memref<8272xf32, #tpu.memory_space<vmem>>[vector<16xi32>], vector<16xf32>,
        %parallel_loop3A_226 = arith.constant 0 : i32
        %parallel_loop3A_227 = arith.index_cast %parallel_loop3A_226 : i32 to index
        %parallel_loop3A_228 = arith.index_cast %parallel_loop3A_205 : i32 to index
        %parallel_loop3A_229 = arith.constant 32 : index
        %parallel_loop3A_230 = tpu.vector_load %arg7[%parallel_loop3A_227, %parallel_loop3A_228, %parallel_loop3A_229] {strides = array<i32>} : memref<2x128x128xf32, #tpu.memory_space<vmem>>, vector<16xf32>,
        %parallel_loop3A_231 = arith.constant 4128 : i32
        %parallel_loop3A_232 = arith.addi %parallel_loop3A_205, %parallel_loop3A_231 : i32
        %parallel_loop3A_233 = vector.broadcast %parallel_loop3A_232 : i32 to vector<16xi32>
        %parallel_loop3A_234 = arith.addi %mul3A_5, %parallel_loop3A_233 : vector<16xi32>
        %parallel_loop3A_235 = arith.addf %parallel_loop3A_230, %get3A_109 : vector<16xf32>
        tpu.vector_store_idx %arg10[%parallel_loop3A_234], %parallel_loop3A_235 : memref<8272xf32, #tpu.memory_space<vmem>>[vector<16xi32>], vector<16xf32>,
        %parallel_loop3A_236 = arith.constant 0 : i32
        %parallel_loop3A_237 = arith.index_cast %parallel_loop3A_236 : i32 to index
        %parallel_loop3A_238 = arith.index_cast %parallel_loop3A_205 : i32 to index
        %parallel_loop3A_239 = arith.constant 48 : index
        %parallel_loop3A_240 = tpu.vector_load %arg7[%parallel_loop3A_237, %parallel_loop3A_238, %parallel_loop3A_239] {strides = array<i32>} : memref<2x128x128xf32, #tpu.memory_space<vmem>>, vector<16xf32>,
        %parallel_loop3A_241 = arith.constant 6192 : i32
        %parallel_loop3A_242 = arith.addi %parallel_loop3A_205, %parallel_loop3A_241 : i32
        %parallel_loop3A_243 = vector.broadcast %parallel_loop3A_242 : i32 to vector<16xi32>
        %parallel_loop3A_244 = arith.addi %mul3A_5, %parallel_loop3A_243 : vector<16xi32>
        %parallel_loop3A_245 = arith.addf %parallel_loop3A_240, %get3A_112 : vector<16xf32>
        tpu.vector_store_idx %arg10[%parallel_loop3A_244], %parallel_loop3A_245 : memref<8272xf32, #tpu.memory_space<vmem>>[vector<16xi32>], vector<16xf32>,
      } {sc.loop_unroll_factor = 8 : i64, sc.parallel_access}
      %parallel_loop3A_115 = arith.constant 0 : i32
      %parallel_loop3A_116 = arith.constant 64 : i32
      %parallel_loop3A_117 = arith.constant 1 : i32
      scf.for %parallel_loop3A_205 = %parallel_loop3A_115 to %parallel_loop3A_116 step %parallel_loop3A_117  : i32 {
        %parallel_loop3A_206 = arith.constant 129 : i32
        %parallel_loop3A_207 = arith.muli %parallel_loop3A_205, %parallel_loop3A_206 : i32
        %parallel_loop3A_208 = arith.constant 0 : i32
        %parallel_loop3A_209 = arith.addi %parallel_loop3A_207, %parallel_loop3A_208 : i32
        %parallel_loop3A_210 = vector.broadcast %parallel_loop3A_209 : i32 to vector<16xi32>
        %parallel_loop3A_211 = arith.addi %iota3A, %parallel_loop3A_210 : vector<16xi32>
        %parallel_loop3A_212 = tpu.vector_load_idx %arg10[%parallel_loop3A_211] : memref<8272xf32, #tpu.memory_space<vmem>>[vector<16xi32>], vector<16xf32>,
        %parallel_loop3A_213 = arith.constant 0 : i32
        %parallel_loop3A_214 = arith.index_cast %parallel_loop3A_213 : i32 to index
        %parallel_loop3A_215 = arith.index_cast %parallel_loop3A_205 : i32 to index
        %parallel_loop3A_216 = arith.constant 0 : index
        %parallel_loop3A_217 = tpu.vector_load %arg8[%parallel_loop3A_214, %parallel_loop3A_215, %parallel_loop3A_216] {strides = array<i32>} : memref<2x64x128xf32, #tpu.memory_space<vmem>>, vector<16xf32>,
        tpu.vector_store %arg8[%parallel_loop3A_214, %parallel_loop3A_215, %parallel_loop3A_216], %parallel_loop3A_212 {strides = array<i32>} : memref<2x64x128xf32, #tpu.memory_space<vmem>>, vector<16xf32>,
        %parallel_loop3A_218 = arith.constant 16 : i32
        %parallel_loop3A_219 = arith.addi %parallel_loop3A_207, %parallel_loop3A_218 : i32
        %parallel_loop3A_220 = vector.broadcast %parallel_loop3A_219 : i32 to vector<16xi32>
        %parallel_loop3A_221 = arith.addi %iota3A, %parallel_loop3A_220 : vector<16xi32>
        %parallel_loop3A_222 = tpu.vector_load_idx %arg10[%parallel_loop3A_221] : memref<8272xf32, #tpu.memory_space<vmem>>[vector<16xi32>], vector<16xf32>,
        %parallel_loop3A_223 = arith.constant 0 : i32
        %parallel_loop3A_224 = arith.index_cast %parallel_loop3A_223 : i32 to index
        %parallel_loop3A_225 = arith.index_cast %parallel_loop3A_205 : i32 to index
        %parallel_loop3A_226 = arith.constant 16 : index
        %parallel_loop3A_227 = tpu.vector_load %arg8[%parallel_loop3A_224, %parallel_loop3A_225, %parallel_loop3A_226] {strides = array<i32>} : memref<2x64x128xf32, #tpu.memory_space<vmem>>, vector<16xf32>,
        tpu.vector_store %arg8[%parallel_loop3A_224, %parallel_loop3A_225, %parallel_loop3A_226], %parallel_loop3A_222 {strides = array<i32>} : memref<2x64x128xf32, #tpu.memory_space<vmem>>, vector<16xf32>,
        %parallel_loop3A_228 = arith.constant 32 : i32
        %parallel_loop3A_229 = arith.addi %parallel_loop3A_207, %parallel_loop3A_228 : i32
        %parallel_loop3A_230 = vector.broadcast %parallel_loop3A_229 : i32 to vector<16xi32>
        %parallel_loop3A_231 = arith.addi %iota3A, %parallel_loop3A_230 : vector<16xi32>
        %parallel_loop3A_232 = tpu.vector_load_idx %arg10[%parallel_loop3A_231] : memref<8272xf32, #tpu.memory_space<vmem>>[vector<16xi32>], vector<16xf32>,
        %parallel_loop3A_233 = arith.constant 0 : i32
        %parallel_loop3A_234 = arith.index_cast %parallel_loop3A_233 : i32 to index
        %parallel_loop3A_235 = arith.index_cast %parallel_loop3A_205 : i32 to index
        %parallel_loop3A_236 = arith.constant 32 : index
        %parallel_loop3A_237 = tpu.vector_load %arg8[%parallel_loop3A_234, %parallel_loop3A_235, %parallel_loop3A_236] {strides = array<i32>} : memref<2x64x128xf32, #tpu.memory_space<vmem>>, vector<16xf32>,
        tpu.vector_store %arg8[%parallel_loop3A_234, %parallel_loop3A_235, %parallel_loop3A_236], %parallel_loop3A_232 {strides = array<i32>} : memref<2x64x128xf32, #tpu.memory_space<vmem>>, vector<16xf32>,
        %parallel_loop3A_238 = arith.constant 48 : i32
        %parallel_loop3A_239 = arith.addi %parallel_loop3A_207, %parallel_loop3A_238 : i32
        %parallel_loop3A_240 = vector.broadcast %parallel_loop3A_239 : i32 to vector<16xi32>
        %parallel_loop3A_241 = arith.addi %iota3A, %parallel_loop3A_240 : vector<16xi32>
        %parallel_loop3A_242 = tpu.vector_load_idx %arg10[%parallel_loop3A_241] : memref<8272xf32, #tpu.memory_space<vmem>>[vector<16xi32>], vector<16xf32>,
        %parallel_loop3A_243 = arith.constant 0 : i32
        %parallel_loop3A_244 = arith.index_cast %parallel_loop3A_243 : i32 to index
        %parallel_loop3A_245 = arith.index_cast %parallel_loop3A_205 : i32 to index
        %parallel_loop3A_246 = arith.constant 48 : index
        %parallel_loop3A_247 = tpu.vector_load %arg8[%parallel_loop3A_244, %parallel_loop3A_245, %parallel_loop3A_246] {strides = array<i32>} : memref<2x64x128xf32, #tpu.memory_space<vmem>>, vector<16xf32>,
        tpu.vector_store %arg8[%parallel_loop3A_244, %parallel_loop3A_245, %parallel_loop3A_246], %parallel_loop3A_242 {strides = array<i32>} : memref<2x64x128xf32, #tpu.memory_space<vmem>>, vector<16xf32>,
        %parallel_loop3A_248 = arith.constant 64 : i32
        %parallel_loop3A_249 = arith.addi %parallel_loop3A_207, %parallel_loop3A_248 : i32
        %parallel_loop3A_250 = vector.broadcast %parallel_loop3A_249 : i32 to vector<16xi32>
        %parallel_loop3A_251 = arith.addi %iota3A, %parallel_loop3A_250 : vector<16xi32>
        %parallel_loop3A_252 = tpu.vector_load_idx %arg10[%parallel_loop3A_251] : memref<8272xf32, #tpu.memory_space<vmem>>[vector<16xi32>], vector<16xf32>,
        %parallel_loop3A_253 = arith.constant 0 : i32
        %parallel_loop3A_254 = arith.index_cast %parallel_loop3A_253 : i32 to index
        %parallel_loop3A_255 = arith.index_cast %parallel_loop3A_205 : i32 to index
        %parallel_loop3A_256 = arith.constant 64 : index
        %parallel_loop3A_257 = tpu.vector_load %arg8[%parallel_loop3A_254, %parallel_loop3A_255, %parallel_loop3A_256] {strides = array<i32>} : memref<2x64x128xf32, #tpu.memory_space<vmem>>, vector<16xf32>,
        tpu.vector_store %arg8[%parallel_loop3A_254, %parallel_loop3A_255, %parallel_loop3A_256], %parallel_loop3A_252 {strides = array<i32>} : memref<2x64x128xf32, #tpu.memory_space<vmem>>, vector<16xf32>,
        %parallel_loop3A_258 = arith.constant 80 : i32
        %parallel_loop3A_259 = arith.addi %parallel_loop3A_207, %parallel_loop3A_258 : i32
        %parallel_loop3A_260 = vector.broadcast %parallel_loop3A_259 : i32 to vector<16xi32>
        %parallel_loop3A_261 = arith.addi %iota3A, %parallel_loop3A_260 : vector<16xi32>
        %parallel_loop3A_262 = tpu.vector_load_idx %arg10[%parallel_loop3A_261] : memref<8272xf32, #tpu.memory_space<vmem>>[vector<16xi32>], vector<16xf32>,
        %parallel_loop3A_263 = arith.constant 0 : i32
        %parallel_loop3A_264 = arith.index_cast %parallel_loop3A_263 : i32 to index
        %parallel_loop3A_265 = arith.index_cast %parallel_loop3A_205 : i32 to index
        %parallel_loop3A_266 = arith.constant 80 : index
        %parallel_loop3A_267 = tpu.vector_load %arg8[%parallel_loop3A_264, %parallel_loop3A_265, %parallel_loop3A_266] {strides = array<i32>} : memref<2x64x128xf32, #tpu.memory_space<vmem>>, vector<16xf32>,
        tpu.vector_store %arg8[%parallel_loop3A_264, %parallel_loop3A_265, %parallel_loop3A_266], %parallel_loop3A_262 {strides = array<i32>} : memref<2x64x128xf32, #tpu.memory_space<vmem>>, vector<16xf32>,
        %parallel_loop3A_268 = arith.constant 96 : i32
        %parallel_loop3A_269 = arith.addi %parallel_loop3A_207, %parallel_loop3A_268 : i32
        %parallel_loop3A_270 = vector.broadcast %parallel_loop3A_269 : i32 to vector<16xi32>
        %parallel_loop3A_271 = arith.addi %iota3A, %parallel_loop3A_270 : vector<16xi32>
        %parallel_loop3A_272 = tpu.vector_load_idx %arg10[%parallel_loop3A_271] : memref<8272xf32, #tpu.memory_space<vmem>>[vector<16xi32>], vector<16xf32>,
        %parallel_loop3A_273 = arith.constant 0 : i32
        %parallel_loop3A_274 = arith.index_cast %parallel_loop3A_273 : i32 to index
        %parallel_loop3A_275 = arith.index_cast %parallel_loop3A_205 : i32 to index
        %parallel_loop3A_276 = arith.constant 96 : index
        %parallel_loop3A_277 = tpu.vector_load %arg8[%parallel_loop3A_274, %parallel_loop3A_275, %parallel_loop3A_276] {strides = array<i32>} : memref<2x64x128xf32, #tpu.memory_space<vmem>>, vector<16xf32>,
        tpu.vector_store %arg8[%parallel_loop3A_274, %parallel_loop3A_275, %parallel_loop3A_276], %parallel_loop3A_272 {strides = array<i32>} : memref<2x64x128xf32, #tpu.memory_space<vmem>>, vector<16xf32>,
        %parallel_loop3A_278 = arith.constant 112 : i32
        %parallel_loop3A_279 = arith.addi %parallel_loop3A_207, %parallel_loop3A_278 : i32
        %parallel_loop3A_280 = vector.broadcast %parallel_loop3A_279 : i32 to vector<16xi32>
        %parallel_loop3A_281 = arith.addi %iota3A, %parallel_loop3A_280 : vector<16xi32>
        %parallel_loop3A_282 = tpu.vector_load_idx %arg10[%parallel_loop3A_281] : memref<8272xf32, #tpu.memory_space<vmem>>[vector<16xi32>], vector<16xf32>,
        %parallel_loop3A_283 = arith.constant 0 : i32
        %parallel_loop3A_284 = arith.index_cast %parallel_loop3A_283 : i32 to index
        %parallel_loop3A_285 = arith.index_cast %parallel_loop3A_205 : i32 to index
        %parallel_loop3A_286 = arith.constant 112 : index
        %parallel_loop3A_287 = tpu.vector_load %arg8[%parallel_loop3A_284, %parallel_loop3A_285, %parallel_loop3A_286] {strides = array<i32>} : memref<2x64x128xf32, #tpu.memory_space<vmem>>, vector<16xf32>,
        tpu.vector_store %arg8[%parallel_loop3A_284, %parallel_loop3A_285, %parallel_loop3A_286], %parallel_loop3A_282 {strides = array<i32>} : memref<2x64x128xf32, #tpu.memory_space<vmem>>, vector<16xf32>,
      } {sc.loop_unroll_factor = 8 : i64, sc.parallel_access}
      %lt3A = arith.constant 99 : i32
      %lt3A_118 = arith.cmpi slt, %add3A_80, %lt3A : i32
      %convert_element_type3A_119 = arith.extui %lt3A_118 : i1 to i32
      %cond3A_120 = arith.constant 0 : i32
      %cond3A_121 = arith.cmpi ne, %convert_element_type3A_119, %cond3A_120 : i32
      scf.if %cond3A_121 {
        %add3A_205 = arith.constant 2 : i32
        %add3A_206 = arith.addi %add3A_84, %add3A_205 : i32
        %dma_start3A_207 = arith.constant 0 : i32
        %dma_start3A_208 = arith.constant 0 : i32
        %dma_start3A_209 = arith.constant 0 : i32
        %dma_start3A_210 = arith.constant 0 : i32
        %dma_start3A_211 = tpu.memref_slice %arg7[%dma_start3A_207, %dma_start3A_209, %dma_start3A_210] : memref<2x128x128xf32, #tpu.memory_space<vmem>> -> memref<1x128x128xf32, #tpu.memory_space<vmem>>
        %dma_start3A_212 = tpu.memref_squeeze %dma_start3A_211 : memref<1x128x128xf32, #tpu.memory_space<vmem>> -> memref<128x128xf32, #tpu.memory_space<vmem>>
        %dma_start3A_213 = arith.constant 0 : i32
        %dma_start3A_214 = tpu.memref_slice %arg6[%add3A_206, %dma_start3A_213] : memref<200x128xi32, #tpu.memory_space<vmem>> -> memref<1x128xi32, #tpu.memory_space<vmem>>
        %dma_start3A_215 = tpu.memref_squeeze %dma_start3A_214 : memref<1x128xi32, #tpu.memory_space<vmem>> -> memref<128xi32, #tpu.memory_space<vmem>>
        %dma_start3A_216 = arith.constant 0 : i32
        %dma_start3A_217 = arith.constant 0 : i32
        %dma_start3A_218 = tpu.memref_slice %arg2[%dma_start3A_216, %dma_start3A_217] : memref<100000x128xf32, #tpu.memory_space<hbm>> -> memref<100000x128xf32, #tpu.memory_space<hbm>>
        %dma_start3A_219 = tpu.memref_slice %arg11[%dma_start3A_208] : memref<2x!tpu.dma_semaphore, #tpu.memory_space<semaphore_mem>> -> memref<1x!tpu.dma_semaphore, #tpu.memory_space<semaphore_mem>>
        %dma_start3A_220 = tpu.memref_squeeze %dma_start3A_219 : memref<1x!tpu.dma_semaphore, #tpu.memory_space<semaphore_mem>> -> memref<!tpu.dma_semaphore, #tpu.memory_space<semaphore_mem>>
        tpu.enqueue_indirect_dma source(%dma_start3A_218 : memref<100000x128xf32, #tpu.memory_space<hbm>>) target(%dma_start3A_212 : memref<128x128xf32, #tpu.memory_space<vmem>>) offsets(%dma_start3A_215 : memref<128xi32, #tpu.memory_space<vmem>>) semaphore(%dma_start3A_220 : memref<!tpu.dma_semaphore, #tpu.memory_space<semaphore_mem>>)
      } else {
      }
      %dma_start3A_122 = arith.constant 0 : i32
      %dma_start3A_123 = arith.constant 0 : i32
      %dma_start3A_124 = arith.constant 0 : i32
      %dma_start3A_125 = arith.constant 0 : i32
      %dma_start3A_126 = tpu.memref_slice %arg8[%dma_start3A_122, %dma_start3A_124, %dma_start3A_125] : memref<2x64x128xf32, #tpu.memory_space<vmem>> -> memref<1x64x128xf32, #tpu.memory_space<vmem>>
      %dma_start3A_127 = tpu.memref_squeeze %dma_start3A_126 : memref<1x64x128xf32, #tpu.memory_space<vmem>> -> memref<64x128xf32, #tpu.memory_space<vmem>>
      %dma_start3A_128 = arith.constant 0 : i32
      %dma_start3A_129 = tpu.memref_slice %arg5[%add3A_84, %dma_start3A_128, %mul3A_2] : memref<200x64x4096xf32, #tpu.memory_space<hbm>> -> memref<1x64x128xf32, #tpu.memory_space<hbm>>
      %dma_start3A_130 = tpu.memref_squeeze %dma_start3A_129 : memref<1x64x128xf32, #tpu.memory_space<hbm>> -> memref<64x128xf32, #tpu.memory_space<hbm>>
      %dma_start3A_131 = tpu.memref_slice %arg12[%dma_start3A_123] : memref<2x!tpu.dma_semaphore, #tpu.memory_space<semaphore_mem>> -> memref<1x!tpu.dma_semaphore, #tpu.memory_space<semaphore_mem>>
      %dma_start3A_132 = tpu.memref_squeeze %dma_start3A_131 : memref<1x!tpu.dma_semaphore, #tpu.memory_space<semaphore_mem>> -> memref<!tpu.dma_semaphore, #tpu.memory_space<semaphore_mem>>
      %dma_start3A_133 = arith.constant 0 : i32
      %dma_start3A_134 = tpu.memref_slice %arg5[%add3A_84, %dma_start3A_133, %mul3A_2] : memref<200x64x4096xf32, #tpu.memory_space<hbm>> -> memref<1x64x128xf32, #tpu.memory_space<hbm>>
      %dma_start3A_135 = tpu.memref_squeeze %dma_start3A_134 : memref<1x64x128xf32, #tpu.memory_space<hbm>> -> memref<64x128xf32, #tpu.memory_space<hbm>>
      %dma_start3A_136 = arith.constant 0 : i32
      %dma_start3A_137 = arith.constant 0 : i32
      %dma_start3A_138 = tpu.memref_slice %arg8[%dma_start3A_122, %dma_start3A_136, %dma_start3A_137] : memref<2x64x128xf32, #tpu.memory_space<vmem>> -> memref<1x64x128xf32, #tpu.memory_space<vmem>>
      %dma_start3A_139 = tpu.memref_squeeze %dma_start3A_138 : memref<1x64x128xf32, #tpu.memory_space<vmem>> -> memref<64x128xf32, #tpu.memory_space<vmem>>
      tpu.enqueue_dma source(%dma_start3A_139 : memref<64x128xf32, #tpu.memory_space<vmem>>) target(%dma_start3A_135 : memref<64x128xf32, #tpu.memory_space<hbm>>) target_semaphore(%dma_start3A_132 : memref<!tpu.dma_semaphore, #tpu.memory_space<semaphore_mem>>)
      %mul3A_140 = arith.constant 2 : i32
      %mul3A_141 = arith.muli %add3A_80, %mul3A_140 : i32
      %add3A_142 = arith.constant 1 : i32
      %add3A_143 = arith.addi %mul3A_141, %add3A_142 : i32
      %dma_wait3A_144 = arith.constant 0 : i32
      %dma_wait3A_145 = arith.constant 1 : i32
      %dma_wait3A_146 = arith.constant 1 : i32
      %dma_wait3A_147 = arith.constant 0 : i32
      %dma_wait3A_148 = arith.constant 0 : i32
      %dma_wait3A_149 = tpu.memref_slice %arg7[%dma_wait3A_145, %dma_wait3A_147, %dma_wait3A_148] : memref<2x128x128xf32, #tpu.memory_space<vmem>> -> memref<1x128x128xf32, #tpu.memory_space<vmem>>
      %dma_wait3A_150 = tpu.memref_squeeze %dma_wait3A_149 : memref<1x128x128xf32, #tpu.memory_space<vmem>> -> memref<128x128xf32, #tpu.memory_space<vmem>>
      %dma_wait3A_151 = arith.constant 0 : i32
      %dma_wait3A_152 = tpu.memref_slice %arg6[%dma_wait3A_144, %dma_wait3A_151] : memref<200x128xi32, #tpu.memory_space<vmem>> -> memref<1x128xi32, #tpu.memory_space<vmem>>
      %dma_wait3A_153 = tpu.memref_squeeze %dma_wait3A_152 : memref<1x128xi32, #tpu.memory_space<vmem>> -> memref<128xi32, #tpu.memory_space<vmem>>
      %dma_wait3A_154 = arith.constant 0 : i32
      %dma_wait3A_155 = arith.constant 0 : i32
      %dma_wait3A_156 = tpu.memref_slice %arg2[%dma_wait3A_154, %dma_wait3A_155] : memref<100000x128xf32, #tpu.memory_space<hbm>> -> memref<100000x128xf32, #tpu.memory_space<hbm>>
      %dma_wait3A_157 = tpu.memref_slice %arg11[%dma_wait3A_146] : memref<2x!tpu.dma_semaphore, #tpu.memory_space<semaphore_mem>> -> memref<1x!tpu.dma_semaphore, #tpu.memory_space<semaphore_mem>>
      %dma_wait3A_158 = tpu.memref_squeeze %dma_wait3A_157 : memref<1x!tpu.dma_semaphore, #tpu.memory_space<semaphore_mem>> -> memref<!tpu.dma_semaphore, #tpu.memory_space<semaphore_mem>>
      tpu.wait_indirect_dma semaphore(%dma_wait3A_158 : memref<!tpu.dma_semaphore, #tpu.memory_space<semaphore_mem>>) src(%dma_wait3A_156 : memref<100000x128xf32, #tpu.memory_space<hbm>>) dst(%dma_wait3A_150 : memref<128x128xf32, #tpu.memory_space<vmem>>)
      %ge3A_159 = arith.constant 1 : i32
      %ge3A_160 = arith.cmpi sge, %add3A_80, %ge3A_159 : i32
      %convert_element_type3A_161 = arith.extui %ge3A_160 : i1 to i32
      %cond3A_162 = arith.constant 0 : i32
      %cond3A_163 = arith.cmpi ne, %convert_element_type3A_161, %cond3A_162 : i32
      scf.if %cond3A_163 {
        %dma_wait3A_205 = arith.constant 1 : i32
        %dma_wait3A_206 = arith.constant 0 : i32
        %dma_wait3A_207 = arith.constant 1 : i32
        %dma_wait3A_208 = arith.constant 0 : i32
        %dma_wait3A_209 = arith.constant 0 : i32
        %dma_wait3A_210 = tpu.memref_slice %arg8[%dma_wait3A_205, %dma_wait3A_208, %dma_wait3A_209] : memref<2x64x128xf32, #tpu.memory_space<vmem>> -> memref<1x64x128xf32, #tpu.memory_space<vmem>>
        %dma_wait3A_211 = tpu.memref_squeeze %dma_wait3A_210 : memref<1x64x128xf32, #tpu.memory_space<vmem>> -> memref<64x128xf32, #tpu.memory_space<vmem>>
        %dma_wait3A_212 = arith.constant 0 : i32
        %dma_wait3A_213 = tpu.memref_slice %arg5[%dma_wait3A_206, %dma_wait3A_212, %mul3A_2] : memref<200x64x4096xf32, #tpu.memory_space<hbm>> -> memref<1x64x128xf32, #tpu.memory_space<hbm>>
        %dma_wait3A_214 = tpu.memref_squeeze %dma_wait3A_213 : memref<1x64x128xf32, #tpu.memory_space<hbm>> -> memref<64x128xf32, #tpu.memory_space<hbm>>
        %dma_wait3A_215 = tpu.memref_slice %arg12[%dma_wait3A_207] : memref<2x!tpu.dma_semaphore, #tpu.memory_space<semaphore_mem>> -> memref<1x!tpu.dma_semaphore, #tpu.memory_space<semaphore_mem>>
        %dma_wait3A_216 = tpu.memref_squeeze %dma_wait3A_215 : memref<1x!tpu.dma_semaphore, #tpu.memory_space<semaphore_mem>> -> memref<!tpu.dma_semaphore, #tpu.memory_space<semaphore_mem>>
        %dma_wait3A_217 = arith.constant 0 : i32
        %dma_wait3A_218 = tpu.memref_slice %arg5[%dma_wait3A_206, %dma_wait3A_217, %mul3A_2] : memref<200x64x4096xf32, #tpu.memory_space<hbm>> -> memref<1x64x128xf32, #tpu.memory_space<hbm>>
        %dma_wait3A_219 = tpu.memref_squeeze %dma_wait3A_218 : memref<1x64x128xf32, #tpu.memory_space<hbm>> -> memref<64x128xf32, #tpu.memory_space<hbm>>
        %dma_wait3A_220 = arith.constant 0 : i32
        %dma_wait3A_221 = arith.constant 0 : i32
        %dma_wait3A_222 = tpu.memref_slice %arg8[%dma_wait3A_205, %dma_wait3A_220, %dma_wait3A_221] : memref<2x64x128xf32, #tpu.memory_space<vmem>> -> memref<1x64x128xf32, #tpu.memory_space<vmem>>
        %dma_wait3A_223 = tpu.memref_squeeze %dma_wait3A_222 : memref<1x64x128xf32, #tpu.memory_space<vmem>> -> memref<64x128xf32, #tpu.memory_space<vmem>>
        tpu.wait_dma2 semaphore(%dma_wait3A_216 : memref<!tpu.dma_semaphore, #tpu.memory_space<semaphore_mem>>) src(%dma_wait3A_223 : memref<64x128xf32, #tpu.memory_space<vmem>>) dst(%dma_wait3A_219 : memref<64x128xf32, #tpu.memory_space<hbm>>)
      } else {
      }
      %get3A_164 = arith.index_cast %add3A_143 : i32 to index
      %get3A_165 = arith.constant 0 : index
      %get3A_166 = tpu.vector_load %arg9[%get3A_164, %get3A_165] {strides = array<i32>} : memref<200x128xf32, #tpu.memory_space<vmem>>, vector<16xf32>,
      %get3A_167 = arith.index_cast %add3A_143 : i32 to index
      %get3A_168 = arith.constant 16 : index
      %get3A_169 = tpu.vector_load %arg9[%get3A_167, %get3A_168] {strides = array<i32>} : memref<200x128xf32, #tpu.memory_space<vmem>>, vector<16xf32>,
      %get3A_170 = arith.index_cast %add3A_143 : i32 to index
      %get3A_171 = arith.constant 32 : index
      %get3A_172 = tpu.vector_load %arg9[%get3A_170, %get3A_171] {strides = array<i32>} : memref<200x128xf32, #tpu.memory_space<vmem>>, vector<16xf32>,
      %get3A_173 = arith.index_cast %add3A_143 : i32 to index
      %get3A_174 = arith.constant 48 : index
      %get3A_175 = tpu.vector_load %arg9[%get3A_173, %get3A_174] {strides = array<i32>} : memref<200x128xf32, #tpu.memory_space<vmem>>, vector<16xf32>,
      %parallel_loop3A_176 = arith.constant 0 : i32
      %parallel_loop3A_177 = arith.constant 128 : i32
      %parallel_loop3A_178 = arith.constant 1 : i32
      scf.for %parallel_loop3A_205 = %parallel_loop3A_176 to %parallel_loop3A_177 step %parallel_loop3A_178  : i32 {
        %parallel_loop3A_206 = arith.constant 1 : i32
        %parallel_loop3A_207 = arith.index_cast %parallel_loop3A_206 : i32 to index
        %parallel_loop3A_208 = arith.index_cast %parallel_loop3A_205 : i32 to index
        %parallel_loop3A_209 = arith.constant 0 : index
        %parallel_loop3A_210 = tpu.vector_load %arg7[%parallel_loop3A_207, %parallel_loop3A_208, %parallel_loop3A_209] {strides = array<i32>} : memref<2x128x128xf32, #tpu.memory_space<vmem>>, vector<16xf32>,
        %parallel_loop3A_211 = arith.constant 0 : i32
        %parallel_loop3A_212 = arith.addi %parallel_loop3A_205, %parallel_loop3A_211 : i32
        %parallel_loop3A_213 = vector.broadcast %parallel_loop3A_212 : i32 to vector<16xi32>
        %parallel_loop3A_214 = arith.addi %mul3A_5, %parallel_loop3A_213 : vector<16xi32>
        %parallel_loop3A_215 = arith.addf %parallel_loop3A_210, %get3A_166 : vector<16xf32>
        tpu.vector_store_idx %arg10[%parallel_loop3A_214], %parallel_loop3A_215 : memref<8272xf32, #tpu.memory_space<vmem>>[vector<16xi32>], vector<16xf32>,
        %parallel_loop3A_216 = arith.constant 1 : i32
        %parallel_loop3A_217 = arith.index_cast %parallel_loop3A_216 : i32 to index
        %parallel_loop3A_218 = arith.index_cast %parallel_loop3A_205 : i32 to index
        %parallel_loop3A_219 = arith.constant 16 : index
        %parallel_loop3A_220 = tpu.vector_load %arg7[%parallel_loop3A_217, %parallel_loop3A_218, %parallel_loop3A_219] {strides = array<i32>} : memref<2x128x128xf32, #tpu.memory_space<vmem>>, vector<16xf32>,
        %parallel_loop3A_221 = arith.constant 2064 : i32
        %parallel_loop3A_222 = arith.addi %parallel_loop3A_205, %parallel_loop3A_221 : i32
        %parallel_loop3A_223 = vector.broadcast %parallel_loop3A_222 : i32 to vector<16xi32>
        %parallel_loop3A_224 = arith.addi %mul3A_5, %parallel_loop3A_223 : vector<16xi32>
        %parallel_loop3A_225 = arith.addf %parallel_loop3A_220, %get3A_169 : vector<16xf32>
        tpu.vector_store_idx %arg10[%parallel_loop3A_224], %parallel_loop3A_225 : memref<8272xf32, #tpu.memory_space<vmem>>[vector<16xi32>], vector<16xf32>,
        %parallel_loop3A_226 = arith.constant 1 : i32
        %parallel_loop3A_227 = arith.index_cast %parallel_loop3A_226 : i32 to index
        %parallel_loop3A_228 = arith.index_cast %parallel_loop3A_205 : i32 to index
        %parallel_loop3A_229 = arith.constant 32 : index
        %parallel_loop3A_230 = tpu.vector_load %arg7[%parallel_loop3A_227, %parallel_loop3A_228, %parallel_loop3A_229] {strides = array<i32>} : memref<2x128x128xf32, #tpu.memory_space<vmem>>, vector<16xf32>,
        %parallel_loop3A_231 = arith.constant 4128 : i32
        %parallel_loop3A_232 = arith.addi %parallel_loop3A_205, %parallel_loop3A_231 : i32
        %parallel_loop3A_233 = vector.broadcast %parallel_loop3A_232 : i32 to vector<16xi32>
        %parallel_loop3A_234 = arith.addi %mul3A_5, %parallel_loop3A_233 : vector<16xi32>
        %parallel_loop3A_235 = arith.addf %parallel_loop3A_230, %get3A_172 : vector<16xf32>
        tpu.vector_store_idx %arg10[%parallel_loop3A_234], %parallel_loop3A_235 : memref<8272xf32, #tpu.memory_space<vmem>>[vector<16xi32>], vector<16xf32>,
        %parallel_loop3A_236 = arith.constant 1 : i32
        %parallel_loop3A_237 = arith.index_cast %parallel_loop3A_236 : i32 to index
        %parallel_loop3A_238 = arith.index_cast %parallel_loop3A_205 : i32 to index
        %parallel_loop3A_239 = arith.constant 48 : index
        %parallel_loop3A_240 = tpu.vector_load %arg7[%parallel_loop3A_237, %parallel_loop3A_238, %parallel_loop3A_239] {strides = array<i32>} : memref<2x128x128xf32, #tpu.memory_space<vmem>>, vector<16xf32>,
        %parallel_loop3A_241 = arith.constant 6192 : i32
        %parallel_loop3A_242 = arith.addi %parallel_loop3A_205, %parallel_loop3A_241 : i32
        %parallel_loop3A_243 = vector.broadcast %parallel_loop3A_242 : i32 to vector<16xi32>
        %parallel_loop3A_244 = arith.addi %mul3A_5, %parallel_loop3A_243 : vector<16xi32>
        %parallel_loop3A_245 = arith.addf %parallel_loop3A_240, %get3A_175 : vector<16xf32>
        tpu.vector_store_idx %arg10[%parallel_loop3A_244], %parallel_loop3A_245 : memref<8272xf32, #tpu.memory_space<vmem>>[vector<16xi32>], vector<16xf32>,
      } {sc.loop_unroll_factor = 8 : i64, sc.parallel_access}
      %parallel_loop3A_179 = arith.constant 0 : i32
      %parallel_loop3A_180 = arith.constant 64 : i32
      %parallel_loop3A_181 = arith.constant 1 : i32
      scf.for %parallel_loop3A_205 = %parallel_loop3A_179 to %parallel_loop3A_180 step %parallel_loop3A_181  : i32 {
        %parallel_loop3A_206 = arith.constant 129 : i32
        %parallel_loop3A_207 = arith.muli %parallel_loop3A_205, %parallel_loop3A_206 : i32
        %parallel_loop3A_208 = arith.constant 0 : i32
        %parallel_loop3A_209 = arith.addi %parallel_loop3A_207, %parallel_loop3A_208 : i32
        %parallel_loop3A_210 = vector.broadcast %parallel_loop3A_209 : i32 to vector<16xi32>
        %parallel_loop3A_211 = arith.addi %iota3A, %parallel_loop3A_210 : vector<16xi32>
        %parallel_loop3A_212 = tpu.vector_load_idx %arg10[%parallel_loop3A_211] : memref<8272xf32, #tpu.memory_space<vmem>>[vector<16xi32>], vector<16xf32>,
        %parallel_loop3A_213 = arith.constant 1 : i32
        %parallel_loop3A_214 = arith.index_cast %parallel_loop3A_213 : i32 to index
        %parallel_loop3A_215 = arith.index_cast %parallel_loop3A_205 : i32 to index
        %parallel_loop3A_216 = arith.constant 0 : index
        %parallel_loop3A_217 = tpu.vector_load %arg8[%parallel_loop3A_214, %parallel_loop3A_215, %parallel_loop3A_216] {strides = array<i32>} : memref<2x64x128xf32, #tpu.memory_space<vmem>>, vector<16xf32>,
        tpu.vector_store %arg8[%parallel_loop3A_214, %parallel_loop3A_215, %parallel_loop3A_216], %parallel_loop3A_212 {strides = array<i32>} : memref<2x64x128xf32, #tpu.memory_space<vmem>>, vector<16xf32>,
        %parallel_loop3A_218 = arith.constant 16 : i32
        %parallel_loop3A_219 = arith.addi %parallel_loop3A_207, %parallel_loop3A_218 : i32
        %parallel_loop3A_220 = vector.broadcast %parallel_loop3A_219 : i32 to vector<16xi32>
        %parallel_loop3A_221 = arith.addi %iota3A, %parallel_loop3A_220 : vector<16xi32>
        %parallel_loop3A_222 = tpu.vector_load_idx %arg10[%parallel_loop3A_221] : memref<8272xf32, #tpu.memory_space<vmem>>[vector<16xi32>], vector<16xf32>,
        %parallel_loop3A_223 = arith.constant 1 : i32
        %parallel_loop3A_224 = arith.index_cast %parallel_loop3A_223 : i32 to index
        %parallel_loop3A_225 = arith.index_cast %parallel_loop3A_205 : i32 to index
        %parallel_loop3A_226 = arith.constant 16 : index
        %parallel_loop3A_227 = tpu.vector_load %arg8[%parallel_loop3A_224, %parallel_loop3A_225, %parallel_loop3A_226] {strides = array<i32>} : memref<2x64x128xf32, #tpu.memory_space<vmem>>, vector<16xf32>,
        tpu.vector_store %arg8[%parallel_loop3A_224, %parallel_loop3A_225, %parallel_loop3A_226], %parallel_loop3A_222 {strides = array<i32>} : memref<2x64x128xf32, #tpu.memory_space<vmem>>, vector<16xf32>,
        %parallel_loop3A_228 = arith.constant 32 : i32
        %parallel_loop3A_229 = arith.addi %parallel_loop3A_207, %parallel_loop3A_228 : i32
        %parallel_loop3A_230 = vector.broadcast %parallel_loop3A_229 : i32 to vector<16xi32>
        %parallel_loop3A_231 = arith.addi %iota3A, %parallel_loop3A_230 : vector<16xi32>
        %parallel_loop3A_232 = tpu.vector_load_idx %arg10[%parallel_loop3A_231] : memref<8272xf32, #tpu.memory_space<vmem>>[vector<16xi32>], vector<16xf32>,
        %parallel_loop3A_233 = arith.constant 1 : i32
        %parallel_loop3A_234 = arith.index_cast %parallel_loop3A_233 : i32 to index
        %parallel_loop3A_235 = arith.index_cast %parallel_loop3A_205 : i32 to index
        %parallel_loop3A_236 = arith.constant 32 : index
        %parallel_loop3A_237 = tpu.vector_load %arg8[%parallel_loop3A_234, %parallel_loop3A_235, %parallel_loop3A_236] {strides = array<i32>} : memref<2x64x128xf32, #tpu.memory_space<vmem>>, vector<16xf32>,
        tpu.vector_store %arg8[%parallel_loop3A_234, %parallel_loop3A_235, %parallel_loop3A_236], %parallel_loop3A_232 {strides = array<i32>} : memref<2x64x128xf32, #tpu.memory_space<vmem>>, vector<16xf32>,
        %parallel_loop3A_238 = arith.constant 48 : i32
        %parallel_loop3A_239 = arith.addi %parallel_loop3A_207, %parallel_loop3A_238 : i32
        %parallel_loop3A_240 = vector.broadcast %parallel_loop3A_239 : i32 to vector<16xi32>
        %parallel_loop3A_241 = arith.addi %iota3A, %parallel_loop3A_240 : vector<16xi32>
        %parallel_loop3A_242 = tpu.vector_load_idx %arg10[%parallel_loop3A_241] : memref<8272xf32, #tpu.memory_space<vmem>>[vector<16xi32>], vector<16xf32>,
        %parallel_loop3A_243 = arith.constant 1 : i32
        %parallel_loop3A_244 = arith.index_cast %parallel_loop3A_243 : i32 to index
        %parallel_loop3A_245 = arith.index_cast %parallel_loop3A_205 : i32 to index
        %parallel_loop3A_246 = arith.constant 48 : index
        %parallel_loop3A_247 = tpu.vector_load %arg8[%parallel_loop3A_244, %parallel_loop3A_245, %parallel_loop3A_246] {strides = array<i32>} : memref<2x64x128xf32, #tpu.memory_space<vmem>>, vector<16xf32>,
        tpu.vector_store %arg8[%parallel_loop3A_244, %parallel_loop3A_245, %parallel_loop3A_246], %parallel_loop3A_242 {strides = array<i32>} : memref<2x64x128xf32, #tpu.memory_space<vmem>>, vector<16xf32>,
        %parallel_loop3A_248 = arith.constant 64 : i32
        %parallel_loop3A_249 = arith.addi %parallel_loop3A_207, %parallel_loop3A_248 : i32
        %parallel_loop3A_250 = vector.broadcast %parallel_loop3A_249 : i32 to vector<16xi32>
        %parallel_loop3A_251 = arith.addi %iota3A, %parallel_loop3A_250 : vector<16xi32>
        %parallel_loop3A_252 = tpu.vector_load_idx %arg10[%parallel_loop3A_251] : memref<8272xf32, #tpu.memory_space<vmem>>[vector<16xi32>], vector<16xf32>,
        %parallel_loop3A_253 = arith.constant 1 : i32
        %parallel_loop3A_254 = arith.index_cast %parallel_loop3A_253 : i32 to index
        %parallel_loop3A_255 = arith.index_cast %parallel_loop3A_205 : i32 to index
        %parallel_loop3A_256 = arith.constant 64 : index
        %parallel_loop3A_257 = tpu.vector_load %arg8[%parallel_loop3A_254, %parallel_loop3A_255, %parallel_loop3A_256] {strides = array<i32>} : memref<2x64x128xf32, #tpu.memory_space<vmem>>, vector<16xf32>,
        tpu.vector_store %arg8[%parallel_loop3A_254, %parallel_loop3A_255, %parallel_loop3A_256], %parallel_loop3A_252 {strides = array<i32>} : memref<2x64x128xf32, #tpu.memory_space<vmem>>, vector<16xf32>,
        %parallel_loop3A_258 = arith.constant 80 : i32
        %parallel_loop3A_259 = arith.addi %parallel_loop3A_207, %parallel_loop3A_258 : i32
        %parallel_loop3A_260 = vector.broadcast %parallel_loop3A_259 : i32 to vector<16xi32>
        %parallel_loop3A_261 = arith.addi %iota3A, %parallel_loop3A_260 : vector<16xi32>
        %parallel_loop3A_262 = tpu.vector_load_idx %arg10[%parallel_loop3A_261] : memref<8272xf32, #tpu.memory_space<vmem>>[vector<16xi32>], vector<16xf32>,
        %parallel_loop3A_263 = arith.constant 1 : i32
        %parallel_loop3A_264 = arith.index_cast %parallel_loop3A_263 : i32 to index
        %parallel_loop3A_265 = arith.index_cast %parallel_loop3A_205 : i32 to index
        %parallel_loop3A_266 = arith.constant 80 : index
        %parallel_loop3A_267 = tpu.vector_load %arg8[%parallel_loop3A_264, %parallel_loop3A_265, %parallel_loop3A_266] {strides = array<i32>} : memref<2x64x128xf32, #tpu.memory_space<vmem>>, vector<16xf32>,
        tpu.vector_store %arg8[%parallel_loop3A_264, %parallel_loop3A_265, %parallel_loop3A_266], %parallel_loop3A_262 {strides = array<i32>} : memref<2x64x128xf32, #tpu.memory_space<vmem>>, vector<16xf32>,
        %parallel_loop3A_268 = arith.constant 96 : i32
        %parallel_loop3A_269 = arith.addi %parallel_loop3A_207, %parallel_loop3A_268 : i32
        %parallel_loop3A_270 = vector.broadcast %parallel_loop3A_269 : i32 to vector<16xi32>
        %parallel_loop3A_271 = arith.addi %iota3A, %parallel_loop3A_270 : vector<16xi32>
        %parallel_loop3A_272 = tpu.vector_load_idx %arg10[%parallel_loop3A_271] : memref<8272xf32, #tpu.memory_space<vmem>>[vector<16xi32>], vector<16xf32>,
        %parallel_loop3A_273 = arith.constant 1 : i32
        %parallel_loop3A_274 = arith.index_cast %parallel_loop3A_273 : i32 to index
        %parallel_loop3A_275 = arith.index_cast %parallel_loop3A_205 : i32 to index
        %parallel_loop3A_276 = arith.constant 96 : index
        %parallel_loop3A_277 = tpu.vector_load %arg8[%parallel_loop3A_274, %parallel_loop3A_275, %parallel_loop3A_276] {strides = array<i32>} : memref<2x64x128xf32, #tpu.memory_space<vmem>>, vector<16xf32>,
        tpu.vector_store %arg8[%parallel_loop3A_274, %parallel_loop3A_275, %parallel_loop3A_276], %parallel_loop3A_272 {strides = array<i32>} : memref<2x64x128xf32, #tpu.memory_space<vmem>>, vector<16xf32>,
        %parallel_loop3A_278 = arith.constant 112 : i32
        %parallel_loop3A_279 = arith.addi %parallel_loop3A_207, %parallel_loop3A_278 : i32
        %parallel_loop3A_280 = vector.broadcast %parallel_loop3A_279 : i32 to vector<16xi32>
        %parallel_loop3A_281 = arith.addi %iota3A, %parallel_loop3A_280 : vector<16xi32>
        %parallel_loop3A_282 = tpu.vector_load_idx %arg10[%parallel_loop3A_281] : memref<8272xf32, #tpu.memory_space<vmem>>[vector<16xi32>], vector<16xf32>,
        %parallel_loop3A_283 = arith.constant 1 : i32
        %parallel_loop3A_284 = arith.index_cast %parallel_loop3A_283 : i32 to index
        %parallel_loop3A_285 = arith.index_cast %parallel_loop3A_205 : i32 to index
        %parallel_loop3A_286 = arith.constant 112 : index
        %parallel_loop3A_287 = tpu.vector_load %arg8[%parallel_loop3A_284, %parallel_loop3A_285, %parallel_loop3A_286] {strides = array<i32>} : memref<2x64x128xf32, #tpu.memory_space<vmem>>, vector<16xf32>,
        tpu.vector_store %arg8[%parallel_loop3A_284, %parallel_loop3A_285, %parallel_loop3A_286], %parallel_loop3A_282 {strides = array<i32>} : memref<2x64x128xf32, #tpu.memory_space<vmem>>, vector<16xf32>,
      } {sc.loop_unroll_factor = 8 : i64, sc.parallel_access}
      %lt3A_182 = arith.constant 99 : i32
      %lt3A_183 = arith.cmpi slt, %add3A_80, %lt3A_182 : i32
      %convert_element_type3A_184 = arith.extui %lt3A_183 : i1 to i32
      %cond3A_185 = arith.constant 0 : i32
      %cond3A_186 = arith.cmpi ne, %convert_element_type3A_184, %cond3A_185 : i32
      scf.if %cond3A_186 {
        %add3A_205 = arith.constant 2 : i32
        %add3A_206 = arith.addi %add3A_143, %add3A_205 : i32
        %dma_start3A_207 = arith.constant 1 : i32
        %dma_start3A_208 = arith.constant 1 : i32
        %dma_start3A_209 = arith.constant 0 : i32
        %dma_start3A_210 = arith.constant 0 : i32
        %dma_start3A_211 = tpu.memref_slice %arg7[%dma_start3A_207, %dma_start3A_209, %dma_start3A_210] : memref<2x128x128xf32, #tpu.memory_space<vmem>> -> memref<1x128x128xf32, #tpu.memory_space<vmem>>
        %dma_start3A_212 = tpu.memref_squeeze %dma_start3A_211 : memref<1x128x128xf32, #tpu.memory_space<vmem>> -> memref<128x128xf32, #tpu.memory_space<vmem>>
        %dma_start3A_213 = arith.constant 0 : i32
        %dma_start3A_214 = tpu.memref_slice %arg6[%add3A_206, %dma_start3A_213] : memref<200x128xi32, #tpu.memory_space<vmem>> -> memref<1x128xi32, #tpu.memory_space<vmem>>
        %dma_start3A_215 = tpu.memref_squeeze %dma_start3A_214 : memref<1x128xi32, #tpu.memory_space<vmem>> -> memref<128xi32, #tpu.memory_space<vmem>>
        %dma_start3A_216 = arith.constant 0 : i32
        %dma_start3A_217 = arith.constant 0 : i32
        %dma_start3A_218 = tpu.memref_slice %arg2[%dma_start3A_216, %dma_start3A_217] : memref<100000x128xf32, #tpu.memory_space<hbm>> -> memref<100000x128xf32, #tpu.memory_space<hbm>>
        %dma_start3A_219 = tpu.memref_slice %arg11[%dma_start3A_208] : memref<2x!tpu.dma_semaphore, #tpu.memory_space<semaphore_mem>> -> memref<1x!tpu.dma_semaphore, #tpu.memory_space<semaphore_mem>>
        %dma_start3A_220 = tpu.memref_squeeze %dma_start3A_219 : memref<1x!tpu.dma_semaphore, #tpu.memory_space<semaphore_mem>> -> memref<!tpu.dma_semaphore, #tpu.memory_space<semaphore_mem>>
        tpu.enqueue_indirect_dma source(%dma_start3A_218 : memref<100000x128xf32, #tpu.memory_space<hbm>>) target(%dma_start3A_212 : memref<128x128xf32, #tpu.memory_space<vmem>>) offsets(%dma_start3A_215 : memref<128xi32, #tpu.memory_space<vmem>>) semaphore(%dma_start3A_220 : memref<!tpu.dma_semaphore, #tpu.memory_space<semaphore_mem>>)
      } else {
      }
      %dma_start3A_187 = arith.constant 1 : i32
      %dma_start3A_188 = arith.constant 1 : i32
      %dma_start3A_189 = arith.constant 0 : i32
      %dma_start3A_190 = arith.constant 0 : i32
      %dma_start3A_191 = tpu.memref_slice %arg8[%dma_start3A_187, %dma_start3A_189, %dma_start3A_190] : memref<2x64x128xf32, #tpu.memory_space<vmem>> -> memref<1x64x128xf32, #tpu.memory_space<vmem>>
      %dma_start3A_192 = tpu.memref_squeeze %dma_start3A_191 : memref<1x64x128xf32, #tpu.memory_space<vmem>> -> memref<64x128xf32, #tpu.memory_space<vmem>>
      %dma_start3A_193 = arith.constant 0 : i32
      %dma_start3A_194 = tpu.memref_slice %arg5[%add3A_143, %dma_start3A_193, %mul3A_2] : memref<200x64x4096xf32, #tpu.memory_space<hbm>> -> memref<1x64x128xf32, #tpu.memory_space<hbm>>
      %dma_start3A_195 = tpu.memref_squeeze %dma_start3A_194 : memref<1x64x128xf32, #tpu.memory_space<hbm>> -> memref<64x128xf32, #tpu.memory_space<hbm>>
      %dma_start3A_196 = tpu.memref_slice %arg12[%dma_start3A_188] : memref<2x!tpu.dma_semaphore, #tpu.memory_space<semaphore_mem>> -> memref<1x!tpu.dma_semaphore, #tpu.memory_space<semaphore_mem>>
      %dma_start3A_197 = tpu.memref_squeeze %dma_start3A_196 : memref<1x!tpu.dma_semaphore, #tpu.memory_space<semaphore_mem>> -> memref<!tpu.dma_semaphore, #tpu.memory_space<semaphore_mem>>
      %dma_start3A_198 = arith.constant 0 : i32
      %dma_start3A_199 = tpu.memref_slice %arg5[%add3A_143, %dma_start3A_198, %mul3A_2] : memref<200x64x4096xf32, #tpu.memory_space<hbm>> -> memref<1x64x128xf32, #tpu.memory_space<hbm>>
      %dma_start3A_200 = tpu.memref_squeeze %dma_start3A_199 : memref<1x64x128xf32, #tpu.memory_space<hbm>> -> memref<64x128xf32, #tpu.memory_space<hbm>>
      %dma_start3A_201 = arith.constant 0 : i32
      %dma_start3A_202 = arith.constant 0 : i32
      %dma_start3A_203 = tpu.memref_slice %arg8[%dma_start3A_187, %dma_start3A_201, %dma_start3A_202] : memref<2x64x128xf32, #tpu.memory_space<vmem>> -> memref<1x64x128xf32, #tpu.memory_space<vmem>>
      %dma_start3A_204 = tpu.memref_squeeze %dma_start3A_203 : memref<1x64x128xf32, #tpu.memory_space<vmem>> -> memref<64x128xf32, #tpu.memory_space<vmem>>
      tpu.enqueue_dma source(%dma_start3A_204 : memref<64x128xf32, #tpu.memory_space<vmem>>) target(%dma_start3A_200 : memref<64x128xf32, #tpu.memory_space<hbm>>) target_semaphore(%dma_start3A_197 : memref<!tpu.dma_semaphore, #tpu.memory_space<semaphore_mem>>)
    }
    %scan3A_38 = arith.constant 100 : i32
    %dma_wait3A = arith.constant 0 : i32
    %dma_wait3A_39 = arith.constant 0 : i32
    %dma_wait3A_40 = arith.constant 0 : i32
    %dma_wait3A_41 = arith.constant 0 : i32
    %dma_wait3A_42 = arith.constant 0 : i32
    %dma_wait3A_43 = tpu.memref_slice %arg8[%dma_wait3A, %dma_wait3A_41, %dma_wait3A_42] : memref<2x64x128xf32, #tpu.memory_space<vmem>> -> memref<1x64x128xf32, #tpu.memory_space<vmem>>
    %dma_wait3A_44 = tpu.memref_squeeze %dma_wait3A_43 : memref<1x64x128xf32, #tpu.memory_space<vmem>> -> memref<64x128xf32, #tpu.memory_space<vmem>>
    %dma_wait3A_45 = arith.constant 0 : i32
    %dma_wait3A_46 = tpu.memref_slice %arg5[%dma_wait3A_39, %dma_wait3A_45, %mul3A_2] : memref<200x64x4096xf32, #tpu.memory_space<hbm>> -> memref<1x64x128xf32, #tpu.memory_space<hbm>>
    %dma_wait3A_47 = tpu.memref_squeeze %dma_wait3A_46 : memref<1x64x128xf32, #tpu.memory_space<hbm>> -> memref<64x128xf32, #tpu.memory_space<hbm>>
    %dma_wait3A_48 = tpu.memref_slice %arg12[%dma_wait3A_40] : memref<2x!tpu.dma_semaphore, #tpu.memory_space<semaphore_mem>> -> memref<1x!tpu.dma_semaphore, #tpu.memory_space<semaphore_mem>>
    %dma_wait3A_49 = tpu.memref_squeeze %dma_wait3A_48 : memref<1x!tpu.dma_semaphore, #tpu.memory_space<semaphore_mem>> -> memref<!tpu.dma_semaphore, #tpu.memory_space<semaphore_mem>>
    %dma_wait3A_50 = arith.constant 0 : i32
    %dma_wait3A_51 = tpu.memref_slice %arg5[%dma_wait3A_39, %dma_wait3A_50, %mul3A_2] : memref<200x64x4096xf32, #tpu.memory_space<hbm>> -> memref<1x64x128xf32, #tpu.memory_space<hbm>>
    %dma_wait3A_52 = tpu.memref_squeeze %dma_wait3A_51 : memref<1x64x128xf32, #tpu.memory_space<hbm>> -> memref<64x128xf32, #tpu.memory_space<hbm>>
    %dma_wait3A_53 = arith.constant 0 : i32
    %dma_wait3A_54 = arith.constant 0 : i32
    %dma_wait3A_55 = tpu.memref_slice %arg8[%dma_wait3A, %dma_wait3A_53, %dma_wait3A_54] : memref<2x64x128xf32, #tpu.memory_space<vmem>> -> memref<1x64x128xf32, #tpu.memory_space<vmem>>
    %dma_wait3A_56 = tpu.memref_squeeze %dma_wait3A_55 : memref<1x64x128xf32, #tpu.memory_space<vmem>> -> memref<64x128xf32, #tpu.memory_space<vmem>>
    tpu.wait_dma2 semaphore(%dma_wait3A_49 : memref<!tpu.dma_semaphore, #tpu.memory_space<semaphore_mem>>) src(%dma_wait3A_56 : memref<64x128xf32, #tpu.memory_space<vmem>>) dst(%dma_wait3A_52 : memref<64x128xf32, #tpu.memory_space<hbm>>)
    %dma_wait3A_57 = arith.constant 1 : i32
    %dma_wait3A_58 = arith.constant 0 : i32
    %dma_wait3A_59 = arith.constant 1 : i32
    %dma_wait3A_60 = arith.constant 0 : i32
    %dma_wait3A_61 = arith.constant 0 : i32
    %dma_wait3A_62 = tpu.memref_slice %arg8[%dma_wait3A_57, %dma_wait3A_60, %dma_wait3A_61] : memref<2x64x128xf32, #tpu.memory_space<vmem>> -> memref<1x64x128xf32, #tpu.memory_space<vmem>>
    %dma_wait3A_63 = tpu.memref_squeeze %dma_wait3A_62 : memref<1x64x128xf32, #tpu.memory_space<vmem>> -> memref<64x128xf32, #tpu.memory_space<vmem>>
    %dma_wait3A_64 = arith.constant 0 : i32
    %dma_wait3A_65 = tpu.memref_slice %arg5[%dma_wait3A_58, %dma_wait3A_64, %mul3A_2] : memref<200x64x4096xf32, #tpu.memory_space<hbm>> -> memref<1x64x128xf32, #tpu.memory_space<hbm>>
    %dma_wait3A_66 = tpu.memref_squeeze %dma_wait3A_65 : memref<1x64x128xf32, #tpu.memory_space<hbm>> -> memref<64x128xf32, #tpu.memory_space<hbm>>
    %dma_wait3A_67 = tpu.memref_slice %arg12[%dma_wait3A_59] : memref<2x!tpu.dma_semaphore, #tpu.memory_space<semaphore_mem>> -> memref<1x!tpu.dma_semaphore, #tpu.memory_space<semaphore_mem>>
    %dma_wait3A_68 = tpu.memref_squeeze %dma_wait3A_67 : memref<1x!tpu.dma_semaphore, #tpu.memory_space<semaphore_mem>> -> memref<!tpu.dma_semaphore, #tpu.memory_space<semaphore_mem>>
    %dma_wait3A_69 = arith.constant 0 : i32
    %dma_wait3A_70 = tpu.memref_slice %arg5[%dma_wait3A_58, %dma_wait3A_69, %mul3A_2] : memref<200x64x4096xf32, #tpu.memory_space<hbm>> -> memref<1x64x128xf32, #tpu.memory_space<hbm>>
    %dma_wait3A_71 = tpu.memref_squeeze %dma_wait3A_70 : memref<1x64x128xf32, #tpu.memory_space<hbm>> -> memref<64x128xf32, #tpu.memory_space<hbm>>
    %dma_wait3A_72 = arith.constant 0 : i32
    %dma_wait3A_73 = arith.constant 0 : i32
    %dma_wait3A_74 = tpu.memref_slice %arg8[%dma_wait3A_57, %dma_wait3A_72, %dma_wait3A_73] : memref<2x64x128xf32, #tpu.memory_space<vmem>> -> memref<1x64x128xf32, #tpu.memory_space<vmem>>
    %dma_wait3A_75 = tpu.memref_squeeze %dma_wait3A_74 : memref<1x64x128xf32, #tpu.memory_space<vmem>> -> memref<64x128xf32, #tpu.memory_space<vmem>>
    tpu.wait_dma2 semaphore(%dma_wait3A_68 : memref<!tpu.dma_semaphore, #tpu.memory_space<semaphore_mem>>) src(%dma_wait3A_75 : memref<64x128xf32, #tpu.memory_space<vmem>>) dst(%dma_wait3A_71 : memref<64x128xf32, #tpu.memory_space<hbm>>)
    return
  }
}

</mosaic_0001>

<sc_bundles>
// kernel: kernel.3.cloned.1.call-start
scs
__scs_entry_jumppad:
0x0: {  	(pc) =	sbr.rel $0x88, $3  }
0x1: {  	(tag) =	ssettag $0x0;
	lr =	simm.s32 $0x1  }
0x2: {  	[smem:$0x3F9E] =	sst lr;
	_ =	strace $0xD0000000  }
0x3: {  	_ = 	snop  }
0x4: {  	_ = 	snop  }
0x5: {  	_ = 	snop  }
0x6: {  	_ = 	snop  }
0x7: {  	_ = 	snop  }
__scs_overlays_trampoline_lowered:
0x8: {  	[smem:$0x3FAD] =	sst s0  }
0x9: {  	[smem:$0x3FAE] =	sst s1  }
0xa: {  	[smem:$0x3FAF] =	sst s2  }
0xb: {  	[smem:$0x3FB0] =	sst s3  }
0xc: {  	[smem:$0x3FB1] =	sst s4  }
0xd: {  	[smem:$0x3FB2] =	sst s5  }
0xe: {  	[smem:$0x3FB3] =	sst s6  }
0xf: {  	[smem:$0x3FB4] =	sst s7  }
0x10: {  	[smem:$0x3FB5] =	sst s8  }
0x11: {  	[smem:$0x3FB6] =	sst s9;
	s0 =	simm.s32 @!p0 $0x0  }
0x12: {  	s1 =	sld [smem:$0x3F9C];
	s0 =	simm.s32 @p0 $0x1  }
0x13: {  	[smem:$0x3FB7] =	sst s0;
	s0 =	simm.s32 @!p1 $0x0  }
0x14: {  	s2 =	sld [smem:$0x3F9B];
	s0 =	simm.s32 @p1 $0x1  }
0x15: {  	[smem:$0x3FB8] =	sst s0;
	s0 =	simm.s32 @!p2 $0x0  }
0x16: {  	s3 =	sld [smem:$0x3FDB];
	s0 =	simm.s32 @p2 $0x1  }
0x17: {  	s4 =	simm.s32 $0x1BF5;
	[smem:$0x3FBA] =	sst s0  }
0x18: {  	s0 =	sld [smem:$0x3F9D];
	_ =	swait.ge [sflag:s4], $0x0  }
0x19: {  	s7 =	sld [smem:$0x3F9E]  }
0x1a: {  	s8 =	sadd.s32 $0xFFFFE003, lr  }
0x1b: {  	s9 =	sadd.s32 $0xFFFFFEF7, lr;
	s5 =	simm.s32 $0xFFFFFFFF;
	p2 =	slt.u32 s8, $0xFFFFF086  }
0x1c: {  	p1 =	slt.u32 s9, $0xF7A;
	s5 =	simm.s32 @!p2 $0x0  }
0x1d: {  	s5 =	simm.s32 @p1 $0x1;
	p0 =	seq.s32 s7, s2  }
0x1e: {  	s7 =	smul.u32 @!p0 $0xF7A, s2;
	p2 =	seq.s32 @!p0 s5, $0x0  }
0x1f: {  	s9 =	smul.u32 $0xF7A, s1;
	s8 =	simm.s32 @!p0 $0x1BF5;
	p2 =	por !p2, p0  }
0x20: {  	[sflag:s8] =	ssyncset.s32 @!p0 $0xFFFFF086;
	s6 =	sadd.s32 @!p0 s3, s7;
	s7 =	simm.s32 @!p0 $0x108  }
0x21: {  	s3 =	sadd.s32 s3, s9;
	s6 =	sadd.s32 @!p0 $0x88, s6;
	s7 =	simm.s32 @p2 $0x1082  }
0x22: {  	[simem:s7], [sflag:s8] =	dma.local @!p0 [hbm:s6], $0xF7A  }
0x23: {  	s9 =	sor.u32 $0xD0000000, s2;
	s6 =	simm.s32 $0x108;
	_ =	swait.ge @!p0 [sflag:s8], $0x0  }
0x24: {  	s3 =	sadd.s32 $0x88, s3;
	s6 =	simm.s32 @!p1 $0x1082;
	[sflag:s4] =	ssyncset.s32 $0xFFFFF086  }
0x25: {  	[simem:s6], [sflag:s4] =	dma.local [hbm:s3], $0xF7A  }
0x26: {  	[smem:$0x3F9E] =	sst s1;
	(tag) =	ssettag s2;
	_ =	strace s9  }
0x27: {  	s1 =	sld [smem:$0x3FAE]  }
0x28: {  	s2 =	sld [smem:$0x3FAF]  }
0x29: {  	s4 =	sld [smem:$0x3FB1]  }
0x2a: {  	p0 =	seq.s32 s5, $0x0;
	s5 =	sld [smem:$0x3FB2]  }
0x2b: {  	s6 =	sld [smem:$0x3FB3]  }
0x2c: {  	s7 =	sld [smem:$0x3FB4]  }
0x2d: {  	s3 =	simm.s32 $0x108;
	s8 =	sld [smem:$0x3FB5]  }
0x2e: {  	s3 =	simm.s32 @!p0 $0x1082;
	s9 =	sld [smem:$0x3FB6]  }
0x2f: {  	lr =	sadd.s32 s0, s3;
	s0 =	sld [smem:$0x3FAD]  }
0x30: {  	s3 =	sld [smem:$0x3FB0]  }
0x31: {  	[smem:$0x3FB9] =	sst s10  }
0x32: {  	s10 =	sld [smem:$0x3FB7];
	_ =	sdelay $0x3  }
0x33: {  	p0 =	seq.s32 s10, $0x1;
	s10 =	sld [smem:$0x3FB9];
	_ =	sdelay $0x3  }
0x34: {  	[smem:$0x3FB9] =	sst s10  }
0x35: {  	s10 =	sld [smem:$0x3FB8];
	_ =	sdelay $0x3  }
0x36: {  	p1 =	seq.s32 s10, $0x1;
	s10 =	sld [smem:$0x3FB9];
	_ =	sdelay $0x3  }
0x37: {  	[smem:$0x3FB9] =	sst s10  }
0x38: {  	s10 =	sld [smem:$0x3FBA]  }
0x39: {  	_ = 	snop;
	(pc) =	sbr.ind lr, $3  }
0x3a: {  	_ = 	snop  }
0x3b: {  	_ = 	snop  }
0x3c: {  	p2 =	seq.s32 s10, $0x1;
	s10 =	sld [smem:$0x3FB9]  }
0x3d: {  	_ =	shalt  }
0x3e: {  	_ =	shalt  }
0x3f: {  	_ =	shalt  }
0x40: {  	_ =	shalt  }
0x41: {  	_ =	shalt  }
0x42: {  	_ =	shalt  }
0x43: {  	_ =	shalt  }
0x44: {  	_ =	shalt  }
0x45: {  	_ =	shalt  }
0x46: {  	_ =	shalt  }
0x47: {  	_ =	shalt  }
0x48: {  	_ =	shalt  }
0x49: {  	_ =	shalt  }
0x4a: {  	_ =	shalt  }
0x4b: {  	_ =	shalt  }
0x4c: {  	_ =	shalt  }
0x4d: {  	_ =	shalt  }
0x4e: {  	_ =	shalt  }
0x4f: {  	_ =	shalt  }
0x50: {  	_ =	shalt  }
0x51: {  	_ =	shalt  }
0x52: {  	_ =	shalt  }
0x53: {  	_ =	shalt  }
0x54: {  	_ =	shalt  }
0x55: {  	_ =	shalt  }
0x56: {  	_ =	shalt  }
0x57: {  	_ =	shalt  }
0x58: {  	_ =	shalt  }
0x59: {  	_ =	shalt  }
0x5a: {  	_ =	shalt  }
0x5b: {  	_ =	shalt  }
0x5c: {  	_ =	shalt  }
0x5d: {  	_ =	shalt  }
0x5e: {  	_ =	shalt  }
0x5f: {  	_ =	shalt  }
0x60: {  	_ =	shalt  }
0x61: {  	_ =	shalt  }
0x62: {  	_ =	shalt  }
0x63: {  	_ =	shalt  }
0x64: {  	_ =	shalt  }
0x65: {  	_ =	shalt  }
0x66: {  	_ =	shalt  }
0x67: {  	_ =	shalt  }
0x68: {  	_ =	shalt  }
0x69: {  	_ =	shalt  }
0x6a: {  	_ =	shalt  }
0x6b: {  	_ =	shalt  }
0x6c: {  	_ =	shalt  }
0x6d: {  	_ =	shalt  }
0x6e: {  	_ =	shalt  }
0x6f: {  	_ =	shalt  }
0x70: {  	_ =	shalt  }
0x71: {  	_ =	shalt  }
0x72: {  	_ =	shalt  }
0x73: {  	_ =	shalt  }
0x74: {  	_ =	shalt  }
0x75: {  	_ =	shalt  }
0x76: {  	_ =	shalt  }
0x77: {  	_ =	shalt  }
0x78: {  	_ =	shalt  }
0x79: {  	_ =	shalt  }
0x7a: {  	_ =	shalt  }
0x7b: {  	_ =	shalt  }
0x7c: {  	_ =	shalt  }
0x7d: {  	_ =	shalt  }
0x7e: {  	_ =	shalt  }
0x7f: {  	_ =	shalt  }
0x80: {  	_ =	shalt  }
0x81: {  	_ =	shalt  }
0x82: {  	_ =	shalt  }
0x83: {  	_ =	shalt  }
0x84: {  	_ =	shalt  }
0x85: {  	_ =	shalt  }
0x86: {  	_ =	shalt  }
0x87: {  	_ =	shalt  }
.Lfunc_end0:
.L_simem_size_0:
called_computation_lowered:
.L_overlay_start_0:
0x88: {  	s2 =	sld [smem:$0x3FD9]  }
0x89: {  	s3 =	sld [smem:$0x3FFE];
	_ =	sdelay $0x1  }
0x8a: {  	s1 =	srdreg.scid  }
0x8b: {  	s0 =	sand.u32 $0x1, s1  }
0x8c: {  	s17 =	sshll.u32 s0, $0xA;
	s2 =	sadd.s32 s3, s2  }
0x8d: {  	s2 =	sadd.s32 s2, s17  }
0x8e: {  	[smem:$0x3FC5] =	sst s2  }
0x8f: {  	_ = 	snop  }
0x90: {  	s2 =	sld [smem:$0x3FC9]  }
0x91: {  	s18 =	sld [smem:$0x3FD0];
	(tm) =	ssettm $0x1  }
0x92: {  	s4 =	sld [smem:$0x3FFB];
	_ =	sdelay $0x3  }
0x93: {  	_ =	strace s4  }
0x94: {  	s4 =	sld [smem:$0x3FFC];
	_ =	sdelay $0x3  }
0x95: {  	_ =	strace s4  }
0x96: {  	s4 =	sld [smem:$0x3FFD];
	_ =	sdelay $0x3  }
0x97: {  	_ =	strace s4  }
0x98: {  	_ =	strace $0x8FFFFFFF  }
0x99: {  	s19 =	sld [smem:$0x3FDB];
	_ =	sdelay $0x1  }
0x9a: {  	s5 =	simm.s32 $_scs_section_size  }
0x9b: {  	s6 =	simm.s32 $_size__tile_overlayer_lowered;
	s7 =	simm.s32 $_tile_overlayer_lowered  }
0x9c: {  	s22 =	simm.s32 $0x1BFF;
	s21 =	sshll.u32 s7, $0x1;
	s4 =	sadd.s32 s5, s19  }
0x9d: {  	s8 =	simm.s32 $0x0;
	s20 =	sshll.u32 s6, $0x1;
	s6 =	sadd.s32 s21, s4  }
0x9e: {  	[timem:s8], [sflag:s22] =	dma.local [hbm:s6], s20  }
0x9f: {  	_ =	swait.ge [sflag:s22], s20  }
0xa0: {  	s5 =	ssub.s32 $0x0, s20;
	[sflag:s22] =	ssyncset.done $0x0  }
0xa1: {  	[sflag:s22] =	ssyncadd.s32 s5;
	_ =	sdelay $0x1  }
0xa2: {  	s23 =	simm.s32 $0x1B8B  }
0xa3: {  	_ =	swait.ge [sflag:s23], $0x1  }
0xa4: {  	[sflag:s23] =	ssyncset.done $0x0  }
0xa5: {  	s25 =	simm.s32 $0x1B8E;
	s24 =	sld [smem:$0x3FFE];
	[sflag:s23] =	ssyncadd.s32 $0xFFFFFFFF  }
0xa6: {  	s26 =	simm.s32 $execute0_lowered;
	[smem:$0x3FD2] =	sst s25  }
0xa7: {  	s6 =	sshll.u32 s26, $0x1;
	_ =	strace $0x80000046;
	[dreg:$0x1] =	wrdreg $0xFFFFFFFF  }
0xa8: {  	s28 =	simm.s32 $_size_execute0_lowered;
	s4 =	sadd.s32 s4, s6;
	[dreg:$0x0] =	wrdreg $0x0  }
0xa9: {  	s6 =	sshll.u32 s28, $0x1;
	[dreg:$0x2] =	wrdreg s4  }
0xaa: {  	[dreg:$0x3] =	wrdreg s6  }
0xab: {  	[dreg:$0x4] =	wrdreg $0xC0  }
0xac: {  	_ =	task [dreg:s8], $0x5FFFF  }
0xad: {  	[dreg:$0x1] =	wrdreg $0xFFFFFFFF  }
0xae: {  	[dreg:$0x0] =	wrdreg $0x60  }
0xaf: {  	[dreg:$0x2] =	wrdreg s24  }
0xb0: {  	[dreg:$0x3] =	wrdreg s2  }
0xb1: {  	[dreg:$0x4] =	wrdreg s18  }
0xb2: {  	[dreg:$0x5] =	wrdreg $0x9  }
0xb3: {  	_ =	task.clear_ibuf [dreg:s8], $0x6FFFF;
	_ =	strace $0x90000046  }
0xb4: {  	s29 =	simm.s32 $0x9;
	_ =	strace $0x80000048  }
0xb5: {  	_ =	swait.ge [sflag:s29], $0x1  }
0xb6: {  	[sflag:s29] =	ssyncadd.s32 $0xFFFFFFFF  }
0xb7: {  	_ =	strace $0x90000048  }
0xb8: {  	_ =	sfence  }
0xb9: {  	s30 =	sld [smem:$0x0];
	_ =	sdelay $0x2  }
0xba: {  	s31 =	sshll.u32 s1, $0xD;
	s1 =	sshrl.u32 s1, $0x2  }
0xbb: {  	s3 =	sand.u32 $0x4000, s31;
	s1 =	sadd.s32 s1, s30  }
0xbc: {  	s0 =	sor.u32 s3, s0;
	s1 =	sshll.u32 s1, $0x11  }
0xbd: {  	s0 =	sor.u32 s1, s0  }
0xbe: {  	s0 =	sadd.s32 $0x8F2B, s0  }
0xbf: {  	[sflag:s0] =	ssyncadd.remote.s32 $0x1  }
0xc0: {  	_ =	sfence.sel $0xFFFF  }
0xc1: {  	[dreg:$0x0] =	wrdreg $0xFFFFFFFF;
	(pc) =	sbr.abs _section_cstart, $3  }
0xc2: {  	[dreg:$0x1] =	wrdreg $0xFFFFFFFF  }
0xc3: {  	_ =	task.clear_ibuf [dreg:s8], $0x2FFFF;
	_ =	strace $0x9FFFFFFF  }
0xc4: {  	(tm) =	ssettm $0x7FFFFFFF  }
0xc5: {  	_ =	shalt  }
tec
execute0_lowered:
.L_overlay_start_1:
0x0: {  	(tag) =	ssettag $0x1  }
0x1: {  	s0 =	rddreg [dreg:$0x0]  }
0x2: {  	s2 =	rddreg [dreg:$0x1]  }
0x3: {  	s1 =	rddreg [dreg:$0x2]  }
0x4: {  	s3 =	simm.s32 $0x0;
	s4 =	srdreg.scid;
	s5 =	stileid.u32  }
0x5: {  	s10 =	simm.s32 $0x5;
	s11 =	simm.s32 $0x400;
	s12 =	simm.s32 $0x8000  }
0x6: {  	s16 =	simm.s32 $0x1;
	s17 =	simm.s32 $0x18800;
	s18 =	simm.s32 $0xE400  }
0x7: {  	s19 =	simm.s32 $0x2;
	s20 =	simm.s32 $0x10400;
	s21 =	simm.s32 $0x3  }
0x8: {  	s22 =	simm.s32 $0x4;
	s23 =	simm.s32 $0x0;
	[smem:$0x7FF] =	sst s3  }
.Ltmp0:
0x9: {  	s4 =	sand.u32 $0x1, s4;
	s5 =	sshll.u32 s5, $0xB;
	(pc) =	sbr.rel .LBB2_1-.Ltmp0, $4  }
0xa: {  	s6 =	ssub.s32 $0x2, s4;
	s4 =	sshll.u32 s4, $0xA;
	_ =	strace $0x80000047  }
0xb: {  	v0 =	vlaneseq.u32;
	s7 =	sshrl.u32 s6, $0x1;
	s4 =	sor.u32 s4, s5;
	s5 =	sadd.s32 $0x1200, s0  }
0xc: {  	v1 =	vmul.u32 $0x81, v0;
	s0 =	sadd.s32 $0x400, s0;
	s8 =	ssub.s32 s6, s7;
	s31 =	sshrl.u32 s4, $0x3  }
0xd: {  	[dreg:$0x4] =	wrdreg s0;
	s7 =	sadd.s32 s2, s31;
	s8 =	smax.u32 s8, $0x1  }
.LBB2_19:
0xe: {  	s23 =	sadd.s32 $0x1, s23  }
0xf: {  	_ =	swait.ge [sflag:s21], $0x2000;
	p0 =	sne.s32 s23, s8  }
.Ltmp1:
0x10: {  	[sflag:s21] =	ssyncset.done $0x0;
	(pc) =	sbr.rel @!p0 .LBB2_20-.Ltmp1, $4  }
0x11: {  	[sflag:s21] =	ssyncadd.s32 $0xFFFFE000  }
0x12: {  	_ =	swait.ge [sflag:s22], $0x2000  }
0x13: {  	[sflag:s22] =	ssyncset.done $0x0  }
0x14: {  	[sflag:s22] =	ssyncadd.s32 $0xFFFFE000  }
.LBB2_1:
0x15: {  	s0 =	rddreg [dreg:$0x4];
	s2 =	simm.s32 $0x12400  }
0x16: {  	[tilespmem:s2], [sflag:$0x5] =	stream.linear.gather [hbm4b:s0+s3], $0x6400, $0x38;
	[tilespmem:$0x1A880] =	vst v63  }
0x17: {  	_ =	swait.ge [sflag:s10], $0x6400  }
0x18: {  	[sflag:s10] =	ssyncset.done $0x0  }
0x19: {  	[sflag:s10] =	ssyncadd.s32 $0xFFFF9C00  }
0x1a: {  	[tilespmem:s3], [sflag:$0x5] =	stream.strided.gather [hbm4b:s7+s11], $0x6400, s12, s11, $0x38;
	[tilespmem:$0x1A880] =	vst v63  }
0x1b: {  	_ =	swait.ge [sflag:s10], $0x6400  }
0x1c: {  	[sflag:s10] =	ssyncset.done $0x0  }
0x1d: {  	s29 =	simm.s32 $0x80;
	s30 =	simm.s32 $0x6400;
	[sflag:s10] =	ssyncadd.s32 $0xFFFF9C00  }
0x1e: {  	[tilespmem:s30], [sflag:$0x1] =	stream.indirect.gather [hbm4b:s5+s29], $0x80, s3, s29, $0xb8;
	[tilespmem:$0x1A880] =	vst v63  }
0x1f: {  	s31 =	simm.s32 $0xA400;
	s24 =	simm.s32 $0x0  }
0x20: {  	[tilespmem:s31], [sflag:$0x2] =	stream.indirect.gather [hbm4b:s5+s29], $0x80, s29, s29, $0xb8;
	[tilespmem:$0x1A880] =	vst v63  }
.LBB2_2:
0x21: {  	_ =	swait.ge [sflag:s16], $0x4000  }
0x22: {  	p0 =	seq.s32 s24, $0x0;
	[sflag:s16] =	ssyncset.done $0x0  }
0x23: {  	s0 =	simm.s32 @!p0 $0x3;
	[sflag:s16] =	ssyncadd.s32 $0xFFFFC000  }
0x24: {  	_ =	swait.ge @!p0 [sflag:s0], $0x2000  }
0x25: {  	s25 =	sshll.u32 s24, $0xA;
	[sflag:s0] =	ssyncset.done @!p0 $0x0  }
0x26: {  	s6 =	sshrl.u32 s25, $0x2;
	[sflag:s0] =	ssyncadd.s32 @!p0 $0xFFFFE000  }
0x27: {  	v5 =	vld [tilespmem:s6+$0x12400]  }
0x28: {  	v4 =	vld [tilespmem:s6+$0x12410]  }
0x29: {  	v3 =	vld [tilespmem:s6+$0x12420]  }
0x2a: {  	s0 =	simm.s32 $0x6600;
	v2 =	vld [tilespmem:s6+$0x12430]  }
0x2b: {  	v6 =	vld [tilespmem:s0+$0x180]  }
0x2c: {  	s2 =	simm.s32 $0x7;
	v7 =	vld [tilespmem:s0+$0xFFFFFE80]  }
0x2d: {  	s9 =	simm.s32 $0x1;
	v9 =	vadd.s32 s2, v1;
	v8 =	vld [tilespmem:s0+$0xFFFFFF00]  }
0x2e: {  	v10 =	vadd.s32 s9, v1;
	s9 =	simm.s32 $0x2;
	v11 =	vld [tilespmem:s0+$0xFFFFFF80]  }
0x2f: {  	s13 =	simm.s32 $0x3;
	v12 =	vadd.s32 s9, v1;
	v13 =	vld [tilespmem:s0+$0x0]  }
0x30: {  	s14 =	simm.s32 $0x4;
	v14 =	vadd.s32 s13, v1;
	v15 =	vld [tilespmem:s0+$0x80];
	v6 =	vadd.f32 v6, v5  }
0x31: {  	s15 =	simm.s32 $0x5;
	v16 =	vadd.s32 s14, v1;
	v17 =	vld [tilespmem:s0+$0x100];
	v7 =	vadd.f32 v7, v5  }
0x32: {  	s26 =	simm.s32 $0x6;
	v19 =	vadd.s32 s15, v1;
	v18 =	vld [tilespmem:s0+$0xFFFFFE00];
	v8 =	vadd.f32 v8, v5;
	[tilespmem:v9+s17+$0x0] =	vst.idx.msk $0xffff, v6  }
0x33: {  	s30 =	simm.s32 $0x0;
	[tilespmem:v10+s17+$0x0] =	vst.idx.msk $0xffff, v7;
	v6 =	vadd.f32 v11, v5;
	v7 =	vadd.s32 s26, v1;
	v9 =	vld [tilespmem:s0+$0x190]  }
0x34: {  	s31 =	simm.s32 $0x817;
	v10 =	vadd.s32 s30, v1;
	[tilespmem:v12+s17+$0x0] =	vst.idx.msk $0xffff, v8;
	v8 =	vadd.f32 v13, v5;
	v11 =	vld [tilespmem:s0+$0xFFFFFE90]  }
0x35: {  	s6 =	simm.s32 $0x811;
	v13 =	vadd.s32 s31, v1;
	v12 =	vld [tilespmem:s0+$0xFFFFFF10];
	[tilespmem:v14+s17+$0x0] =	vst.idx.msk $0xffff, v6;
	v6 =	vadd.f32 v15, v5  }
0x36: {  	s9 =	simm.s32 $0x812;
	v14 =	vadd.s32 s6, v1;
	[tilespmem:v16+s17+$0x0] =	vst.idx.msk $0xffff, v8;
	v8 =	vadd.f32 v17, v5;
	v15 =	vld [tilespmem:s0+$0xFFFFFF90]  }
0x37: {  	s13 =	simm.s32 $0x813;
	v16 =	vadd.f32 v18, v5;
	v17 =	vadd.s32 s9, v1;
	v18 =	vld [tilespmem:s0+$0x10];
	[tilespmem:v19+s17+$0x0] =	vst.idx.msk $0xffff, v6  }
0x38: {  	s14 =	simm.s32 $0x814;
	v6 =	vadd.s32 s13, v1;
	v19 =	vld [tilespmem:s0+$0x90];
	[tilespmem:v7+s17+$0x0] =	vst.idx.msk $0xffff, v8;
	v7 =	vadd.f32 v9, v4  }
0x39: {  	s15 =	simm.s32 $0x815;
	[tilespmem:v10+s17+$0x0] =	vst.idx.msk $0xffff, v16;
	v8 =	vadd.f32 v11, v4;
	v9 =	vadd.s32 s14, v1;
	v10 =	vld [tilespmem:s0+$0x110]  }
0x3a: {  	s26 =	simm.s32 $0x816;
	v16 =	vadd.s32 s15, v1;
	v11 =	vld [tilespmem:s0+$0xFFFFFE10];
	v12 =	vadd.f32 v12, v4;
	[tilespmem:v13+s17+$0x0] =	vst.idx.msk $0xffff, v7  }
0x3b: {  	s30 =	simm.s32 $0x810;
	[tilespmem:v14+s17+$0x0] =	vst.idx.msk $0xffff, v8;
	v7 =	vadd.f32 v15, v4;
	v8 =	vadd.s32 s26, v1;
	v13 =	vld [tilespmem:s0+$0x1A0]  }
0x3c: {  	s31 =	simm.s32 $0x1027;
	v14 =	vadd.s32 s30, v1;
	[tilespmem:v17+s17+$0x0] =	vst.idx.msk $0xffff, v12;
	v12 =	vadd.f32 v18, v4;
	v15 =	vld [tilespmem:s0+$0xFFFFFEA0]  }
0x3d: {  	s6 =	simm.s32 $0x1021;
	v17 =	vld [tilespmem:s0+$0xFFFFFF20];
	[tilespmem:v6+s17+$0x0] =	vst.idx.msk $0xffff, v7;
	v6 =	vadd.f32 v19, v4;
	v7 =	vadd.s32 s31, v1  }
0x3e: {  	s9 =	simm.s32 $0x1022;
	v18 =	vadd.s32 s6, v1;
	v19 =	vld [tilespmem:s0+$0xFFFFFFA0];
	[tilespmem:v9+s17+$0x0] =	vst.idx.msk $0xffff, v12;
	v9 =	vadd.f32 v10, v4  }
0x3f: {  	s13 =	simm.s32 $0x1023;
	v10 =	vadd.f32 v11, v4;
	v11 =	vadd.s32 s9, v1;
	v12 =	vld [tilespmem:s0+$0x20];
	[tilespmem:v16+s17+$0x0] =	vst.idx.msk $0xffff, v6  }
0x40: {  	s14 =	simm.s32 $0x1024;
	v6 =	vadd.s32 s13, v1;
	v16 =	vld [tilespmem:s0+$0xA0];
	[tilespmem:v8+s17+$0x0] =	vst.idx.msk $0xffff, v9;
	v8 =	vadd.f32 v13, v3  }
0x41: {  	s15 =	simm.s32 $0x1025;
	[tilespmem:v14+s17+$0x0] =	vst.idx.msk $0xffff, v10;
	v10 =	vadd.s32 s14, v1;
	v9 =	vadd.f32 v15, v3;
	v13 =	vld [tilespmem:s0+$0x120]  }
0x42: {  	s26 =	simm.s32 $0x1026;
	v14 =	vld [tilespmem:s0+$0xFFFFFE20];
	v15 =	vadd.f32 v17, v3;
	v17 =	vadd.s32 s15, v1;
	[tilespmem:v7+s17+$0x0] =	vst.idx.msk $0xffff, v8  }
0x43: {  	s30 =	simm.s32 $0x1020;
	[tilespmem:v18+s17+$0x0] =	vst.idx.msk $0xffff, v9;
	v7 =	vadd.f32 v19, v3;
	v8 =	vadd.s32 s26, v1;
	v9 =	vld [tilespmem:s0+$0x1B0]  }
0x44: {  	s31 =	simm.s32 $0x1837;
	v18 =	vadd.s32 s30, v1;
	[tilespmem:v11+s17+$0x0] =	vst.idx.msk $0xffff, v15;
	v19 =	vld [tilespmem:s0+$0xFFFFFEB0];
	v11 =	vadd.f32 v12, v3  }
0x45: {  	s6 =	simm.s32 $0x1831;
	v15 =	vadd.s32 s31, v1;
	v12 =	vld [tilespmem:s0+$0xFFFFFF30];
	[tilespmem:v6+s17+$0x0] =	vst.idx.msk $0xffff, v7;
	v6 =	vadd.f32 v16, v3  }
0x46: {  	v20 =	vadd.s32 s6, v1;
	s13 =	simm.s32 $0x1832;
	v21 =	vld [tilespmem:s0+$0xFFFFFFB0];
	[tilespmem:v10+s17+$0x0] =	vst.idx.msk $0xffff, v11;
	v10 =	vadd.f32 v13, v3  }
0x47: {  	s14 =	simm.s32 $0x1833;
	v11 =	vadd.f32 v14, v3;
	v13 =	vadd.s32 s13, v1;
	v7 =	vld [tilespmem:s0+$0x30];
	[tilespmem:v17+s17+$0x0] =	vst.idx.msk $0xffff, v6  }
0x48: {  	s15 =	simm.s32 $0x1834;
	v14 =	vadd.s32 s14, v1;
	v6 =	vld [tilespmem:s0+$0xB0];
	[tilespmem:v8+s17+$0x0] =	vst.idx.msk $0xffff, v10;
	v10 =	vadd.f32 v9, v2  }
0x49: {  	s30 =	simm.s32 $0x1835;
	[tilespmem:v18+s17+$0x0] =	vst.idx.msk $0xffff, v11;
	v11 =	vadd.s32 s15, v1;
	v17 =	vadd.f32 v19, v2;
	v9 =	vld [tilespmem:s0+$0x130]  }
0x4a: {  	s29 =	simm.s32 $0x6A00;
	s28 =	simm.s32 $0x8;
	s31 =	simm.s32 $0x1836;
	v8 =	vld [tilespmem:s0+$0xFFFFFE30];
	v16 =	vadd.f32 v12, v2;
	v12 =	vadd.s32 s30, v1;
	[tilespmem:v15+s17+$0x0] =	vst.idx.msk $0xffff, v10  }
0x4b: {  	s2 =	simm.s32 $0x1830;
	s26 =	sshll.u32 s24, $0x1;
	s0 =	simm.s32 $0x10;
	v10 =	vld [tilespmem:s29+$0x180];
	[tilespmem:v20+s17+$0x0] =	vst.idx.msk $0xffff, v17;
	v17 =	vadd.f32 v21, v2;
	v15 =	vadd.s32 s31, v1  }
.LBB2_3:
0x4c: {  	p1 =	slt.u32 s0, $0x78;
	v18 =	vld [tilespmem:s29+$0xFFFFFE80];
	s9 =	sadd.s32 $0x7, s28;
	v19 =	vadd.s32 s2, v1;
	[tilespmem:v13+s17+$0x0] =	vst.idx.msk $0xffff, v16;
	v7 =	vadd.f32 v7, v2  }
0x4d: {  	s2 =	sadd.s32 $0x1, s28;
	v13 =	vld [tilespmem:s29+$0xFFFFFF00];
	v16 =	vadd.s32 s9, v1;
	[tilespmem:v14+s17+$0x0] =	vst.idx.msk $0xffff, v17;
	v6 =	vadd.f32 v6, v2  }
0x4e: {  	v14 =	vadd.s32 s2, v1;
	s2 =	sadd.s32 $0x2, s28;
	v17 =	vld [tilespmem:s29+$0xFFFFFF80];
	[tilespmem:v11+s17+$0x0] =	vst.idx.msk $0xffff, v7;
	v7 =	vadd.f32 v9, v2  }
0x4f: {  	v9 =	vadd.s32 s2, v1;
	s2 =	sadd.s32 $0x3, s28;
	v11 =	vld [tilespmem:s29+$0x0];
	v8 =	vadd.f32 v8, v2;
	[tilespmem:v12+s17+$0x0] =	vst.idx.msk $0xffff, v6  }
0x50: {  	v6 =	vadd.s32 s2, v1;
	s2 =	sadd.s32 $0x4, s28;
	v12 =	vld [tilespmem:s29+$0x80];
	v10 =	vadd.f32 v10, v5;
	[tilespmem:v15+s17+$0x0] =	vst.idx.msk $0xffff, v7  }
0x51: {  	v15 =	vadd.s32 s2, v1;
	s2 =	sadd.s32 $0x5, s28;
	v7 =	vadd.f32 v18, v5;
	v18 =	vld [tilespmem:s29+$0x100];
	[tilespmem:v19+s17+$0x0] =	vst.idx.msk $0xffff, v8  }
0x52: {  	v19 =	vadd.s32 s2, v1;
	s2 =	sadd.s32 $0x6, s28;
	v8 =	vld [tilespmem:s29+$0xFFFFFE00];
	v13 =	vadd.f32 v13, v5;
	[tilespmem:v16+s17+$0x0] =	vst.idx.msk $0xffff, v10  }
0x53: {  	v10 =	vadd.s32 s2, v1;
	[tilespmem:v14+s17+$0x0] =	vst.idx.msk $0xffff, v7;
	v7 =	vadd.f32 v17, v5;
	v14 =	vld [tilespmem:s29+$0x190]  }
0x54: {  	v16 =	vadd.s32 s28, v1;
	s2 =	sadd.s32 $0x817, s28;
	v17 =	vld [tilespmem:s29+$0xFFFFFE90];
	[tilespmem:v9+s17+$0x0] =	vst.idx.msk $0xffff, v13;
	v9 =	vadd.f32 v11, v5  }
0x55: {  	s9 =	sadd.s32 $0x811, s28;
	v11 =	vld [tilespmem:s29+$0xFFFFFF10];
	[tilespmem:v6+s17+$0x0] =	vst.idx.msk $0xffff, v7;
	v6 =	vadd.f32 v12, v5;
	v7 =	vadd.s32 s2, v1  }
0x56: {  	v12 =	vadd.s32 s9, v1;
	s2 =	sadd.s32 $0x812, s28;
	v13 =	vld [tilespmem:s29+$0xFFFFFF90];
	[tilespmem:v15+s17+$0x0] =	vst.idx.msk $0xffff, v9;
	v9 =	vadd.f32 v18, v5  }
0x57: {  	v15 =	vadd.s32 s2, v1;
	s2 =	sadd.s32 $0x813, s28;
	v8 =	vadd.f32 v8, v5;
	v18 =	vld [tilespmem:s29+$0x10];
	[tilespmem:v19+s17+$0x0] =	vst.idx.msk $0xffff, v6  }
0x58: {  	v6 =	vadd.s32 s2, v1;
	s2 =	sadd.s32 $0x814, s28;
	v19 =	vld [tilespmem:s29+$0x90];
	[tilespmem:v10+s17+$0x0] =	vst.idx.msk $0xffff, v9;
	v9 =	vadd.f32 v14, v4  }
0x59: {  	v10 =	vadd.s32 s2, v1;
	s2 =	sadd.s32 $0x815, s28;
	[tilespmem:v16+s17+$0x0] =	vst.idx.msk $0xffff, v8;
	v8 =	vadd.f32 v17, v4;
	v14 =	vld [tilespmem:s29+$0x110]  }
0x5a: {  	v17 =	vadd.s32 s2, v1;
	s2 =	sadd.s32 $0x816, s28;
	v16 =	vld [tilespmem:s29+$0xFFFFFE10];
	v11 =	vadd.f32 v11, v4;
	[tilespmem:v7+s17+$0x0] =	vst.idx.msk $0xffff, v9  }
0x5b: {  	s9 =	sadd.s32 $0x810, s28;
	[tilespmem:v12+s17+$0x0] =	vst.idx.msk $0xffff, v8;
	v7 =	vadd.f32 v13, v4;
	v8 =	vadd.s32 s2, v1;
	v9 =	vld [tilespmem:s29+$0x1A0]  }
0x5c: {  	v12 =	vadd.s32 s9, v1;
	s2 =	sadd.s32 $0x1027, s28;
	v13 =	vld [tilespmem:s29+$0xFFFFFEA0];
	[tilespmem:v15+s17+$0x0] =	vst.idx.msk $0xffff, v11;
	v11 =	vadd.f32 v18, v4  }
0x5d: {  	s9 =	sadd.s32 $0x1021, s28;
	v15 =	vld [tilespmem:s29+$0xFFFFFF20];
	[tilespmem:v6+s17+$0x0] =	vst.idx.msk $0xffff, v7;
	v6 =	vadd.f32 v19, v4;
	v7 =	vadd.s32 s2, v1  }
0x5e: {  	v18 =	vadd.s32 s9, v1;
	s2 =	sadd.s32 $0x1022, s28;
	v19 =	vld [tilespmem:s29+$0xFFFFFFA0];
	[tilespmem:v10+s17+$0x0] =	vst.idx.msk $0xffff, v11;
	v10 =	vadd.f32 v14, v4  }
0x5f: {  	v14 =	vadd.s32 s2, v1;
	s2 =	sadd.s32 $0x1023, s28;
	v11 =	vadd.f32 v16, v4;
	v16 =	vld [tilespmem:s29+$0x20];
	[tilespmem:v17+s17+$0x0] =	vst.idx.msk $0xffff, v6  }
0x60: {  	v6 =	vadd.s32 s2, v1;
	s2 =	sadd.s32 $0x1024, s28;
	v17 =	vld [tilespmem:s29+$0xA0];
	[tilespmem:v8+s17+$0x0] =	vst.idx.msk $0xffff, v10;
	v8 =	vadd.f32 v9, v3  }
0x61: {  	v10 =	vadd.s32 s2, v1;
	s2 =	sadd.s32 $0x1025, s28;
	[tilespmem:v12+s17+$0x0] =	vst.idx.msk $0xffff, v11;
	v9 =	vadd.f32 v13, v3;
	v11 =	vld [tilespmem:s29+$0x120]  }
0x62: {  	v12 =	vld [tilespmem:s29+$0xFFFFFE20];
	v13 =	vadd.f32 v15, v3;
	v15 =	vadd.s32 s2, v1;
	s2 =	sadd.s32 $0x1026, s28;
	[tilespmem:v7+s17+$0x0] =	vst.idx.msk $0xffff, v8  }
0x63: {  	s9 =	sadd.s32 $0x1020, s28;
	[tilespmem:v18+s17+$0x0] =	vst.idx.msk $0xffff, v9;
	v7 =	vadd.f32 v19, v3;
	v8 =	vadd.s32 s2, v1;
	v9 =	vld [tilespmem:s29+$0x1B0]  }
0x64: {  	v18 =	vadd.s32 s9, v1;
	s2 =	sadd.s32 $0x1837, s28;
	v19 =	vld [tilespmem:s29+$0xFFFFFEB0];
	[tilespmem:v14+s17+$0x0] =	vst.idx.msk $0xffff, v13;
	v13 =	vadd.f32 v16, v3  }
0x65: {  	s9 =	sadd.s32 $0x1831, s28;
	v16 =	vld [tilespmem:s29+$0xFFFFFF30];
	[tilespmem:v6+s17+$0x0] =	vst.idx.msk $0xffff, v7;
	v6 =	vadd.f32 v17, v3;
	v17 =	vadd.s32 s2, v1  }
0x66: {  	v20 =	vadd.s32 s9, v1;
	s2 =	sadd.s32 $0x1832, s28;
	v21 =	vld [tilespmem:s29+$0xFFFFFFB0];
	[tilespmem:v10+s17+$0x0] =	vst.idx.msk $0xffff, v13;
	v10 =	vadd.f32 v11, v3  }
.Ltmp2:
0x67: {  	v13 =	vadd.s32 s2, v1;
	s2 =	sadd.s32 $0x1833, s28;
	v11 =	vadd.f32 v12, v3;
	v7 =	vld [tilespmem:s29+$0x30];
	[tilespmem:v15+s17+$0x0] =	vst.idx.msk $0xffff, v6;
	(pc) =	sbr.rel @p1 .LBB2_3-.Ltmp2, $4  }
0x68: {  	v14 =	vadd.s32 s2, v1;
	s2 =	sadd.s32 $0x1834, s28;
	v6 =	vld [tilespmem:s29+$0xB0];
	[tilespmem:v8+s17+$0x0] =	vst.idx.msk $0xffff, v10;
	v10 =	vadd.f32 v9, v2  }
0x69: {  	[tilespmem:v18+s17+$0x0] =	vst.idx.msk $0xffff, v11;
	v15 =	vadd.f32 v19, v2;
	v11 =	vadd.s32 s2, v1;
	s2 =	sadd.s32 $0x1835, s28;
	v9 =	vld [tilespmem:s29+$0x130]  }
0x6a: {  	s9 =	sadd.s32 $0x1836, s28;
	v8 =	vld [tilespmem:s29+$0xFFFFFE30];
	v16 =	vadd.f32 v16, v2;
	v12 =	vadd.s32 s2, v1;
	[tilespmem:v17+s17+$0x0] =	vst.idx.msk $0xffff, v10;
	s29 =	sadd.s32 $0x400, s29  }
0x6b: {  	s2 =	sadd.s32 $0x1830, s28;
	s28 =	smov.u32 s0;
	s0 =	sadd.s32 $0x8, s0;
	v10 =	vld [tilespmem:s29+$0x180];
	[tilespmem:v20+s17+$0x0] =	vst.idx.msk $0xffff, v15;
	v17 =	vadd.f32 v21, v2;
	v15 =	vadd.s32 s9, v1  }
0x6c: {  	_ =	sdelay $0x3  }
0x6d: {  	v18 =	vld [tilespmem:s29+$0xFFFFFE80];
	s0 =	sadd.s32 $0x7, s28;
	v19 =	vadd.s32 s2, v1;
	[tilespmem:v13+s17+$0x0] =	vst.idx.msk $0xffff, v16;
	v7 =	vadd.f32 v7, v2  }
0x6e: {  	s9 =	sadd.s32 $0x1, s28;
	v46 =	vld [tilespmem:s29+$0xFFFFFF00];
	v16 =	vadd.s32 s0, v1;
	[tilespmem:v14+s17+$0x0] =	vst.idx.msk $0xffff, v17;
	v6 =	vadd.f32 v6, v2  }
0x6f: {  	s13 =	sadd.s32 $0x2, s28;
	v47 =	vadd.s32 s9, v1;
	v17 =	vld [tilespmem:s29+$0xFFFFFF80];
	[tilespmem:v11+s17+$0x0] =	vst.idx.msk $0xffff, v7;
	v7 =	vadd.f32 v9, v2  }
0x70: {  	s14 =	sadd.s32 $0x3, s28;
	v9 =	vadd.s32 s13, v1;
	v11 =	vld [tilespmem:s29+$0x0];
	v8 =	vadd.f32 v8, v2;
	[tilespmem:v12+s17+$0x0] =	vst.idx.msk $0xffff, v6  }
0x71: {  	s15 =	sadd.s32 $0x4, s28;
	v48 =	vld [tilespmem:s29+$0x80];
	v6 =	vadd.s32 s14, v1;
	v10 =	vadd.f32 v10, v5;
	[tilespmem:v15+s17+$0x0] =	vst.idx.msk $0xffff, v7  }
0x72: {  	s2 =	sadd.s32 $0x5, s28;
	v15 =	vadd.s32 s15, v1;
	v7 =	vadd.f32 v18, v5;
	v18 =	vld [tilespmem:s29+$0x100];
	[tilespmem:v19+s17+$0x0] =	vst.idx.msk $0xffff, v8  }
0x73: {  	s6 =	sadd.s32 $0x6, s28;
	v8 =	vld [tilespmem:s29+$0xFFFFFE00];
	v13 =	vadd.f32 v46, v5;
	v19 =	vadd.s32 s2, v1;
	[tilespmem:v16+s17+$0x0] =	vst.idx.msk $0xffff, v10  }
0x74: {  	v10 =	vadd.s32 s6, v1;
	[tilespmem:v47+s17+$0x0] =	vst.idx.msk $0xffff, v7;
	v7 =	vadd.f32 v17, v5;
	v49 =	vld [tilespmem:s29+$0x190]  }
0x75: {  	s9 =	sadd.s32 $0x817, s28;
	v16 =	vadd.s32 s28, v1;
	[tilespmem:v9+s17+$0x0] =	vst.idx.msk $0xffff, v13;
	v9 =	vadd.f32 v11, v5;
	v17 =	vld [tilespmem:s29+$0xFFFFFE90]  }
0x76: {  	s13 =	sadd.s32 $0x811, s28;
	v11 =	vld [tilespmem:s29+$0xFFFFFF10];
	[tilespmem:v6+s17+$0x0] =	vst.idx.msk $0xffff, v7;
	v6 =	vadd.f32 v48, v5;
	v7 =	vadd.s32 s9, v1  }
0x77: {  	v50 =	vadd.s32 s13, v1;
	s14 =	sadd.s32 $0x812, s28;
	[tilespmem:v15+s17+$0x0] =	vst.idx.msk $0xffff, v9;
	v51 =	vld [tilespmem:s29+$0xFFFFFF90];
	v9 =	vadd.f32 v18, v5  }
0x78: {  	s15 =	sadd.s32 $0x813, s28;
	v5 =	vadd.f32 v8, v5;
	v8 =	vadd.s32 s14, v1;
	v15 =	vld [tilespmem:s29+$0x10];
	[tilespmem:v19+s17+$0x0] =	vst.idx.msk $0xffff, v6  }
0x79: {  	s2 =	sadd.s32 $0x814, s28;
	v6 =	vadd.s32 s15, v1;
	v18 =	vld [tilespmem:s29+$0x90];
	[tilespmem:v10+s17+$0x0] =	vst.idx.msk $0xffff, v9;
	v9 =	vadd.f32 v49, v4  }
0x7a: {  	s6 =	sadd.s32 $0x815, s28;
	[tilespmem:v16+s17+$0x0] =	vst.idx.msk $0xffff, v5;
	v10 =	vadd.s32 s2, v1;
	v5 =	vadd.f32 v17, v4;
	v52 =	vld [tilespmem:s29+$0x110]  }
0x7b: {  	s9 =	sadd.s32 $0x816, s28;
	v16 =	vld [tilespmem:s29+$0xFFFFFE10];
	v11 =	vadd.f32 v11, v4;
	v17 =	vadd.s32 s6, v1;
	[tilespmem:v7+s17+$0x0] =	vst.idx.msk $0xffff, v9  }
0x7c: {  	s13 =	sadd.s32 $0x810, s28;
	v7 =	vadd.s32 s9, v1;
	[tilespmem:v50+s17+$0x0] =	vst.idx.msk $0xffff, v5;
	v5 =	vadd.f32 v51, v4;
	v9 =	vld [tilespmem:s29+$0x1A0]  }
0x7d: {  	v53 =	vadd.s32 s13, v1;
	s14 =	sadd.s32 $0x1027, s28;
	[tilespmem:v8+s17+$0x0] =	vst.idx.msk $0xffff, v11;
	v8 =	vadd.f32 v15, v4;
	v54 =	vld [tilespmem:s29+$0xFFFFFEA0]  }
0x7e: {  	s15 =	sadd.s32 $0x1021, s28;
	v11 =	vld [tilespmem:s29+$0xFFFFFF20];
	[tilespmem:v6+s17+$0x0] =	vst.idx.msk $0xffff, v5;
	v5 =	vadd.f32 v18, v4;
	v6 =	vadd.s32 s14, v1  }
0x7f: {  	s2 =	sadd.s32 $0x1022, s28;
	v15 =	vadd.s32 s15, v1;
	[tilespmem:v10+s17+$0x0] =	vst.idx.msk $0xffff, v8;
	v18 =	vld [tilespmem:s29+$0xFFFFFFA0];
	v8 =	vadd.f32 v52, v4  }
0x80: {  	s6 =	sadd.s32 $0x1023, s28;
	v10 =	vadd.s32 s2, v1;
	v4 =	vadd.f32 v16, v4;
	v55 =	vld [tilespmem:s29+$0x20];
	[tilespmem:v17+s17+$0x0] =	vst.idx.msk $0xffff, v5  }
0x81: {  	s9 =	sadd.s32 $0x1024, s28;
	v5 =	vadd.s32 s6, v1;
	v16 =	vld [tilespmem:s29+$0xA0];
	[tilespmem:v7+s17+$0x0] =	vst.idx.msk $0xffff, v8;
	v7 =	vadd.f32 v9, v3  }
0x82: {  	s13 =	sadd.s32 $0x1025, s28;
	[tilespmem:v53+s17+$0x0] =	vst.idx.msk $0xffff, v4;
	v8 =	vadd.s32 s9, v1;
	v4 =	vadd.f32 v54, v3;
	v9 =	vld [tilespmem:s29+$0x120]  }
0x83: {  	v56 =	vadd.s32 s13, v1;
	s14 =	sadd.s32 $0x1026, s28;
	v12 =	vld [tilespmem:s29+$0xFFFFFE20];
	v11 =	vadd.f32 v11, v3;
	[tilespmem:v6+s17+$0x0] =	vst.idx.msk $0xffff, v7  }
0x84: {  	s15 =	sadd.s32 $0x1020, s28;
	v6 =	vadd.s32 s14, v1;
	[tilespmem:v15+s17+$0x0] =	vst.idx.msk $0xffff, v4;
	v4 =	vadd.f32 v18, v3;
	v7 =	vld [tilespmem:s29+$0x1B0]  }
0x85: {  	v15 =	vadd.s32 s15, v1;
	[tilespmem:v10+s17+$0x0] =	vst.idx.msk $0xffff, v11;
	v10 =	vadd.f32 v55, v3;
	v17 =	vld [tilespmem:s29+$0xFFFFFEB0]  }
0x86: {  	s6 =	sadd.s32 $0x1837, s28;
	v11 =	vld [tilespmem:s29+$0xFFFFFF30];
	[tilespmem:v5+s17+$0x0] =	vst.idx.msk $0xffff, v4;
	v4 =	vadd.f32 v16, v3  }
0x87: {  	s9 =	sadd.s32 $0x1831, s28;
	v5 =	vadd.s32 s6, v1;
	[tilespmem:v8+s17+$0x0] =	vst.idx.msk $0xffff, v10;
	v16 =	vld [tilespmem:s29+$0xFFFFFFB0];
	v8 =	vadd.f32 v9, v3  }
0x88: {  	s13 =	sadd.s32 $0x1832, s28;
	v57 =	vadd.s32 s9, v1;
	v3 =	vadd.f32 v12, v3;
	v10 =	vld [tilespmem:s29+$0x30];
	[tilespmem:v56+s17+$0x0] =	vst.idx.msk $0xffff, v4  }
0x89: {  	s14 =	sadd.s32 $0x1833, s28;
	v9 =	vadd.s32 s13, v1;
	v58 =	vld [tilespmem:s29+$0xB0];
	[tilespmem:v6+s17+$0x0] =	vst.idx.msk $0xffff, v8  }
0x8a: {  	s15 =	sadd.s32 $0x1834, s28;
	v4 =	vadd.s32 s14, v1;
	v6 =	vadd.f32 v7, v2;
	[tilespmem:v15+s17+$0x0] =	vst.idx.msk $0xffff, v3;
	v8 =	vld [tilespmem:s29+$0x130]  }
0x8b: {  	s2 =	sadd.s32 $0x1835, s28;
	v7 =	vadd.s32 s15, v1;
	v3 =	vadd.f32 v17, v2;
	v59 =	vld [tilespmem:s29+$0xFFFFFE30]  }
0x8c: {  	s9 =	sadd.s32 $0x1830, s28;
	v15 =	vadd.s32 s2, v1;
	v11 =	vadd.f32 v11, v2;
	[tilespmem:v5+s17+$0x0] =	vst.idx.msk $0xffff, v6  }
0x8d: {  	s6 =	sadd.s32 $0x1836, s28;
	v6 =	vadd.s32 s9, v1;
	[tilespmem:v57+s17+$0x0] =	vst.idx.msk $0xffff, v3;
	v3 =	vadd.f32 v16, v2  }
0x8e: {  	s13 =	simm.s32 $0x387;
	v5 =	vadd.s32 s6, v1;
	[tilespmem:v9+s17+$0x0] =	vst.idx.msk $0xffff, v11;
	v9 =	vadd.f32 v10, v2  }
0x8f: {  	[tilespmem:v4+s17+$0x0] =	vst.idx.msk $0xffff, v3;
	v3 =	vadd.f32 v58, v2;
	v4 =	vadd.s32 s13, v0  }
0x90: {  	s15 =	simm.s32 $0x0;
	[tilespmem:v7+s17+$0x0] =	vst.idx.msk $0xffff, v9;
	v7 =	vadd.f32 v8, v2;
	v2 =	vadd.f32 v59, v2  }
0x91: {  	s14 =	simm.s32 $0x183;
	[tilespmem:v15+s17+$0x0] =	vst.idx.msk $0xffff, v3;
	v3 =	vadd.s32 s15, v0  }
0x92: {  	s9 =	simm.s32 $0x204;
	[tilespmem:v6+s17+$0x0] =	vst.idx.msk $0xffff, v2;
	v2 =	vadd.s32 s14, v0  }
0x93: {  	[tilespmem:v5+s17+$0x0] =	vst.idx.msk $0xffff, v7;
	v6 =	vadd.s32 s9, v0  }
0x94: {  	s6 =	simm.s32 $0x397;
	v4 =	vld.idx.msk [tilespmem:v4+s17+$0x0], $0xffff  }
0x95: {  	v5 =	vadd.s32 s6, v0;
	s14 =	simm.s32 $0x102  }
0x96: {  	s13 =	simm.s32 $0x81;
	v8 =	vadd.s32 s14, v0;
	v3 =	vld.idx.msk [tilespmem:v3+s17+$0x0], $0xffff  }
0x97: {  	s15 =	simm.s32 $0x306;
	v7 =	vadd.s32 s13, v0;
	v2 =	vld.idx.msk [tilespmem:v2+s17+$0x0], $0xffff  }
0x98: {  	s28 =	simm.s32 $0xE600;
	v9 =	vadd.s32 s15, v0;
	s13 =	simm.s32 $0x214;
	v6 =	vld.idx.msk [tilespmem:v6+s17+$0x0], $0xffff  }
0x99: {  	s2 =	simm.s32 $0x193;
	v60 =	vadd.s32 s13, v0;
	[tilespmem:s28+$0x180] =	vst v4  }
0x9a: {  	s6 =	simm.s32 $0x3A7;
	v4 =	vadd.s32 s2, v0;
	v5 =	vld.idx.msk [tilespmem:v5+s17+$0x0], $0xffff  }
0x9b: {  	s9 =	simm.s32 $0x10;
	v10 =	vadd.s32 s6, v0;
	v8 =	vld.idx.msk [tilespmem:v8+s17+$0x0], $0xffff;
	[tilespmem:s28+$0xFFFFFE00] =	vst v3  }
0x9c: {  	v11 =	vadd.s32 s9, v0;
	s14 =	simm.s32 $0x112;
	v7 =	vld.idx.msk [tilespmem:v7+s17+$0x0], $0xffff;
	[tilespmem:s28+$0xFFFFFF80] =	vst v2  }
0x9d: {  	s15 =	simm.s32 $0x316;
	v3 =	vadd.s32 s14, v0;
	v2 =	vld.idx.msk [tilespmem:v9+s17+$0x0], $0xffff;
	[tilespmem:s28+$0x0] =	vst v6  }
0x9e: {  	s2 =	simm.s32 $0x91;
	v9 =	vadd.s32 s15, v0;
	v12 =	vld.idx.msk [tilespmem:v60+s17+$0x0], $0xffff  }
0x9f: {  	s13 =	simm.s32 $0x1A3;
	v4 =	vld.idx.msk [tilespmem:v4+s17+$0x0], $0xffff;
	[tilespmem:s28+$0x190] =	vst v5;
	v5 =	vadd.s32 s2, v0  }
0xa0: {  	s6 =	simm.s32 $0x3B7;
	[tilespmem:s28+$0xFFFFFF00] =	vst v8;
	v8 =	vadd.s32 s13, v0;
	v6 =	vld.idx.msk [tilespmem:v10+s17+$0x0], $0xffff  }
0xa1: {  	s9 =	simm.s32 $0x285;
	[tilespmem:s28+$0xFFFFFE80] =	vst v7;
	v7 =	vadd.s32 s6, v0;
	v10 =	vld.idx.msk [tilespmem:v11+s17+$0x0], $0xffff  }
0xa2: {  	v11 =	vadd.s32 s9, v0;
	[tilespmem:s28+$0x100] =	vst v2;
	v2 =	vld.idx.msk [tilespmem:v3+s17+$0x0], $0xffff  }
0xa3: {  	s14 =	simm.s32 $0x122;
	v3 =	vld.idx.msk [tilespmem:v9+s17+$0x0], $0xffff  }
0xa4: {  	s15 =	simm.s32 $0x224;
	[tilespmem:s28+$0xFFFFFF90] =	vst v4;
	v4 =	vadd.s32 s14, v0;
	v5 =	vld.idx.msk [tilespmem:v5+s17+$0x0], $0xffff  }
0xa5: {  	s6 =	simm.s32 $0xA1;
	v9 =	vadd.s32 s15, v0;
	v8 =	vld.idx.msk [tilespmem:v8+s17+$0x0], $0xffff;
	[tilespmem:s28+$0x1A0] =	vst v6  }
0xa6: {  	s9 =	simm.s32 $0x3C7;
	[tilespmem:s28+$0x10] =	vst v12;
	v6 =	vadd.s32 s6, v0;
	v7 =	vld.idx.msk [tilespmem:v7+s17+$0x0], $0xffff  }
0xa7: {  	[tilespmem:s28+$0xFFFFFE10] =	vst v10;
	v10 =	vld.idx.msk [tilespmem:v11+s17+$0x0], $0xffff;
	v11 =	vadd.s32 s9, v0  }
0xa8: {  	s15 =	simm.s32 $0x20;
	[tilespmem:s28+$0xFFFFFF10] =	vst v2  }
0xa9: {  	s13 =	simm.s32 $0x326;
	v61 =	vadd.s32 s15, v0;
	[tilespmem:s28+$0x110] =	vst v3;
	v3 =	vld.idx.msk [tilespmem:v4+s17+$0x0], $0xffff  }
0xaa: {  	s14 =	simm.s32 $0x295;
	v2 =	vadd.s32 s13, v0;
	v4 =	vld.idx.msk [tilespmem:v9+s17+$0x0], $0xffff;
	[tilespmem:s28+$0xFFFFFE90] =	vst v5  }
0xab: {  	s2 =	simm.s32 $0x234;
	v9 =	vadd.s32 s14, v0;
	v62 =	vld.idx.msk [tilespmem:v6+s17+$0x0], $0xffff;
	[tilespmem:s28+$0x1B0] =	vst v7  }
0xac: {  	p2 =	por $0x1, $0x1;
	v63 =	vadd.s32 s2, v0;
	[tilespmem:s28+$0xFFFFFFA0] =	vst v8;
	v15 =	vld.idx.msk [tilespmem:v11+s17+$0x0], $0xffff  }
.Ltmp3:
0xad: {  	[tilespmem:s28+$0x80] =	vst v10;
	(pc) =	sbr.rel @!p2 .LBB2_5-.Ltmp3, $4  }
0xae: {  	s15 =	simm.s32 $0xB1;
	v10 =	vld.idx.msk [tilespmem:v61+s17+$0x0], $0xffff;
	[tilespmem:s28+$0xFFFFFF20] =	vst v3  }
0xaf: {  	v16 =	vadd.s32 s15, v0;
	s6 =	simm.s32 $0x30;
	s9 =	simm.s32 $0x1B3;
	v2 =	vld.idx.msk [tilespmem:v2+s17+$0x0], $0xffff;
	[tilespmem:s28+$0x20] =	vst v4  }
0xb0: {  	s31 =	simm.s32 $0x3F7;
	s13 =	simm.s32 $0x2A5;
	s14 =	simm.s32 $0x3D7;
	v5 =	vadd.s32 s6, v0;
	v6 =	vadd.s32 s9, v0;
	v3 =	vld.idx.msk [tilespmem:v9+s17+$0x0], $0xffff;
	[tilespmem:s28+$0xFFFFFEA0] =	vst v62  }
0xb1: {  	s30 =	simm.s32 $0xEA00;
	p1 =	por $0x0, $0x0;
	s29 =	simm.s32 $0x7FF;
	v7 =	vadd.s32 s14, v0;
	v11 =	vadd.s32 s13, v0;
	v8 =	vld.idx.msk [tilespmem:v63+s17+$0x0], $0xffff;
	[tilespmem:s28+$0x1C0] =	vst v15  }
0xb2: {  	_ =	sdelay $0x2  }
0xb3: {  	s0 =	simm.s32 $0x408  }
0xb4: {  	s2 =	simm.s32 $0x58B;
	v4 =	vld.idx.msk [tilespmem:v7+s17+$0x0], $0xffff;
	v9 =	vadd.s32 s0, v0  }
0xb5: {  	s13 =	simm.s32 $0x78F;
	v12 =	vld.idx.msk [tilespmem:v16+s17+$0x0], $0xffff;
	v7 =	vadd.s32 s2, v0  }
0xb6: {  	s14 =	simm.s32 $0x60C;
	v6 =	vld.idx.msk [tilespmem:v6+s17+$0x0], $0xffff;
	v13 =	vadd.s32 s13, v0;
	[tilespmem:s28+$0xFFFFFE20] =	vst v10  }
0xb7: {  	s15 =	simm.s32 $0x68D;
	v14 =	vadd.s32 s14, v0;
	v5 =	vld.idx.msk [tilespmem:v5+s17+$0x0], $0xffff;
	[tilespmem:s28+$0x90] =	vst v3  }
0xb8: {  	s9 =	simm.s32 $0x489;
	v10 =	vadd.s32 s15, v0;
	v11 =	vld.idx.msk [tilespmem:v11+s17+$0x0], $0xffff  }
0xb9: {  	s6 =	simm.s32 $0x50A;
	v17 =	vadd.s32 s9, v0;
	v9 =	vld.idx.msk [tilespmem:v9+s17+$0x0], $0xffff  }
0xba: {  	s2 =	simm.s32 $0x70E;
	v16 =	vadd.s32 s6, v0;
	v7 =	vld.idx.msk [tilespmem:v7+s17+$0x0], $0xffff  }
0xbb: {  	s13 =	simm.s32 $0x132;
	v15 =	vadd.s32 s2, v0;
	v13 =	vld.idx.msk [tilespmem:v13+s17+$0x0], $0xffff  }
0xbc: {  	s14 =	simm.s32 $0x40;
	v18 =	vadd.s32 s13, v0;
	[tilespmem:s28+$0x120] =	vst v2;
	v14 =	vld.idx.msk [tilespmem:v14+s17+$0x0], $0xffff  }
0xbd: {  	s15 =	simm.s32 $0x59B;
	[tilespmem:s28+$0xFFFFFEB0] =	vst v12;
	v12 =	vadd.s32 s14, v0;
	v10 =	vld.idx.msk [tilespmem:v10+s17+$0x0], $0xffff  }
0xbe: {  	s6 =	simm.s32 $0xC1;
	[tilespmem:s28+$0x30] =	vst v8;
	v8 =	vadd.s32 s15, v0;
	v17 =	vld.idx.msk [tilespmem:v17+s17+$0x0], $0xffff  }
0xbf: {  	s9 =	simm.s32 $0x418;
	[tilespmem:s28+$0xFFFFFE30] =	vst v5;
	v5 =	vld.idx.msk [tilespmem:v16+s17+$0x0], $0xffff;
	v16 =	vadd.s32 s6, v0  }
0xc0: {  	v19 =	vadd.s32 s9, v0;
	v15 =	vld.idx.msk [tilespmem:v15+s17+$0x0], $0xffff;
	s6 =	simm.s32 $0x61C;
	[tilespmem:s30+$0xFFFFFF80] =	vst v7  }
0xc1: {  	s13 =	simm.s32 $0x336;
	v3 =	vadd.s32 s6, v0;
	[tilespmem:s30+$0x180] =	vst v13;
	v7 =	vld.idx.msk [tilespmem:v18+s17+$0x0], $0xffff  }
0xc2: {  	s14 =	simm.s32 $0x79F;
	v13 =	vadd.s32 s13, v0;
	[tilespmem:s30+$0xFFFFFE00] =	vst v9;
	v9 =	vld.idx.msk [tilespmem:v12+s17+$0x0], $0xffff  }
0xc3: {  	s15 =	simm.s32 $0x71E;
	[tilespmem:s28+$0xFFFFFFB0] =	vst v6;
	v18 =	vadd.s32 s14, v0;
	v8 =	vld.idx.msk [tilespmem:v8+s17+$0x0], $0xffff  }
0xc4: {  	s9 =	simm.s32 $0x499;
	[tilespmem:s28+$0xA0] =	vst v11;
	v12 =	vadd.s32 s15, v0;
	v16 =	vld.idx.msk [tilespmem:v16+s17+$0x0], $0xffff  }
0xc5: {  	s2 =	simm.s32 $0x50;
	[tilespmem:s30+$0x0] =	vst v14;
	v14 =	vadd.s32 s9, v0;
	v19 =	vld.idx.msk [tilespmem:v19+s17+$0x0], $0xffff  }
0xc6: {  	v2 =	vadd.s32 s2, v0;
	[tilespmem:s30+$0xFFFFFE80] =	vst v17;
	s15 =	simm.s32 $0x5AB;
	v3 =	vld.idx.msk [tilespmem:v3+s17+$0x0], $0xffff  }
0xc7: {  	s9 =	simm.s32 $0x142;
	[tilespmem:s30+$0x100] =	vst v15;
	v17 =	vadd.s32 s15, v0;
	v13 =	vld.idx.msk [tilespmem:v13+s17+$0x0], $0xffff  }
0xc8: {  	s13 =	simm.s32 $0xD1;
	[tilespmem:s30+$0xFFFFFF00] =	vst v5;
	v5 =	vadd.s32 s9, v0;
	v15 =	vld.idx.msk [tilespmem:v18+s17+$0x0], $0xffff  }
0xc9: {  	s14 =	simm.s32 $0x244;
	v12 =	vld.idx.msk [tilespmem:v12+s17+$0x0], $0xffff;
	[tilespmem:s28+$0xFFFFFE40] =	vst v9;
	v9 =	vadd.s32 s13, v0  }
0xca: {  	s6 =	simm.s32 $0x51A;
	v14 =	vld.idx.msk [tilespmem:v14+s17+$0x0], $0xffff;
	[tilespmem:s30+$0xFFFFFF90] =	vst v8;
	v8 =	vadd.s32 s14, v0  }
0xcb: {  	s13 =	simm.s32 $0x1C3;
	v2 =	vld.idx.msk [tilespmem:v2+s17+$0x0], $0xffff;
	[tilespmem:s28+$0xFFFFFEC0] =	vst v16;
	v16 =	vadd.s32 s6, v0  }
0xcc: {  	s15 =	simm.s32 $0x72E;
	[tilespmem:s28+$0xFFFFFF30] =	vst v7;
	v7 =	vadd.s32 s13, v0;
	v17 =	vld.idx.msk [tilespmem:v17+s17+$0x0], $0xffff  }
0xcd: {  	s2 =	simm.s32 $0x4A9;
	v18 =	vadd.s32 s15, v0;
	[tilespmem:s30+$0x10] =	vst v3;
	v3 =	vld.idx.msk [tilespmem:v5+s17+$0x0], $0xffff  }
0xce: {  	v6 =	vadd.s32 s2, v0;
	[tilespmem:s30+$0xFFFFFE10] =	vst v19;
	s6 =	simm.s32 $0x7AF;
	v9 =	vld.idx.msk [tilespmem:v9+s17+$0x0], $0xffff  }
0xcf: {  	s14 =	simm.s32 $0x62C;
	v19 =	vadd.s32 s6, v0;
	[tilespmem:s28+$0x130] =	vst v13;
	v8 =	vld.idx.msk [tilespmem:v8+s17+$0x0], $0xffff  }
0xd0: {  	s9 =	simm.s32 $0xE1;
	v13 =	vadd.s32 s14, v0;
	[tilespmem:s30+$0x110] =	vst v12;
	v16 =	vld.idx.msk [tilespmem:v16+s17+$0x0], $0xffff  }
0xd1: {  	s13 =	simm.s32 $0x2B5;
	v5 =	vadd.s32 s9, v0;
	[tilespmem:s30+$0xFFFFFE90] =	vst v14;
	v7 =	vld.idx.msk [tilespmem:v7+s17+$0x0], $0xffff  }
0xd2: {  	s15 =	simm.s32 $0x1D3;
	v12 =	vadd.s32 s13, v0;
	[tilespmem:s28+$0xFFFFFE50] =	vst v2;
	v2 =	vld.idx.msk [tilespmem:v18+s17+$0x0], $0xffff  }
0xd3: {  	s6 =	simm.s32 $0x152;
	[tilespmem:s30+$0x190] =	vst v15;
	v18 =	vld.idx.msk [tilespmem:v6+s17+$0x0], $0xffff;
	v6 =	vadd.s32 s15, v0  }
0xd4: {  	s14 =	simm.s32 $0x346;
	v15 =	vadd.s32 s6, v0;
	v14 =	vld.idx.msk [tilespmem:v19+s17+$0x0], $0xffff;
	[tilespmem:s28+$0xFFFFFF40] =	vst v3  }
0xd5: {  	s2 =	simm.s32 $0x254;
	v11 =	vld.idx.msk [tilespmem:v13+s17+$0x0], $0xffff;
	v13 =	vadd.s32 s14, v0;
	[tilespmem:s28+$0xFFFFFED0] =	vst v9  }
0xd6: {  	s9 =	simm.s32 $0x69D;
	v9 =	vadd.s32 s2, v0;
	v5 =	vld.idx.msk [tilespmem:v5+s17+$0x0], $0xffff;
	[tilespmem:s28+$0x40] =	vst v8  }
0xd7: {  	s13 =	simm.s32 $0x52A;
	v8 =	vadd.s32 s9, v0;
	[tilespmem:s28+$0xFFFFFFC0] =	vst v7;
	v7 =	vld.idx.msk [tilespmem:v12+s17+$0x0], $0xffff  }
0xd8: {  	s15 =	simm.s32 $0x7BF;
	[tilespmem:s30+$0xFFFFFF10] =	vst v16;
	v12 =	vadd.s32 s13, v0;
	v6 =	vld.idx.msk [tilespmem:v6+s17+$0x0], $0xffff  }
0xd9: {  	s14 =	simm.s32 $0x2C5;
	v16 =	vadd.s32 s15, v0;
	[tilespmem:s30+$0x1A0] =	vst v14;
	v14 =	vld.idx.msk [tilespmem:v15+s17+$0x0], $0xffff  }
0xda: {  	[tilespmem:s30+$0x80] =	vst v10;
	v10 =	vadd.s32 s14, v0;
	s15 =	simm.s32 $0x60;
	v13 =	vld.idx.msk [tilespmem:v13+s17+$0x0], $0xffff  }
0xdb: {  	s6 =	simm.s32 $0x356;
	[tilespmem:s30+$0xFFFFFFA0] =	vst v17;
	v17 =	vadd.s32 s15, v0;
	v9 =	vld.idx.msk [tilespmem:v9+s17+$0x0], $0xffff  }
0xdc: {  	s13 =	simm.s32 $0x3E7;
	v15 =	vadd.s32 s6, v0;
	v3 =	vld.idx.msk [tilespmem:v8+s17+$0x0], $0xffff  }
0xdd: {  	s14 =	simm.s32 $0x162;
	v8 =	vld.idx.msk [tilespmem:v12+s17+$0x0], $0xffff;
	[tilespmem:s28+$0xB0] =	vst v7;
	v7 =	vadd.s32 s13, v0  }
0xde: {  	s9 =	simm.s32 $0x264;
	[tilespmem:s28+$0xFFFFFEE0] =	vst v5;
	v12 =	vadd.s32 s14, v0;
	v16 =	vld.idx.msk [tilespmem:v16+s17+$0x0], $0xffff  }
0xdf: {  	s6 =	simm.s32 $0x428;
	v5 =	vadd.s32 s9, v0;
	v10 =	vld.idx.msk [tilespmem:v10+s17+$0x0], $0xffff;
	[tilespmem:s28+$0x140] =	vst v13  }
0xe0: {  	s2 =	simm.s32 $0x2D5;
	v19 =	vadd.s32 s6, v0;
	[tilespmem:s28+$0x50] =	vst v9;
	v9 =	vld.idx.msk [tilespmem:v17+s17+$0x0], $0xffff  }
0xe1: {  	[tilespmem:s28+$0x1D0] =	vst v4;
	s13 =	simm.s32 $0x7CF;
	v13 =	vadd.s32 s2, v0;
	v15 =	vld.idx.msk [tilespmem:v15+s17+$0x0], $0xffff  }
0xe2: {  	s14 =	simm.s32 $0x1E3;
	[tilespmem:s28+$0xFFFFFF50] =	vst v14;
	v20 =	vld.idx.msk [tilespmem:v7+s17+$0x0], $0xffff;
	v7 =	vadd.s32 s13, v0  }
0xe3: {  	s6 =	simm.s32 $0x63C;
	[tilespmem:s30+$0xFFFFFF20] =	vst v8;
	v8 =	vld.idx.msk [tilespmem:v12+s17+$0x0], $0xffff;
	v12 =	vadd.s32 s14, v0  }
0xe4: {  	[tilespmem:s30+$0x20] =	vst v11;
	s9 =	simm.s32 $0x366;
	v17 =	vadd.s32 s6, v0;
	v5 =	vld.idx.msk [tilespmem:v5+s17+$0x0], $0xffff  }
0xe5: {  	s15 =	simm.s32 $0x172;
	v4 =	vadd.s32 s9, v0;
	[tilespmem:s28+$0xC0] =	vst v10;
	v10 =	vld.idx.msk [tilespmem:v19+s17+$0x0], $0xffff  }
0xe6: {  	[tilespmem:s30+$0x1B0] =	vst v16;
	v16 =	vadd.s32 s15, v0;
	s13 =	simm.s32 $0xF1;
	v13 =	vld.idx.msk [tilespmem:v13+s17+$0x0], $0xffff  }
0xe7: {  	s9 =	simm.s32 $0x2E5;
	[tilespmem:s28+$0xFFFFFFD0] =	vst v6;
	v22 =	vadd.s32 s13, v0;
	v21 =	vld.idx.msk [tilespmem:v7+s17+$0x0], $0xffff  }
0xe8: {  	v19 =	vadd.s32 s9, v0;
	[tilespmem:s28+$0x150] =	vst v15;
	v12 =	vld.idx.msk [tilespmem:v12+s17+$0x0], $0xffff  }
0xe9: {  	v23 =	vadd.s32 s31, v0;
	p2 =	por $0x1, $0x1;
	s9 =	simm.s32 $0x7DF;
	[tilespmem:s28+$0xFFFFFF60] =	vst v8;
	v8 =	vld.idx.msk [tilespmem:v17+s17+$0x0], $0xffff  }
.Ltmp4:
0xea: {  	[tilespmem:s30+$0xFFFFFEA0] =	vst v18;
	s13 =	simm.s32 $0x4B9;
	v7 =	vadd.s32 s9, v0;
	v14 =	vld.idx.msk [tilespmem:v4+s17+$0x0], $0xffff;
	(pc) =	sbr.rel @!p2 .LBB2_7-.Ltmp4, $4  }
0xeb: {  	s31 =	simm.s32 $0x8;
	s14 =	simm.s32 $0x438;
	s15 =	simm.s32 $0x5BB;
	[tilespmem:s28+$0x60] =	vst v5;
	v15 =	vld.idx.msk [tilespmem:v16+s17+$0x0], $0xffff;
	v16 =	vadd.s32 s13, v0  }
0xec: {  	p1 =	por $0x1, $0x1;
	s6 =	simm.s32 $0x6AD;
	v6 =	vadd.s32 s15, v0;
	s15 =	simm.s32 $0x274;
	v5 =	vadd.s32 s14, v0;
	[tilespmem:s28+$0xD0] =	vst v13;
	v13 =	vld.idx.msk [tilespmem:v22+s17+$0x0], $0xffff  }
0xed: {  	s0 =	simm.s32 $0xC07;
	[tilespmem:s28+$0x1E0] =	vst v20;
	v4 =	vadd.s32 s6, v0;
	s13 =	simm.s32 $0x376;
	v17 =	vld.idx.msk [tilespmem:v19+s17+$0x0], $0xffff;
	v19 =	vadd.s32 s15, v0;
	s15 =	simm.s32 $0x2F5  }
0xee: {  	s2 =	simm.s32 $0xEE00;
	s14 =	simm.s32 $0x70;
	s9 =	simm.s32 $0x1F3;
	v20 =	vadd.s32 s13, v0;
	[tilespmem:s30+$0x1C0] =	vst v21;
	v21 =	vld.idx.msk [tilespmem:v23+s17+$0x0], $0xffff;
	v18 =	vadd.s32 s15, v0  }
.LBB2_8:
0xef: {  	s13 =	sadd.s32 $0xFFFFFC09, s0;
	s15 =	sadd.s32 $0xFFFFFD8C, s0;
	s6 =	sadd.s32 $0xFFFFFE8E, s0;
	v7 =	vld.idx.msk [tilespmem:v7+s17+$0x0], $0xffff;
	v11 =	vadd.s32 s14, v0;
	v22 =	vadd.s32 s9, v0;
	[tilespmem:s28+$0x160] =	vst v14  }
0xf0: {  	s9 =	sadd.s32 $0xFFFFFC8A, s0;
	v14 =	vadd.s32 s13, v0;
	v23 =	vadd.s32 s15, v0;
	s13 =	sadd.s32 $0xFFFFFE0D, s0;
	v24 =	vadd.s32 s6, v0;
	s6 =	sadd.s32 $0xFFFFFF90, s0;
	v16 =	vld.idx.msk [tilespmem:v16+s17+$0x0], $0xffff  }
0xf1: {  	s31 =	sadd.s32 $0x8, s31;
	v25 =	vadd.s32 s9, v0;
	s9 =	sadd.s32 $0xFFFFFD0B, s0;
	v26 =	vadd.s32 s13, v0;
	s13 =	sadd.s32 $0xFFFFFF0F, s0;
	v27 =	vadd.s32 s6, v0;
	[tilespmem:s28+$0xFFFFFF70] =	vst v15  }
0xf2: {  	p2 =	slt.u32 s31, $0x38;
	v15 =	vadd.s32 s9, v0;
	s9 =	smov.u32 s29;
	s29 =	smov.u32 s0;
	v28 =	vadd.s32 s13, v0;
	[tilespmem:s30+$0xFFFFFE20] =	vst v10;
	v10 =	vld.idx.msk [tilespmem:v19+s17+$0x0], $0xffff  }
0xf3: {  	[tilespmem:s28+$0xE0] =	vst v17;
	v17 =	vld.idx.msk [tilespmem:v20+s17+$0x0], $0xffff  }
0xf4: {  	[tilespmem:s28+$0xFFFFFFE0] =	vst v12;
	v12 =	vld.idx.msk [tilespmem:v18+s17+$0x0], $0xffff  }
0xf5: {  	v18 =	vld.idx.msk [tilespmem:v22+s17+$0x0], $0xffff;
	[tilespmem:s28+$0x1F0] =	vst v21  }
0xf6: {  	s6 =	sadd.s32 $0xFFFFFC19, s0;
	v19 =	vld.idx.msk [tilespmem:v6+s17+$0x0], $0xffff;
	[tilespmem:s28+$0xFFFFFE60] =	vst v9  }
0xf7: {  	v6 =	vadd.s32 s6, v0;
	s6 =	sadd.s32 $0xFFFFFFA0, s0;
	[tilespmem:s30+$0xFFFFFEB0] =	vst v16;
	v11 =	vld.idx.msk [tilespmem:v11+s17+$0x0], $0xffff  }
0xf8: {  	s13 =	sadd.s32 $0xFFFFFF1F, s0;
	v16 =	vadd.s32 s6, v0;
	v5 =	vld.idx.msk [tilespmem:v5+s17+$0x0], $0xffff;
	[tilespmem:s30+$0x30] =	vst v8  }
0xf9: {  	v20 =	vadd.s32 s13, v0;
	s6 =	sadd.s32 $0xFFFFFD9C, s0;
	v14 =	vld.idx.msk [tilespmem:v14+s17+$0x0], $0xffff;
	[tilespmem:s28+$0x70] =	vst v10  }
0xfa: {  	v21 =	vadd.s32 s6, v0;
	v10 =	vld.idx.msk [tilespmem:v23+s17+$0x0], $0xffff;
	[tilespmem:s28+$0xFFFFFEF0] =	vst v13  }
0xfb: {  	s13 =	sadd.s32 $0xFFFFFD3B, s9;
	s6 =	sadd.s32 $0xFFFFFE1D, s0;
	v13 =	vld.idx.msk [tilespmem:v27+s17+$0x0], $0xffff;
	[tilespmem:s28+$0x170] =	vst v17  }
0xfc: {  	s14 =	sadd.s32 $0xFFFFFC9A, s0;
	v22 =	vadd.s32 s6, v0;
	s6 =	sadd.s32 $0xFFFFFC49, s9;
	v23 =	vadd.s32 s13, v0;
	v17 =	vld.idx.msk [tilespmem:v26+s17+$0x0], $0xffff;
	[tilespmem:s28+$0xFFFFFFF0] =	vst v18  }
0xfd: {  	s13 =	sadd.s32 $0xFFFFFC29, s0;
	v18 =	vadd.s32 s14, v0;
	v9 =	vld.idx.msk [tilespmem:v24+s17+$0x0], $0xffff;
	v24 =	vadd.s32 s6, v0;
	[tilespmem:s28+$0xFFFFFE70] =	vst v11  }
0xfe: {  	v8 =	vadd.s32 s13, v0;
	s13 =	sadd.s32 $0xFFFFFCCA, s9;
	s6 =	sadd.s32 $0xFFFFFFB0, s0;
	v11 =	vld.idx.msk [tilespmem:v28+s17+$0x0], $0xffff;
	[tilespmem:s30+$0xFFFFFE30] =	vst v5  }
0xff: {  	s14 =	sadd.s32 $0xFFFFFF2F, s0;
	v26 =	vadd.s32 s6, v0;
	v5 =	vadd.s32 s13, v0;
	v15 =	vld.idx.msk [tilespmem:v15+s17+$0x0], $0xffff;
	[tilespmem:s28+$0xF0] =	vst v12;
	s28 =	smov.u32 s30;
	s30 =	smov.u32 s2  }
0x100: {  	s6 =	sadd.s32 $0xFFFFFDAC, s0;
	s13 =	sadd.s32 $0xFFFFFF3F, s9;
	v12 =	vld.idx.msk [tilespmem:v25+s17+$0x0], $0xffff;
	[tilespmem:s2+$0xFFFFFF80] =	vst v10;
	v10 =	vadd.s32 s14, v0  }
0x101: {  	s14 =	sadd.s32 $0xFFFFFD1B, s0;
	v25 =	vadd.s32 s6, v0;
	[tilespmem:s2+$0x180] =	vst v13;
	v13 =	vld.idx.msk [tilespmem:v23+s17+$0x0], $0xffff;
	v23 =	vadd.s32 s13, v0  }
0x102: {  	s6 =	sadd.s32 $0xFFFFFE2D, s0;
	[tilespmem:s2+$0xFFFFFE00] =	vst v14;
	v14 =	vadd.s32 s14, v0;
	v24 =	vld.idx.msk [tilespmem:v24+s17+$0x0], $0xffff  }
0x103: {  	s13 =	sadd.s32 $0xFFFFFCAA, s0;
	v27 =	vadd.s32 s6, v0;
	s6 =	sadd.s32 $0xFFFFFC59, s9;
	v21 =	vld.idx.msk [tilespmem:v21+s17+$0x0], $0xffff;
	[tilespmem:s28+$0x120] =	vst v2  }
0x104: {  	v28 =	vadd.s32 s13, v0;
	v2 =	vadd.s32 s6, v0;
	v29 =	vld.idx.msk [tilespmem:v5+s17+$0x0], $0xffff;
	[tilespmem:s28+$0x90] =	vst v3  }
0x105: {  	v3 =	vld.idx.msk [tilespmem:v6+s17+$0x0], $0xffff;
	[tilespmem:s2+$0x0] =	vst v17  }
0x106: {  	s6 =	sadd.s32 $0xFFFFFC39, s0;
	[tilespmem:s2+$0xFFFFFE80] =	vst v12;
	v12 =	vld.idx.msk [tilespmem:v23+s17+$0x0], $0xffff  }
0x107: {  	v5 =	vadd.s32 s6, v0;
	s6 =	sadd.s32 $0xFFFFFCDA, s9;
	[tilespmem:s2+$0x100] =	vst v11;
	v11 =	vld.idx.msk [tilespmem:v16+s17+$0x0], $0xffff  }
0x108: {  	v17 =	vadd.s32 s6, v0;
	s6 =	sadd.s32 $0xFFFFFE4D, s9;
	v16 =	vld.idx.msk [tilespmem:v20+s17+$0x0], $0xffff;
	[tilespmem:s28+$0xFFFFFE40] =	vst v24  }
0x109: {  	v20 =	vadd.s32 s6, v0;
	[tilespmem:s2+$0xFFFFFF90] =	vst v21;
	v2 =	vld.idx.msk [tilespmem:v2+s17+$0x0], $0xffff  }
0x10a: {  	s13 =	sadd.s32 $0xFFFFFEAE, s0;
	s6 =	sadd.s32 $0xFFFFFDBC, s0;
	v21 =	vld.idx.msk [tilespmem:v22+s17+$0x0], $0xffff;
	[tilespmem:s28+$0xFFFFFEC0] =	vst v29  }
0x10b: {  	v6 =	vadd.s32 s6, v0;
	s6 =	sadd.s32 $0xFFFFFD4B, s9;
	v18 =	vld.idx.msk [tilespmem:v18+s17+$0x0], $0xffff;
	[tilespmem:s2+$0xFFFFFF00] =	vst v15;
	v15 =	vadd.s32 s13, v0  }
0x10c: {  	v22 =	vadd.s32 s6, v0;
	s6 =	sadd.s32 $0xFFFFFDCC, s9;
	v23 =	vld.idx.msk [tilespmem:v4+s17+$0x0], $0xffff;
	[tilespmem:s28+$0x130] =	vst v12;
	v4 =	vmov v15  }
0x10d: {  	v12 =	vld.idx.msk [tilespmem:v17+s17+$0x0], $0xffff;
	[tilespmem:s28+$0xFFFFFF30] =	vst v13;
	v13 =	vadd.s32 s6, v0  }
0x10e: {  	[tilespmem:s2+$0xFFFFFE10] =	vst v3;
	v3 =	vld.idx.msk [tilespmem:v20+s17+$0x0], $0xffff  }
0x10f: {  	v15 =	vld.idx.msk [tilespmem:v25+s17+$0x0], $0xffff;
	[tilespmem:s28+$0xFFFFFFB0] =	vst v19  }
0x110: {  	v14 =	vld.idx.msk [tilespmem:v14+s17+$0x0], $0xffff;
	[tilespmem:s28+$0xFFFFFE50] =	vst v2  }
0x111: {  	s6 =	sadd.s32 $0xFFFFFCEA, s9;
	[tilespmem:s2+$0x10] =	vst v21;
	v17 =	vld.idx.msk [tilespmem:v22+s17+$0x0], $0xffff  }
0x112: {  	v19 =	vadd.s32 s6, v0;
	s6 =	sadd.s32 $0xFFFFFEBE, s9;
	v13 =	vld.idx.msk [tilespmem:v13+s17+$0x0], $0xffff;
	[tilespmem:s28+$0xA0] =	vst v23  }
0x113: {  	v20 =	vld.idx.msk [tilespmem:v27+s17+$0x0], $0xffff;
	[tilespmem:s2+$0x110] =	vst v16;
	v16 =	vadd.s32 s6, v0;
	s6 =	sadd.s32 $0xFFFFFF4F, s9  }
0x114: {  	s13 =	sadd.s32 $0xFFFFFDDC, s9;
	[tilespmem:s2+$0xFFFFFE90] =	vst v18;
	v2 =	vld.idx.msk [tilespmem:v10+s17+$0x0], $0xffff;
	v10 =	vadd.s32 s6, v0  }
0x115: {  	s6 =	sadd.s32 $0xFFFFFE5D, s9;
	v18 =	vld.idx.msk [tilespmem:v28+s17+$0x0], $0xffff;
	[tilespmem:s2+$0x190] =	vst v11;
	v11 =	vadd.s32 s13, v0  }
0x116: {  	s13 =	sadd.s32 $0xFFFFFD5B, s9;
	v21 =	vld.idx.msk [tilespmem:v26+s17+$0x0], $0xffff;
	[tilespmem:s28+$0xFFFFFED0] =	vst v12;
	v12 =	vadd.s32 s6, v0  }
0x117: {  	s6 =	sadd.s32 $0xFFFFFE9E, s0;
	v22 =	vadd.s32 s13, v0;
	v19 =	vld.idx.msk [tilespmem:v19+s17+$0x0], $0xffff;
	[tilespmem:s28+$0x40] =	vst v3  }
0x118: {  	s13 =	sadd.s32 $0xFFFFFD2B, s0;
	v3 =	vadd.s32 s6, v0;
	[tilespmem:s28+$0xFFFFFFC0] =	vst v13;
	v13 =	vld.idx.msk [tilespmem:v16+s17+$0x0], $0xffff  }
0x119: {  	s6 =	sadd.s32 $0xFFFFFECE, s9;
	[tilespmem:s2+$0xFFFFFF10] =	vst v14;
	v14 =	vadd.s32 s13, v0;
	v10 =	vld.idx.msk [tilespmem:v10+s17+$0x0], $0xffff  }
0x11a: {  	s13 =	sadd.s32 $0xFFFFFFC0, s0;
	[tilespmem:s2+$0x80] =	vst v9;
	v11 =	vld.idx.msk [tilespmem:v11+s17+$0x0], $0xffff;
	v9 =	vadd.s32 s6, v0  }
0x11b: {  	v16 =	vadd.s32 s13, v0;
	s6 =	sadd.s32 $0xFFFFFF5F, s9;
	[tilespmem:s28+$0xFFFFFF40] =	vst v17;
	v12 =	vld.idx.msk [tilespmem:v12+s17+$0x0], $0xffff  }
0x11c: {  	s13 =	sadd.s32 $0xFFFFFE6D, s9;
	[tilespmem:s2+$0x1A0] =	vst v21;
	v17 =	vld.idx.msk [tilespmem:v22+s17+$0x0], $0xffff;
	v21 =	vadd.s32 s6, v0  }
0x11d: {  	s6 =	sadd.s32 $0xFFFFFFF0, s9;
	v3 =	vld.idx.msk [tilespmem:v3+s17+$0x0], $0xffff;
	[tilespmem:s28+$0xFFFFFEE0] =	vst v19;
	v19 =	vadd.s32 s13, v0  }
0x11e: {  	s13 =	sadd.s32 $0xFFFFFD6B, s9;
	v14 =	vld.idx.msk [tilespmem:v14+s17+$0x0], $0xffff;
	[tilespmem:s28+$0xB0] =	vst v13;
	v13 =	vadd.s32 s6, v0  }
0x11f: {  	s6 =	sadd.s32 $0xFFFFFC69, s9;
	[tilespmem:s2+$0xFFFFFFA0] =	vst v15;
	v15 =	vadd.s32 s13, v0;
	v22 =	vld.idx.msk [tilespmem:v9+s17+$0x0], $0xffff  }
0x120: {  	v9 =	vadd.s32 s6, v0;
	s6 =	sadd.s32 $0xFFFFFEDE, s9;
	v16 =	vld.idx.msk [tilespmem:v16+s17+$0x0], $0xffff;
	[tilespmem:s28+$0x140] =	vst v10  }
0x121: {  	v10 =	vadd.s32 s6, v0;
	[tilespmem:s28+$0x50] =	vst v12;
	v12 =	vld.idx.msk [tilespmem:v21+s17+$0x0], $0xffff  }
0x122: {  	s6 =	sadd.s32 $0xFFFFFF6F, s9;
	v19 =	vld.idx.msk [tilespmem:v19+s17+$0x0], $0xffff;
	[tilespmem:s28+$0x1D0] =	vst v7  }
0x123: {  	s13 =	sadd.s32 $0xFFFFFFD0, s0;
	v7 =	vadd.s32 s6, v0;
	[tilespmem:s28+$0xFFFFFF50] =	vst v17;
	v21 =	vld.idx.msk [tilespmem:v13+s17+$0x0], $0xffff  }
0x124: {  	s6 =	sadd.s32 $0xFFFFFDEC, s9;
	v13 =	vadd.s32 s13, v0;
	[tilespmem:s2+$0xFFFFFF20] =	vst v14;
	v15 =	vld.idx.msk [tilespmem:v15+s17+$0x0], $0xffff  }
0x125: {  	s13 =	sadd.s32 $0xFFFFFD7B, s9;
	v17 =	vadd.s32 s6, v0;
	v9 =	vld.idx.msk [tilespmem:v9+s17+$0x0], $0xffff;
	[tilespmem:s28+$0xC0] =	vst v22  }
0x126: {  	s6 =	sadd.s32 $0xFFFFFE3D, s0;
	[tilespmem:s2+$0x1B0] =	vst v16;
	v16 =	vadd.s32 s13, v0;
	v22 =	vld.idx.msk [tilespmem:v10+s17+$0x0], $0xffff  }
0x127: {  	v10 =	vld.idx.msk [tilespmem:v8+s17+$0x0], $0xffff;
	v8 =	vadd.s32 s6, v0;
	s6 =	sadd.s32 $0xFFFFFEEE, s9;
	[tilespmem:s28+$0x150] =	vst v12  }
0x128: {  	s13 =	sadd.s32 $0xFFFFFCFA, s9;
	[tilespmem:s28+$0x60] =	vst v19;
	v19 =	vadd.s32 s6, v0;
	v14 =	vld.idx.msk [tilespmem:v7+s17+$0x0], $0xffff  }
0x129: {  	v23 =	vld.idx.msk [tilespmem:v13+s17+$0x0], $0xffff;
	v13 =	vadd.s32 s13, v0;
	[tilespmem:s28+$0xFFFFFFD0] =	vst v11  }
0x12a: {  	s6 =	sadd.s32 $0xFFFFFFE0, s0;
	v11 =	vadd.s32 s9, v0;
	[tilespmem:s28+$0xFFFFFF60] =	vst v15;
	v12 =	vld.idx.msk [tilespmem:v17+s17+$0x0], $0xffff  }
.Ltmp5:
0x12b: {  	s13 =	sadd.s32 $0xFFFFFCBA, s0;
	v7 =	vadd.s32 s6, v0;
	[tilespmem:s2+$0x20] =	vst v20;
	v15 =	vld.idx.msk [tilespmem:v16+s17+$0x0], $0xffff;
	(pc) =	sbr.rel @p2 .LBB2_8-.Ltmp5, $4  }
0x12c: {  	v16 =	vadd.s32 s13, v0;
	v8 =	vld.idx.msk [tilespmem:v8+s17+$0x0], $0xffff;
	[tilespmem:s28+$0xD0] =	vst v22  }
0x12d: {  	s6 =	sadd.s32 $0xFFFFFE7D, s9;
	[tilespmem:s2+$0xFFFFFEA0] =	vst v18;
	v17 =	vld.idx.msk [tilespmem:v19+s17+$0x0], $0xffff  }
0x12e: {  	s14 =	sadd.s32 $0xFFFFFC79, s9;
	s13 =	sadd.s32 $0xFFFFFF7F, s9;
	v19 =	vadd.s32 s6, v0;
	s6 =	sadd.s32 $0xFFFFFEFE, s9;
	v13 =	vld.idx.msk [tilespmem:v13+s17+$0x0], $0xffff;
	[tilespmem:s28+$0x1E0] =	vst v21  }
0x12f: {  	s0 =	sadd.s32 $0x408, s0;
	v20 =	vadd.s32 s13, v0;
	s2 =	sadd.s32 $0x400, s2;
	s9 =	sadd.s32 $0xFFFFFDFC, s9;
	v18 =	vadd.s32 s6, v0;
	[tilespmem:s30+$0x1C0] =	vst v23;
	v21 =	vld.idx.msk [tilespmem:v11+s17+$0x0], $0xffff  }
0x130: {  	s0 =	smov.u32 s28;
	s28 =	smov.u32 s30;
	s31 =	smov.u32 s29;
	v11 =	vmov v4  }
.LBB2_10:
0x131: {  	_ =	sdelay $0x2  }
0x132: {  	[tilespmem:s0+$0x160] =	vst @p1 v14  }
0x133: {  	[tilespmem:s0+$0xFFFFFF70] =	vst @p1 v15;
	v4 =	vld.idx.msk [tilespmem:v16+s17+$0x0], $0xffff  }
0x134: {  	[tilespmem:s28+$0xFFFFFE20] =	vst v10;
	v10 =	vadd.s32 @p1 s9, v0  }
0x135: {  	[tilespmem:s0+$0xFFFFFFE0] =	vst @p1 v12  }
0x136: {  	v12 =	vadd.s32 @p1 s14, v0;
	[tilespmem:s0+$0xFFFFFE60] =	vst @p1 v9  }
0x137: {  	[tilespmem:s28+$0x30] =	vst v8  }
0x138: {  	s2 =	sadd.s32 $0xFFFFFC49, s31;
	[tilespmem:s28+$0xFFFFFEB0] =	vst v4;
	v4 =	vld.idx.msk [tilespmem:v5+s17+$0x0], $0xffff  }
0x139: {  	s6 =	sadd.s32 $0xFFFFFD3B, s31;
	[tilespmem:s28+$0x90] =	vst v3;
	v8 =	vadd.s32 s2, v0;
	v5 =	vld.idx.msk @p1 [tilespmem:v10+s17+$0x0], $0xffff  }
0x13a: {  	[tilespmem:s28+$0x120] =	vst v2;
	v9 =	vadd.s32 s6, v0  }
0x13b: {  	s13 =	sadd.s32 $0xFFFFFCCA, s31;
	[tilespmem:s0+$0xE0] =	vst @p1 v17;
	v10 =	vld.idx.msk @p1 [tilespmem:v12+s17+$0x0], $0xffff  }
0x13c: {  	v14 =	vld.idx.msk @p1 [tilespmem:v19+s17+$0x0], $0xffff;
	s14 =	sadd.s32 $0xFFFFFF3F, s31;
	[tilespmem:s0+$0xFFFFFEF0] =	vst @p1 v13;
	v12 =	vadd.s32 s13, v0  }
0x13d: {  	v6 =	vld.idx.msk [tilespmem:v6+s17+$0x0], $0xffff;
	[tilespmem:s28+$0xFFFFFE30] =	vst v4;
	v4 =	vadd.s32 s14, v0  }
0x13e: {  	s15 =	sadd.s32 $0xFFFFFC59, s31;
	[tilespmem:s0+$0xFFFFFFF0] =	vst @p1 v5;
	v5 =	vld.idx.msk [tilespmem:v8+s17+$0x0], $0xffff  }
0x13f: {  	s30 =	sadd.s32 $0xFFFFFD4B, s31;
	[tilespmem:s0+$0x1F0] =	vst @p1 v21;
	v8 =	vld.idx.msk [tilespmem:v9+s17+$0x0], $0xffff;
	v9 =	vadd.s32 s15, v0  }
0x140: {  	v3 =	vadd.s32 s30, v0;
	s6 =	sadd.s32 $0xFFFFFEBE, s31;
	[tilespmem:s0+$0xFFFFFE70] =	vst @p1 v10;
	v10 =	vld.idx.msk [tilespmem:v11+s17+$0x0], $0xffff  }
0x141: {  	s9 =	sadd.s32 $0xFFFFFCDA, s31;
	[tilespmem:s0+$0x70] =	vst @p1 v14;
	v2 =	vld.idx.msk [tilespmem:v12+s17+$0x0], $0xffff;
	v11 =	vadd.s32 s6, v0  }
0x142: {  	s13 =	sadd.s32 $0xFFFFFE4D, s31;
	[tilespmem:s28+$0xFFFFFFB0] =	vst v6;
	v12 =	vadd.s32 s9, v0;
	v4 =	vld.idx.msk [tilespmem:v4+s17+$0x0], $0xffff  }
0x143: {  	v7 =	vld.idx.msk [tilespmem:v7+s17+$0x0], $0xffff;
	s14 =	sadd.s32 $0xFFFFFDCC, s31;
	[tilespmem:s28+$0xFFFFFE40] =	vst v5;
	v5 =	vadd.s32 s13, v0  }
0x144: {  	s15 =	sadd.s32 $0xFFFFFF4F, s31;
	[tilespmem:s28+$0xFFFFFF30] =	vst v8;
	v8 =	vadd.s32 s14, v0;
	v9 =	vld.idx.msk [tilespmem:v9+s17+$0x0], $0xffff  }
0x145: {  	s30 =	sadd.s32 $0xFFFFFD5B, s31;
	[tilespmem:s28+$0xA0] =	vst v10;
	v10 =	vadd.s32 s15, v0;
	v3 =	vld.idx.msk [tilespmem:v3+s17+$0x0], $0xffff  }
0x146: {  	[tilespmem:s28+$0xFFFFFEC0] =	vst v2;
	v2 =	vadd.s32 s30, v0;
	v11 =	vld.idx.msk [tilespmem:v11+s17+$0x0], $0xffff  }
0x147: {  	s2 =	sadd.s32 $0xFFFFFECE, s31;
	[tilespmem:s28+$0x130] =	vst v4;
	v4 =	vld.idx.msk [tilespmem:v12+s17+$0x0], $0xffff  }
0x148: {  	[tilespmem:s28+$0x1D0] =	vst v7;
	s6 =	sadd.s32 $0xFFFFFCEA, s31;
	v12 =	vadd.s32 s2, v0;
	v5 =	vld.idx.msk [tilespmem:v5+s17+$0x0], $0xffff  }
0x149: {  	s9 =	sadd.s32 $0xFFFFFE5D, s31;
	v6 =	vadd.s32 s6, v0;
	v8 =	vld.idx.msk [tilespmem:v8+s17+$0x0], $0xffff;
	[tilespmem:s28+$0xFFFFFE50] =	vst v9  }
0x14a: {  	s13 =	sadd.s32 $0xFFFFFF5F, s31;
	v10 =	vld.idx.msk [tilespmem:v10+s17+$0x0], $0xffff;
	v9 =	vadd.s32 s9, v0;
	[tilespmem:s28+$0xFFFFFF40] =	vst v3  }
0x14b: {  	s14 =	sadd.s32 $0xFFFFFD6B, s31;
	[tilespmem:s28+$0xB0] =	vst v11;
	v3 =	vadd.s32 s13, v0;
	v2 =	vld.idx.msk [tilespmem:v2+s17+$0x0], $0xffff  }
0x14c: {  	v15 =	vld.idx.msk @p1 [tilespmem:v20+s17+$0x0], $0xffff;
	s30 =	sadd.s32 $0xFFFFFDDC, s31;
	[tilespmem:s28+$0xFFFFFED0] =	vst v4;
	v4 =	vadd.s32 s14, v0  }
0x14d: {  	s15 =	sadd.s32 $0xFFFFFEDE, s31;
	v11 =	vld.idx.msk [tilespmem:v12+s17+$0x0], $0xffff;
	v12 =	vadd.s32 s30, v0;
	[tilespmem:s28+$0x40] =	vst v5  }
0x14e: {  	v6 =	vld.idx.msk [tilespmem:v6+s17+$0x0], $0xffff;
	v5 =	vadd.s32 s15, v0;
	[tilespmem:s28+$0xFFFFFFC0] =	vst v8  }
0x14f: {  	s9 =	sadd.s32 $0xFFFFFFF0, s31;
	[tilespmem:s28+$0x140] =	vst v10;
	v8 =	vld.idx.msk [tilespmem:v9+s17+$0x0], $0xffff  }
0x150: {  	s6 =	sadd.s32 $0xFFFFFE6D, s31;
	v10 =	vadd.s32 s9, v0;
	v3 =	vld.idx.msk [tilespmem:v3+s17+$0x0], $0xffff;
	[tilespmem:s28+$0xFFFFFF50] =	vst v2  }
0x151: {  	[tilespmem:s0+$0x170] =	vst @p1 v15;
	s13 =	sadd.s32 $0xFFFFFF6F, s31;
	v9 =	vadd.s32 s6, v0;
	v4 =	vld.idx.msk [tilespmem:v4+s17+$0x0], $0xffff  }
0x152: {  	s14 =	sadd.s32 $0xFFFFFD7B, s31;
	v2 =	vadd.s32 s13, v0;
	[tilespmem:s28+$0xC0] =	vst v11;
	v11 =	vld.idx.msk [tilespmem:v12+s17+$0x0], $0xffff  }
0x153: {  	s30 =	sadd.s32 $0xFFFFFDEC, s31;
	[tilespmem:s28+$0xFFFFFEE0] =	vst v6;
	v6 =	vadd.s32 s14, v0;
	v5 =	vld.idx.msk [tilespmem:v5+s17+$0x0], $0xffff  }
0x154: {  	v13 =	vld.idx.msk @p1 [tilespmem:v18+s17+$0x0], $0xffff;
	v7 =	vadd.s32 s30, v0;
	s6 =	sadd.s32 $0xFFFFFC69, s31;
	[tilespmem:s28+$0x50] =	vst v8  }
0x155: {  	v12 =	vadd.s32 s6, v0;
	v10 =	vld.idx.msk [tilespmem:v10+s17+$0x0], $0xffff;
	[tilespmem:s28+$0x150] =	vst v3  }
0x156: {  	s15 =	sadd.s32 $0xFFFFFEEE, s31;
	v3 =	vadd.s32 s31, v0;
	v9 =	vld.idx.msk [tilespmem:v9+s17+$0x0], $0xffff;
	[tilespmem:s28+$0xFFFFFF60] =	vst v4  }
0x157: {  	s9 =	sadd.s32 $0xFFFFFE7D, s31;
	v8 =	vadd.s32 s15, v0;
	v2 =	vld.idx.msk [tilespmem:v2+s17+$0x0], $0xffff;
	[tilespmem:s28+$0xFFFFFFD0] =	vst v11  }
0x158: {  	s13 =	sadd.s32 $0xFFFFFCFA, s31;
	v4 =	vld.idx.msk [tilespmem:v6+s17+$0x0], $0xffff;
	[tilespmem:s28+$0xD0] =	vst v5;
	v5 =	vadd.s32 s9, v0  }
0x159: {  	[tilespmem:s0+$0xF0] =	vst @p1 v13;
	s15 =	sadd.s32 $0xFFFFFDFC, s31;
	v6 =	vadd.s32 s13, v0;
	v7 =	vld.idx.msk [tilespmem:v7+s17+$0x0], $0xffff  }
0x15a: {  	s30 =	sadd.s32 $0xFFFFFC79, s31;
	v11 =	vld.idx.msk [tilespmem:v12+s17+$0x0], $0xffff;
	[tilespmem:s28+$0x1E0] =	vst v10;
	v10 =	vadd.s32 s15, v0  }
0x15b: {  	s14 =	sadd.s32 $0xFFFFFF7F, s31;
	v12 =	vadd.s32 s30, v0;
	v3 =	vld.idx.msk [tilespmem:v3+s17+$0x0], $0xffff;
	[tilespmem:s28+$0x60] =	vst v9  }
0x15c: {  	s31 =	sadd.s32 $0xFFFFFEFE, s31;
	v8 =	vld.idx.msk [tilespmem:v8+s17+$0x0], $0xffff;
	v9 =	vadd.s32 s14, v0;
	[tilespmem:s28+$0x160] =	vst v2  }
0x15d: {  	v2 =	vadd.s32 s31, v0;
	[tilespmem:s28+$0xFFFFFF70] =	vst v4;
	v4 =	vld.idx.msk [tilespmem:v5+s17+$0x0], $0xffff  }
0x15e: {  	v5 =	vld.idx.msk [tilespmem:v6+s17+$0x0], $0xffff;
	[tilespmem:s28+$0xFFFFFFE0] =	vst v7  }
0x15f: {  	[tilespmem:s28+$0xFFFFFE60] =	vst v11;
	v7 =	vld.idx.msk [tilespmem:v10+s17+$0x0], $0xffff  }
0x160: {  	[tilespmem:s28+$0x1F0] =	vst v3;
	v3 =	vld.idx.msk [tilespmem:v12+s17+$0x0], $0xffff  }
0x161: {  	[tilespmem:s28+$0xE0] =	vst v8;
	v6 =	vld.idx.msk [tilespmem:v9+s17+$0x0], $0xffff  }
0x162: {  	v2 =	vld.idx.msk [tilespmem:v2+s17+$0x0], $0xffff;
	[tilespmem:s28+$0x70] =	vst v4  }
0x163: {  	[tilespmem:s28+$0xFFFFFEF0] =	vst v5  }
0x164: {  	[tilespmem:s28+$0xFFFFFFF0] =	vst v7  }
0x165: {  	p1 =	seq.s32 s24, $0x63;
	[tilespmem:s28+$0xFFFFFE70] =	vst v3  }
0x166: {  	s25 =	sshrl.u32 @!p1 s25, $0x2;
	[tilespmem:s28+$0x170] =	vst v6  }
0x167: {  	s0 =	sadd.s32 @!p1 $0x100, s25;
	s2 =	simm.s32 @!p1 $0x80;
	s6 =	simm.s32 @!p1 $0x6400;
	[tilespmem:s28+$0xF0] =	vst v2  }
0x168: {  	[tilespmem:s6], [sflag:$0x1] =	stream.indirect.gather @!p1 [hbm4b:s5+s2], $0x80, s0, s2, $0xb8;
	[tilespmem:$0x1A880] =	vst v63  }
0x169: {  	s6 =	sshll.u32 s24, $0x13  }
0x16a: {  	s0 =	sor.u32 s4, s6  }
0x16b: {  	s0 =	sshrl.u32 s0, $0x3  }
0x16c: {  	s0 =	sadd.s32 s1, s0  }
0x16d: {  	[hbm4b:s0+s11] =	stream.strided.scatter [tilespmem:s18], [sflag:$0x3], $0x2000, s12, s11, $0x38;
	[tilespmem:$0x1A880] =	vst v63  }
0x16e: {  	_ =	swait.ge [sflag:s19], $0x4000  }
0x16f: {  	[sflag:s19] =	ssyncset.done $0x0  }
0x170: {  	s0 =	simm.s32 @!p0 $0x4;
	[sflag:s19] =	ssyncadd.s32 $0xFFFFC000  }
0x171: {  	s26 =	sor.u32 $0x1, s26;
	_ =	swait.ge @!p0 [sflag:s0], $0x2000  }
0x172: {  	s9 =	sshll.u32 s26, $0x7;
	[sflag:s0] =	ssyncset.done @!p0 $0x0  }
0x173: {  	s13 =	sand.u32 $0x3FFFFF80, s9;
	[sflag:s0] =	ssyncadd.s32 @!p0 $0xFFFFE000  }
0x174: {  	v5 =	vld [tilespmem:s13+$0x12400]  }
0x175: {  	v4 =	vld [tilespmem:s13+$0x12410]  }
0x176: {  	v3 =	vld [tilespmem:s13+$0x12420]  }
0x177: {  	s0 =	simm.s32 $0xA7B0;
	v2 =	vld [tilespmem:s13+$0x12430]  }
0x178: {  	v6 =	vld [tilespmem:s0+$0xFFFFFFD0]  }
0x179: {  	s14 =	simm.s32 $0x7;
	v7 =	vld [tilespmem:s0+$0xFFFFFCD0]  }
0x17a: {  	s15 =	simm.s32 $0x1;
	v9 =	vadd.s32 s14, v1;
	v8 =	vld [tilespmem:s0+$0xFFFFFD50]  }
0x17b: {  	s30 =	simm.s32 $0x2;
	v10 =	vadd.s32 s15, v1;
	v11 =	vld [tilespmem:s0+$0xFFFFFDD0]  }
0x17c: {  	s31 =	simm.s32 $0x3;
	v12 =	vadd.s32 s30, v1;
	v13 =	vld [tilespmem:s0+$0xFFFFFE50]  }
0x17d: {  	v14 =	vadd.s32 s31, v1;
	s6 =	simm.s32 $0x4;
	v15 =	vld [tilespmem:s0+$0xFFFFFED0];
	v6 =	vadd.f32 v6, v5  }
0x17e: {  	s9 =	simm.s32 $0x5;
	v16 =	vadd.s32 s6, v1;
	v17 =	vld [tilespmem:s0+$0xFFFFFF50];
	v7 =	vadd.f32 v7, v5  }
0x17f: {  	v19 =	vadd.s32 s9, v1;
	v18 =	vld [tilespmem:s0+$0xFFFFFC50];
	s13 =	simm.s32 $0x6;
	v8 =	vadd.f32 v8, v5;
	[tilespmem:v9+s17+$0x0] =	vst.idx.msk $0xffff, v6  }
0x180: {  	s14 =	simm.s32 $0x0;
	[tilespmem:v10+s17+$0x0] =	vst.idx.msk $0xffff, v7;
	v6 =	vadd.f32 v11, v5;
	v7 =	vadd.s32 s13, v1;
	v9 =	vld [tilespmem:s0+$0xFFFFFFE0]  }
0x181: {  	s15 =	simm.s32 $0x817;
	v10 =	vadd.s32 s14, v1;
	[tilespmem:v12+s17+$0x0] =	vst.idx.msk $0xffff, v8;
	v8 =	vadd.f32 v13, v5;
	v11 =	vld [tilespmem:s0+$0xFFFFFCE0]  }
0x182: {  	s30 =	simm.s32 $0x811;
	v13 =	vadd.s32 s15, v1;
	v12 =	vld [tilespmem:s0+$0xFFFFFD60];
	[tilespmem:v14+s17+$0x0] =	vst.idx.msk $0xffff, v6;
	v6 =	vadd.f32 v15, v5  }
0x183: {  	s31 =	simm.s32 $0x812;
	v14 =	vadd.s32 s30, v1;
	[tilespmem:v16+s17+$0x0] =	vst.idx.msk $0xffff, v8;
	v8 =	vadd.f32 v17, v5;
	v15 =	vld [tilespmem:s0+$0xFFFFFDE0]  }
0x184: {  	s6 =	simm.s32 $0x813;
	v16 =	vadd.f32 v18, v5;
	v17 =	vadd.s32 s31, v1;
	v18 =	vld [tilespmem:s0+$0xFFFFFE60];
	[tilespmem:v19+s17+$0x0] =	vst.idx.msk $0xffff, v6  }
0x185: {  	s9 =	simm.s32 $0x814;
	v6 =	vadd.s32 s6, v1;
	v19 =	vld [tilespmem:s0+$0xFFFFFEE0];
	[tilespmem:v7+s17+$0x0] =	vst.idx.msk $0xffff, v8;
	v7 =	vadd.f32 v9, v4  }
0x186: {  	s13 =	simm.s32 $0x815;
	[tilespmem:v10+s17+$0x0] =	vst.idx.msk $0xffff, v16;
	v8 =	vadd.f32 v11, v4;
	v9 =	vadd.s32 s9, v1;
	v10 =	vld [tilespmem:s0+$0xFFFFFF60]  }
0x187: {  	s14 =	simm.s32 $0x816;
	v16 =	vadd.s32 s13, v1;
	v11 =	vld [tilespmem:s0+$0xFFFFFC60];
	v12 =	vadd.f32 v12, v4;
	[tilespmem:v13+s17+$0x0] =	vst.idx.msk $0xffff, v7  }
0x188: {  	s15 =	simm.s32 $0x810;
	[tilespmem:v14+s17+$0x0] =	vst.idx.msk $0xffff, v8;
	v7 =	vadd.f32 v15, v4;
	v8 =	vadd.s32 s14, v1;
	v13 =	vld [tilespmem:s0+$0xFFFFFFF0]  }
0x189: {  	s30 =	simm.s32 $0x1027;
	v14 =	vadd.s32 s15, v1;
	[tilespmem:v17+s17+$0x0] =	vst.idx.msk $0xffff, v12;
	v12 =	vadd.f32 v18, v4;
	v15 =	vld [tilespmem:s0+$0xFFFFFCF0]  }
0x18a: {  	s31 =	simm.s32 $0x1021;
	v17 =	vld [tilespmem:s0+$0xFFFFFD70];
	[tilespmem:v6+s17+$0x0] =	vst.idx.msk $0xffff, v7;
	v6 =	vadd.f32 v19, v4;
	v7 =	vadd.s32 s30, v1  }
0x18b: {  	s9 =	simm.s32 $0x1022;
	v18 =	vadd.s32 s31, v1;
	v19 =	vld [tilespmem:s0+$0xFFFFFDF0];
	[tilespmem:v9+s17+$0x0] =	vst.idx.msk $0xffff, v12;
	v9 =	vadd.f32 v10, v4  }
0x18c: {  	s13 =	simm.s32 $0x1023;
	v10 =	vadd.f32 v11, v4;
	v11 =	vadd.s32 s9, v1;
	v12 =	vld [tilespmem:s0+$0xFFFFFE70];
	[tilespmem:v16+s17+$0x0] =	vst.idx.msk $0xffff, v6  }
0x18d: {  	s14 =	simm.s32 $0x1024;
	v6 =	vadd.s32 s13, v1;
	v16 =	vld [tilespmem:s0+$0xFFFFFEF0];
	[tilespmem:v8+s17+$0x0] =	vst.idx.msk $0xffff, v9;
	v8 =	vadd.f32 v13, v3  }
0x18e: {  	s15 =	simm.s32 $0x1025;
	[tilespmem:v14+s17+$0x0] =	vst.idx.msk $0xffff, v10;
	v10 =	vadd.s32 s14, v1;
	v9 =	vadd.f32 v15, v3;
	v13 =	vld [tilespmem:s0+$0xFFFFFF70]  }
0x18f: {  	s30 =	simm.s32 $0x1026;
	v14 =	vld [tilespmem:s0+$0xFFFFFC70];
	v15 =	vadd.f32 v17, v3;
	v17 =	vadd.s32 s15, v1;
	[tilespmem:v7+s17+$0x0] =	vst.idx.msk $0xffff, v8  }
0x190: {  	s31 =	simm.s32 $0x1020;
	[tilespmem:v18+s17+$0x0] =	vst.idx.msk $0xffff, v9;
	v7 =	vadd.f32 v19, v3;
	v9 =	vadd.s32 s30, v1;
	v18 =	vld [tilespmem:s0+$0x0]  }
0x191: {  	s6 =	simm.s32 $0x1837;
	v19 =	vadd.s32 s31, v1;
	[tilespmem:v11+s17+$0x0] =	vst.idx.msk $0xffff, v15;
	v62 =	vld [tilespmem:s0+$0xFFFFFD00];
	v8 =	vadd.f32 v12, v3  }
0x192: {  	s9 =	simm.s32 $0x1831;
	v15 =	vadd.s32 s6, v1;
	v12 =	vld [tilespmem:s0+$0xFFFFFD80];
	[tilespmem:v6+s17+$0x0] =	vst.idx.msk $0xffff, v7;
	v6 =	vadd.f32 v16, v3  }
0x193: {  	v63 =	vadd.s32 s9, v1;
	s13 =	simm.s32 $0x1832;
	v22 =	vld [tilespmem:s0+$0xFFFFFE00];
	[tilespmem:v10+s17+$0x0] =	vst.idx.msk $0xffff, v8;
	v7 =	vadd.f32 v13, v3  }
0x194: {  	s14 =	simm.s32 $0x1833;
	v10 =	vadd.f32 v14, v3;
	v13 =	vadd.s32 s13, v1;
	v8 =	vld [tilespmem:s0+$0xFFFFFE80];
	[tilespmem:v17+s17+$0x0] =	vst.idx.msk $0xffff, v6  }
0x195: {  	s15 =	simm.s32 $0x1834;
	v14 =	vadd.s32 s14, v1;
	v6 =	vld [tilespmem:s0+$0xFFFFFF00];
	[tilespmem:v9+s17+$0x0] =	vst.idx.msk $0xffff, v7;
	v17 =	vadd.f32 v18, v2  }
0x196: {  	v11 =	vadd.s32 s15, v1;
	s30 =	simm.s32 $0x1835;
	[tilespmem:v19+s17+$0x0] =	vst.idx.msk $0xffff, v10;
	v18 =	vadd.f32 v62, v2;
	v9 =	vld [tilespmem:s0+$0xFFFFFF80]  }
0x197: {  	s29 =	simm.s32 $0xABB0;
	s31 =	simm.s32 $0x1836;
	v7 =	vld [tilespmem:s0+$0xFFFFFC80];
	v16 =	vadd.f32 v12, v2;
	v12 =	vadd.s32 s30, v1;
	[tilespmem:v15+s17+$0x0] =	vst.idx.msk $0xffff, v17  }
0x198: {  	s28 =	simm.s32 $0x8;
	s2 =	simm.s32 $0x1830;
	v10 =	vld [tilespmem:s29+$0xFFFFFFD0];
	s0 =	simm.s32 $0x10;
	[tilespmem:v63+s17+$0x0] =	vst.idx.msk $0xffff, v18;
	v17 =	vadd.f32 v22, v2;
	v15 =	vadd.s32 s31, v1  }
.LBB2_11:
0x199: {  	p0 =	slt.u32 s0, $0x78;
	v18 =	vld [tilespmem:s29+$0xFFFFFCD0];
	s6 =	sadd.s32 $0x7, s28;
	v19 =	vadd.s32 s2, v1;
	[tilespmem:v13+s17+$0x0] =	vst.idx.msk $0xffff, v16;
	v8 =	vadd.f32 v8, v2  }
0x19a: {  	s2 =	sadd.s32 $0x1, s28;
	v13 =	vld [tilespmem:s29+$0xFFFFFD50];
	v16 =	vadd.s32 s6, v1;
	[tilespmem:v14+s17+$0x0] =	vst.idx.msk $0xffff, v17;
	v6 =	vadd.f32 v6, v2  }
0x19b: {  	v14 =	vadd.s32 s2, v1;
	s2 =	sadd.s32 $0x2, s28;
	v17 =	vld [tilespmem:s29+$0xFFFFFDD0];
	[tilespmem:v11+s17+$0x0] =	vst.idx.msk $0xffff, v8;
	v8 =	vadd.f32 v9, v2  }
0x19c: {  	v9 =	vadd.s32 s2, v1;
	s2 =	sadd.s32 $0x3, s28;
	v11 =	vld [tilespmem:s29+$0xFFFFFE50];
	v7 =	vadd.f32 v7, v2;
	[tilespmem:v12+s17+$0x0] =	vst.idx.msk $0xffff, v6  }
0x19d: {  	v6 =	vadd.s32 s2, v1;
	s2 =	sadd.s32 $0x4, s28;
	v12 =	vld [tilespmem:s29+$0xFFFFFED0];
	v10 =	vadd.f32 v10, v5;
	[tilespmem:v15+s17+$0x0] =	vst.idx.msk $0xffff, v8  }
0x19e: {  	v15 =	vadd.s32 s2, v1;
	s2 =	sadd.s32 $0x5, s28;
	v8 =	vadd.f32 v18, v5;
	v18 =	vld [tilespmem:s29+$0xFFFFFF50];
	[tilespmem:v19+s17+$0x0] =	vst.idx.msk $0xffff, v7  }
0x19f: {  	v19 =	vadd.s32 s2, v1;
	s2 =	sadd.s32 $0x6, s28;
	v7 =	vld [tilespmem:s29+$0xFFFFFC50];
	v13 =	vadd.f32 v13, v5;
	[tilespmem:v16+s17+$0x0] =	vst.idx.msk $0xffff, v10  }
0x1a0: {  	v10 =	vadd.s32 s2, v1;
	[tilespmem:v14+s17+$0x0] =	vst.idx.msk $0xffff, v8;
	v8 =	vadd.f32 v17, v5;
	v14 =	vld [tilespmem:s29+$0xFFFFFFE0]  }
0x1a1: {  	v16 =	vadd.s32 s28, v1;
	s2 =	sadd.s32 $0x817, s28;
	v17 =	vld [tilespmem:s29+$0xFFFFFCE0];
	[tilespmem:v9+s17+$0x0] =	vst.idx.msk $0xffff, v13;
	v9 =	vadd.f32 v11, v5  }
0x1a2: {  	s6 =	sadd.s32 $0x811, s28;
	v11 =	vld [tilespmem:s29+$0xFFFFFD60];
	[tilespmem:v6+s17+$0x0] =	vst.idx.msk $0xffff, v8;
	v6 =	vadd.f32 v12, v5;
	v8 =	vadd.s32 s2, v1  }
0x1a3: {  	v12 =	vadd.s32 s6, v1;
	s2 =	sadd.s32 $0x812, s28;
	v13 =	vld [tilespmem:s29+$0xFFFFFDE0];
	[tilespmem:v15+s17+$0x0] =	vst.idx.msk $0xffff, v9;
	v9 =	vadd.f32 v18, v5  }
0x1a4: {  	v15 =	vadd.s32 s2, v1;
	s2 =	sadd.s32 $0x813, s28;
	v7 =	vadd.f32 v7, v5;
	v18 =	vld [tilespmem:s29+$0xFFFFFE60];
	[tilespmem:v19+s17+$0x0] =	vst.idx.msk $0xffff, v6  }
0x1a5: {  	v6 =	vadd.s32 s2, v1;
	s2 =	sadd.s32 $0x814, s28;
	v19 =	vld [tilespmem:s29+$0xFFFFFEE0];
	[tilespmem:v10+s17+$0x0] =	vst.idx.msk $0xffff, v9;
	v9 =	vadd.f32 v14, v4  }
0x1a6: {  	v10 =	vadd.s32 s2, v1;
	s2 =	sadd.s32 $0x815, s28;
	[tilespmem:v16+s17+$0x0] =	vst.idx.msk $0xffff, v7;
	v7 =	vadd.f32 v17, v4;
	v14 =	vld [tilespmem:s29+$0xFFFFFF60]  }
0x1a7: {  	v17 =	vadd.s32 s2, v1;
	s2 =	sadd.s32 $0x816, s28;
	v16 =	vld [tilespmem:s29+$0xFFFFFC60];
	v11 =	vadd.f32 v11, v4;
	[tilespmem:v8+s17+$0x0] =	vst.idx.msk $0xffff, v9  }
0x1a8: {  	s6 =	sadd.s32 $0x810, s28;
	v8 =	vadd.s32 s2, v1;
	[tilespmem:v12+s17+$0x0] =	vst.idx.msk $0xffff, v7;
	v7 =	vadd.f32 v13, v4;
	v9 =	vld [tilespmem:s29+$0xFFFFFFF0]  }
0x1a9: {  	s2 =	sadd.s32 $0x1027, s28;
	v12 =	vadd.s32 s6, v1;
	v13 =	vld [tilespmem:s29+$0xFFFFFCF0];
	[tilespmem:v15+s17+$0x0] =	vst.idx.msk $0xffff, v11;
	v11 =	vadd.f32 v18, v4  }
0x1aa: {  	s6 =	sadd.s32 $0x1021, s28;
	v15 =	vld [tilespmem:s29+$0xFFFFFD70];
	[tilespmem:v6+s17+$0x0] =	vst.idx.msk $0xffff, v7;
	v6 =	vadd.f32 v19, v4;
	v7 =	vadd.s32 s2, v1  }
0x1ab: {  	v18 =	vadd.s32 s6, v1;
	s2 =	sadd.s32 $0x1022, s28;
	v19 =	vld [tilespmem:s29+$0xFFFFFDF0];
	[tilespmem:v10+s17+$0x0] =	vst.idx.msk $0xffff, v11;
	v10 =	vadd.f32 v14, v4  }
0x1ac: {  	v14 =	vadd.s32 s2, v1;
	s2 =	sadd.s32 $0x1023, s28;
	v11 =	vadd.f32 v16, v4;
	v16 =	vld [tilespmem:s29+$0xFFFFFE70];
	[tilespmem:v17+s17+$0x0] =	vst.idx.msk $0xffff, v6  }
0x1ad: {  	v6 =	vadd.s32 s2, v1;
	s2 =	sadd.s32 $0x1024, s28;
	v17 =	vld [tilespmem:s29+$0xFFFFFEF0];
	[tilespmem:v8+s17+$0x0] =	vst.idx.msk $0xffff, v10;
	v8 =	vadd.f32 v9, v3  }
0x1ae: {  	v10 =	vadd.s32 s2, v1;
	s2 =	sadd.s32 $0x1025, s28;
	[tilespmem:v12+s17+$0x0] =	vst.idx.msk $0xffff, v11;
	v9 =	vadd.f32 v13, v3;
	v11 =	vld [tilespmem:s29+$0xFFFFFF70]  }
0x1af: {  	v12 =	vld [tilespmem:s29+$0xFFFFFC70];
	v13 =	vadd.f32 v15, v3;
	v15 =	vadd.s32 s2, v1;
	s2 =	sadd.s32 $0x1026, s28;
	[tilespmem:v7+s17+$0x0] =	vst.idx.msk $0xffff, v8  }
0x1b0: {  	s6 =	sadd.s32 $0x1020, s28;
	[tilespmem:v18+s17+$0x0] =	vst.idx.msk $0xffff, v9;
	v7 =	vadd.f32 v19, v3;
	v9 =	vadd.s32 s2, v1;
	v18 =	vld [tilespmem:s29+$0x0]  }
0x1b1: {  	v19 =	vadd.s32 s6, v1;
	s2 =	sadd.s32 $0x1837, s28;
	v20 =	vld [tilespmem:s29+$0xFFFFFD00];
	[tilespmem:v14+s17+$0x0] =	vst.idx.msk $0xffff, v13;
	v8 =	vadd.f32 v16, v3  }
0x1b2: {  	s6 =	sadd.s32 $0x1831, s28;
	v16 =	vld [tilespmem:s29+$0xFFFFFD80];
	[tilespmem:v6+s17+$0x0] =	vst.idx.msk $0xffff, v7;
	v6 =	vadd.f32 v17, v3;
	v17 =	vadd.s32 s2, v1  }
0x1b3: {  	v21 =	vadd.s32 s6, v1;
	s2 =	sadd.s32 $0x1832, s28;
	v22 =	vld [tilespmem:s29+$0xFFFFFE00];
	[tilespmem:v10+s17+$0x0] =	vst.idx.msk $0xffff, v8;
	v7 =	vadd.f32 v11, v3  }
.Ltmp6:
0x1b4: {  	v13 =	vadd.s32 s2, v1;
	s2 =	sadd.s32 $0x1833, s28;
	v10 =	vadd.f32 v12, v3;
	v8 =	vld [tilespmem:s29+$0xFFFFFE80];
	[tilespmem:v15+s17+$0x0] =	vst.idx.msk $0xffff, v6;
	(pc) =	sbr.rel @p0 .LBB2_11-.Ltmp6, $4  }
0x1b5: {  	v14 =	vadd.s32 s2, v1;
	s2 =	sadd.s32 $0x1834, s28;
	v6 =	vld [tilespmem:s29+$0xFFFFFF00];
	[tilespmem:v9+s17+$0x0] =	vst.idx.msk $0xffff, v7;
	v15 =	vadd.f32 v18, v2  }
0x1b6: {  	v11 =	vadd.s32 s2, v1;
	s2 =	sadd.s32 $0x1835, s28;
	[tilespmem:v19+s17+$0x0] =	vst.idx.msk $0xffff, v10;
	v18 =	vadd.f32 v20, v2;
	v9 =	vld [tilespmem:s29+$0xFFFFFF80]  }
0x1b7: {  	s6 =	sadd.s32 $0x1836, s28;
	v12 =	vadd.s32 s2, v1;
	v7 =	vld [tilespmem:s29+$0xFFFFFC80];
	v16 =	vadd.f32 v16, v2;
	[tilespmem:v17+s17+$0x0] =	vst.idx.msk $0xffff, v15;
	s29 =	sadd.s32 $0x400, s29  }
0x1b8: {  	s2 =	sadd.s32 $0x1830, s28;
	s28 =	smov.u32 s0;
	s0 =	sadd.s32 $0x8, s0;
	v15 =	vadd.s32 s6, v1;
	v10 =	vld [tilespmem:s29+$0xFFFFFFD0];
	[tilespmem:v21+s17+$0x0] =	vst.idx.msk $0xffff, v18;
	v17 =	vadd.f32 v22, v2  }
0x1b9: {  	_ =	sdelay $0x3  }
0x1ba: {  	v18 =	vld [tilespmem:s29+$0xFFFFFCD0];
	s0 =	sadd.s32 $0x7, s28;
	v19 =	vadd.s32 s2, v1;
	[tilespmem:v13+s17+$0x0] =	vst.idx.msk $0xffff, v16;
	v8 =	vadd.f32 v8, v2  }
0x1bb: {  	s9 =	sadd.s32 $0x1, s28;
	v46 =	vld [tilespmem:s29+$0xFFFFFD50];
	v16 =	vadd.s32 s0, v1;
	[tilespmem:v14+s17+$0x0] =	vst.idx.msk $0xffff, v17;
	v6 =	vadd.f32 v6, v2  }
0x1bc: {  	s13 =	sadd.s32 $0x2, s28;
	v47 =	vadd.s32 s9, v1;
	v17 =	vld [tilespmem:s29+$0xFFFFFDD0];
	[tilespmem:v11+s17+$0x0] =	vst.idx.msk $0xffff, v8;
	v8 =	vadd.f32 v9, v2  }
0x1bd: {  	s14 =	sadd.s32 $0x3, s28;
	v9 =	vadd.s32 s13, v1;
	v11 =	vld [tilespmem:s29+$0xFFFFFE50];
	v7 =	vadd.f32 v7, v2;
	[tilespmem:v12+s17+$0x0] =	vst.idx.msk $0xffff, v6  }
0x1be: {  	s15 =	sadd.s32 $0x4, s28;
	v48 =	vld [tilespmem:s29+$0xFFFFFED0];
	v6 =	vadd.s32 s14, v1;
	v10 =	vadd.f32 v10, v5;
	[tilespmem:v15+s17+$0x0] =	vst.idx.msk $0xffff, v8  }
0x1bf: {  	s2 =	sadd.s32 $0x5, s28;
	v15 =	vadd.s32 s15, v1;
	v8 =	vadd.f32 v18, v5;
	v18 =	vld [tilespmem:s29+$0xFFFFFF50];
	[tilespmem:v19+s17+$0x0] =	vst.idx.msk $0xffff, v7  }
0x1c0: {  	s6 =	sadd.s32 $0x6, s28;
	v7 =	vld [tilespmem:s29+$0xFFFFFC50];
	v13 =	vadd.f32 v46, v5;
	v19 =	vadd.s32 s2, v1;
	[tilespmem:v16+s17+$0x0] =	vst.idx.msk $0xffff, v10  }
0x1c1: {  	v10 =	vadd.s32 s6, v1;
	[tilespmem:v47+s17+$0x0] =	vst.idx.msk $0xffff, v8;
	v8 =	vadd.f32 v17, v5;
	v49 =	vld [tilespmem:s29+$0xFFFFFFE0]  }
0x1c2: {  	s9 =	sadd.s32 $0x817, s28;
	v16 =	vadd.s32 s28, v1;
	[tilespmem:v9+s17+$0x0] =	vst.idx.msk $0xffff, v13;
	v9 =	vadd.f32 v11, v5;
	v17 =	vld [tilespmem:s29+$0xFFFFFCE0]  }
0x1c3: {  	s13 =	sadd.s32 $0x811, s28;
	v11 =	vld [tilespmem:s29+$0xFFFFFD60];
	[tilespmem:v6+s17+$0x0] =	vst.idx.msk $0xffff, v8;
	v6 =	vadd.f32 v48, v5;
	v8 =	vadd.s32 s9, v1  }
0x1c4: {  	v50 =	vadd.s32 s13, v1;
	s14 =	sadd.s32 $0x812, s28;
	[tilespmem:v15+s17+$0x0] =	vst.idx.msk $0xffff, v9;
	v51 =	vld [tilespmem:s29+$0xFFFFFDE0];
	v9 =	vadd.f32 v18, v5  }
0x1c5: {  	s15 =	sadd.s32 $0x813, s28;
	v5 =	vadd.f32 v7, v5;
	v7 =	vadd.s32 s14, v1;
	v15 =	vld [tilespmem:s29+$0xFFFFFE60];
	[tilespmem:v19+s17+$0x0] =	vst.idx.msk $0xffff, v6  }
0x1c6: {  	s2 =	sadd.s32 $0x814, s28;
	v6 =	vadd.s32 s15, v1;
	v18 =	vld [tilespmem:s29+$0xFFFFFEE0];
	[tilespmem:v10+s17+$0x0] =	vst.idx.msk $0xffff, v9;
	v9 =	vadd.f32 v49, v4  }
0x1c7: {  	s6 =	sadd.s32 $0x815, s28;
	[tilespmem:v16+s17+$0x0] =	vst.idx.msk $0xffff, v5;
	v10 =	vadd.s32 s2, v1;
	v5 =	vadd.f32 v17, v4;
	v52 =	vld [tilespmem:s29+$0xFFFFFF60]  }
0x1c8: {  	s9 =	sadd.s32 $0x816, s28;
	v16 =	vld [tilespmem:s29+$0xFFFFFC60];
	v11 =	vadd.f32 v11, v4;
	v17 =	vadd.s32 s6, v1;
	[tilespmem:v8+s17+$0x0] =	vst.idx.msk $0xffff, v9  }
0x1c9: {  	s13 =	sadd.s32 $0x810, s28;
	v8 =	vadd.s32 s9, v1;
	[tilespmem:v50+s17+$0x0] =	vst.idx.msk $0xffff, v5;
	v5 =	vadd.f32 v51, v4;
	v9 =	vld [tilespmem:s29+$0xFFFFFFF0]  }
0x1ca: {  	v53 =	vadd.s32 s13, v1;
	s14 =	sadd.s32 $0x1027, s28;
	[tilespmem:v7+s17+$0x0] =	vst.idx.msk $0xffff, v11;
	v7 =	vadd.f32 v15, v4;
	v54 =	vld [tilespmem:s29+$0xFFFFFCF0]  }
0x1cb: {  	s15 =	sadd.s32 $0x1021, s28;
	v11 =	vld [tilespmem:s29+$0xFFFFFD70];
	[tilespmem:v6+s17+$0x0] =	vst.idx.msk $0xffff, v5;
	v5 =	vadd.f32 v18, v4;
	v6 =	vadd.s32 s14, v1  }
0x1cc: {  	s2 =	sadd.s32 $0x1022, s28;
	v15 =	vadd.s32 s15, v1;
	[tilespmem:v10+s17+$0x0] =	vst.idx.msk $0xffff, v7;
	v18 =	vld [tilespmem:s29+$0xFFFFFDF0];
	v7 =	vadd.f32 v52, v4  }
0x1cd: {  	s6 =	sadd.s32 $0x1023, s28;
	v10 =	vadd.s32 s2, v1;
	v4 =	vadd.f32 v16, v4;
	v55 =	vld [tilespmem:s29+$0xFFFFFE70];
	[tilespmem:v17+s17+$0x0] =	vst.idx.msk $0xffff, v5  }
0x1ce: {  	s9 =	sadd.s32 $0x1024, s28;
	v5 =	vadd.s32 s6, v1;
	v16 =	vld [tilespmem:s29+$0xFFFFFEF0];
	[tilespmem:v8+s17+$0x0] =	vst.idx.msk $0xffff, v7;
	v7 =	vadd.f32 v9, v3  }
0x1cf: {  	s13 =	sadd.s32 $0x1025, s28;
	[tilespmem:v53+s17+$0x0] =	vst.idx.msk $0xffff, v4;
	v8 =	vadd.s32 s9, v1;
	v4 =	vadd.f32 v54, v3;
	v9 =	vld [tilespmem:s29+$0xFFFFFF70]  }
0x1d0: {  	v56 =	vadd.s32 s13, v1;
	s14 =	sadd.s32 $0x1026, s28;
	v12 =	vld [tilespmem:s29+$0xFFFFFC70];
	v11 =	vadd.f32 v11, v3;
	[tilespmem:v6+s17+$0x0] =	vst.idx.msk $0xffff, v7  }
0x1d1: {  	s15 =	sadd.s32 $0x1020, s28;
	v6 =	vadd.s32 s14, v1;
	[tilespmem:v15+s17+$0x0] =	vst.idx.msk $0xffff, v4;
	v4 =	vadd.f32 v18, v3;
	v7 =	vld [tilespmem:s29+$0x0]  }
0x1d2: {  	v15 =	vadd.s32 s15, v1;
	[tilespmem:v10+s17+$0x0] =	vst.idx.msk $0xffff, v11;
	v10 =	vadd.f32 v55, v3;
	v17 =	vld [tilespmem:s29+$0xFFFFFD00]  }
0x1d3: {  	s6 =	sadd.s32 $0x1837, s28;
	v11 =	vld [tilespmem:s29+$0xFFFFFD80];
	[tilespmem:v5+s17+$0x0] =	vst.idx.msk $0xffff, v4;
	v4 =	vadd.f32 v16, v3  }
0x1d4: {  	s9 =	sadd.s32 $0x1831, s28;
	v5 =	vadd.s32 s6, v1;
	[tilespmem:v8+s17+$0x0] =	vst.idx.msk $0xffff, v10;
	v16 =	vld [tilespmem:s29+$0xFFFFFE00];
	v8 =	vadd.f32 v9, v3  }
0x1d5: {  	s13 =	sadd.s32 $0x1832, s28;
	v57 =	vadd.s32 s9, v1;
	v3 =	vadd.f32 v12, v3;
	v10 =	vld [tilespmem:s29+$0xFFFFFE80];
	[tilespmem:v56+s17+$0x0] =	vst.idx.msk $0xffff, v4  }
0x1d6: {  	s14 =	sadd.s32 $0x1833, s28;
	v9 =	vadd.s32 s13, v1;
	v58 =	vld [tilespmem:s29+$0xFFFFFF00];
	[tilespmem:v6+s17+$0x0] =	vst.idx.msk $0xffff, v8  }
0x1d7: {  	s15 =	sadd.s32 $0x1834, s28;
	v4 =	vadd.s32 s14, v1;
	v6 =	vadd.f32 v7, v2;
	[tilespmem:v15+s17+$0x0] =	vst.idx.msk $0xffff, v3;
	v8 =	vld [tilespmem:s29+$0xFFFFFF80]  }
0x1d8: {  	s2 =	sadd.s32 $0x1835, s28;
	v7 =	vadd.s32 s15, v1;
	v3 =	vadd.f32 v17, v2;
	v59 =	vld [tilespmem:s29+$0xFFFFFC80]  }
0x1d9: {  	s9 =	sadd.s32 $0x1830, s28;
	v15 =	vadd.s32 s2, v1;
	v11 =	vadd.f32 v11, v2;
	[tilespmem:v5+s17+$0x0] =	vst.idx.msk $0xffff, v6  }
0x1da: {  	s6 =	sadd.s32 $0x1836, s28;
	v6 =	vadd.s32 s9, v1;
	[tilespmem:v57+s17+$0x0] =	vst.idx.msk $0xffff, v3;
	v3 =	vadd.f32 v16, v2  }
0x1db: {  	s13 =	simm.s32 $0x387;
	v5 =	vadd.s32 s6, v1;
	[tilespmem:v9+s17+$0x0] =	vst.idx.msk $0xffff, v11;
	v9 =	vadd.f32 v10, v2  }
0x1dc: {  	[tilespmem:v4+s17+$0x0] =	vst.idx.msk $0xffff, v3;
	v3 =	vadd.f32 v58, v2;
	v4 =	vadd.s32 s13, v0  }
0x1dd: {  	s15 =	simm.s32 $0x0;
	[tilespmem:v7+s17+$0x0] =	vst.idx.msk $0xffff, v9;
	v7 =	vadd.f32 v8, v2;
	v2 =	vadd.f32 v59, v2  }
0x1de: {  	s14 =	simm.s32 $0x183;
	[tilespmem:v15+s17+$0x0] =	vst.idx.msk $0xffff, v3;
	v3 =	vadd.s32 s15, v0  }
0x1df: {  	s9 =	simm.s32 $0x204;
	[tilespmem:v6+s17+$0x0] =	vst.idx.msk $0xffff, v2;
	v2 =	vadd.s32 s14, v0  }
0x1e0: {  	[tilespmem:v5+s17+$0x0] =	vst.idx.msk $0xffff, v7;
	v6 =	vadd.s32 s9, v0  }
0x1e1: {  	s6 =	simm.s32 $0x397;
	v4 =	vld.idx.msk [tilespmem:v4+s17+$0x0], $0xffff  }
0x1e2: {  	v5 =	vadd.s32 s6, v0;
	s14 =	simm.s32 $0x102  }
0x1e3: {  	s13 =	simm.s32 $0x81;
	v8 =	vadd.s32 s14, v0;
	v3 =	vld.idx.msk [tilespmem:v3+s17+$0x0], $0xffff  }
0x1e4: {  	s15 =	simm.s32 $0x306;
	v7 =	vadd.s32 s13, v0;
	v2 =	vld.idx.msk [tilespmem:v2+s17+$0x0], $0xffff  }
0x1e5: {  	s28 =	simm.s32 $0x107F0;
	v9 =	vadd.s32 s15, v0;
	s13 =	simm.s32 $0x214;
	v6 =	vld.idx.msk [tilespmem:v6+s17+$0x0], $0xffff  }
0x1e6: {  	s2 =	simm.s32 $0x193;
	v60 =	vadd.s32 s13, v0;
	[tilespmem:s28+$0xFFFFFF90] =	vst v4  }
0x1e7: {  	s6 =	simm.s32 $0x3A7;
	v4 =	vadd.s32 s2, v0;
	v5 =	vld.idx.msk [tilespmem:v5+s17+$0x0], $0xffff  }
0x1e8: {  	s9 =	simm.s32 $0x10;
	v10 =	vadd.s32 s6, v0;
	v8 =	vld.idx.msk [tilespmem:v8+s17+$0x0], $0xffff;
	[tilespmem:s28+$0xFFFFFC10] =	vst v3  }
0x1e9: {  	v11 =	vadd.s32 s9, v0;
	s14 =	simm.s32 $0x112;
	v7 =	vld.idx.msk [tilespmem:v7+s17+$0x0], $0xffff;
	[tilespmem:s28+$0xFFFFFD90] =	vst v2  }
0x1ea: {  	s15 =	simm.s32 $0x316;
	v3 =	vadd.s32 s14, v0;
	v2 =	vld.idx.msk [tilespmem:v9+s17+$0x0], $0xffff;
	[tilespmem:s28+$0xFFFFFE10] =	vst v6  }
0x1eb: {  	s2 =	simm.s32 $0x91;
	v9 =	vadd.s32 s15, v0;
	v12 =	vld.idx.msk [tilespmem:v60+s17+$0x0], $0xffff  }
0x1ec: {  	s13 =	simm.s32 $0x1A3;
	v4 =	vld.idx.msk [tilespmem:v4+s17+$0x0], $0xffff;
	[tilespmem:s28+$0xFFFFFFA0] =	vst v5;
	v5 =	vadd.s32 s2, v0  }
0x1ed: {  	s6 =	simm.s32 $0x3B7;
	[tilespmem:s28+$0xFFFFFD10] =	vst v8;
	v8 =	vadd.s32 s13, v0;
	v6 =	vld.idx.msk [tilespmem:v10+s17+$0x0], $0xffff  }
0x1ee: {  	s9 =	simm.s32 $0x285;
	[tilespmem:s28+$0xFFFFFC90] =	vst v7;
	v7 =	vadd.s32 s6, v0;
	v10 =	vld.idx.msk [tilespmem:v11+s17+$0x0], $0xffff  }
0x1ef: {  	v11 =	vadd.s32 s9, v0;
	[tilespmem:s28+$0xFFFFFF10] =	vst v2;
	v2 =	vld.idx.msk [tilespmem:v3+s17+$0x0], $0xffff  }
0x1f0: {  	s14 =	simm.s32 $0x122;
	v3 =	vld.idx.msk [tilespmem:v9+s17+$0x0], $0xffff  }
0x1f1: {  	s15 =	simm.s32 $0x224;
	[tilespmem:s28+$0xFFFFFDA0] =	vst v4;
	v4 =	vadd.s32 s14, v0;
	v5 =	vld.idx.msk [tilespmem:v5+s17+$0x0], $0xffff  }
0x1f2: {  	s6 =	simm.s32 $0xA1;
	v9 =	vadd.s32 s15, v0;
	v8 =	vld.idx.msk [tilespmem:v8+s17+$0x0], $0xffff;
	[tilespmem:s28+$0xFFFFFFB0] =	vst v6  }
0x1f3: {  	s9 =	simm.s32 $0x3C7;
	[tilespmem:s28+$0xFFFFFE20] =	vst v12;
	v6 =	vadd.s32 s6, v0;
	v7 =	vld.idx.msk [tilespmem:v7+s17+$0x0], $0xffff  }
0x1f4: {  	[tilespmem:s28+$0xFFFFFC20] =	vst v10;
	v10 =	vld.idx.msk [tilespmem:v11+s17+$0x0], $0xffff;
	v11 =	vadd.s32 s9, v0  }
0x1f5: {  	s15 =	simm.s32 $0x20;
	[tilespmem:s28+$0xFFFFFD20] =	vst v2  }
0x1f6: {  	s13 =	simm.s32 $0x326;
	v61 =	vadd.s32 s15, v0;
	[tilespmem:s28+$0xFFFFFF20] =	vst v3;
	v3 =	vld.idx.msk [tilespmem:v4+s17+$0x0], $0xffff  }
0x1f7: {  	s14 =	simm.s32 $0x295;
	v2 =	vadd.s32 s13, v0;
	v4 =	vld.idx.msk [tilespmem:v9+s17+$0x0], $0xffff;
	[tilespmem:s28+$0xFFFFFCA0] =	vst v5  }
0x1f8: {  	s2 =	simm.s32 $0x234;
	v9 =	vadd.s32 s14, v0;
	v62 =	vld.idx.msk [tilespmem:v6+s17+$0x0], $0xffff;
	[tilespmem:s28+$0xFFFFFFC0] =	vst v7  }
0x1f9: {  	p2 =	por $0x1, $0x1;
	v63 =	vadd.s32 s2, v0;
	[tilespmem:s28+$0xFFFFFDB0] =	vst v8;
	v15 =	vld.idx.msk [tilespmem:v11+s17+$0x0], $0xffff  }
.Ltmp7:
0x1fa: {  	[tilespmem:s28+$0xFFFFFE90] =	vst v10;
	(pc) =	sbr.rel @!p2 .LBB2_13-.Ltmp7, $4  }
0x1fb: {  	s15 =	simm.s32 $0xB1;
	v10 =	vld.idx.msk [tilespmem:v61+s17+$0x0], $0xffff;
	[tilespmem:s28+$0xFFFFFD30] =	vst v3  }
0x1fc: {  	v16 =	vadd.s32 s15, v0;
	s6 =	simm.s32 $0x30;
	s9 =	simm.s32 $0x1B3;
	v2 =	vld.idx.msk [tilespmem:v2+s17+$0x0], $0xffff;
	[tilespmem:s28+$0xFFFFFE30] =	vst v4  }
0x1fd: {  	s31 =	simm.s32 $0x3F7;
	s13 =	simm.s32 $0x2A5;
	s14 =	simm.s32 $0x3D7;
	v5 =	vadd.s32 s6, v0;
	v6 =	vadd.s32 s9, v0;
	v3 =	vld.idx.msk [tilespmem:v9+s17+$0x0], $0xffff;
	[tilespmem:s28+$0xFFFFFCB0] =	vst v62  }
0x1fe: {  	s30 =	simm.s32 $0x10BF0;
	p0 =	por $0x0, $0x0;
	s29 =	simm.s32 $0x7FF;
	v7 =	vadd.s32 s14, v0;
	v11 =	vadd.s32 s13, v0;
	v8 =	vld.idx.msk [tilespmem:v63+s17+$0x0], $0xffff;
	[tilespmem:s28+$0xFFFFFFD0] =	vst v15  }
0x1ff: {  	_ =	sdelay $0x2  }
0x200: {  	s0 =	simm.s32 $0x408  }
0x201: {  	s2 =	simm.s32 $0x58B;
	v4 =	vld.idx.msk [tilespmem:v7+s17+$0x0], $0xffff;
	v9 =	vadd.s32 s0, v0  }
0x202: {  	s13 =	simm.s32 $0x78F;
	v12 =	vld.idx.msk [tilespmem:v16+s17+$0x0], $0xffff;
	v7 =	vadd.s32 s2, v0  }
0x203: {  	s14 =	simm.s32 $0x60C;
	v6 =	vld.idx.msk [tilespmem:v6+s17+$0x0], $0xffff;
	v13 =	vadd.s32 s13, v0;
	[tilespmem:s28+$0xFFFFFC30] =	vst v10  }
0x204: {  	s15 =	simm.s32 $0x68D;
	v14 =	vadd.s32 s14, v0;
	v5 =	vld.idx.msk [tilespmem:v5+s17+$0x0], $0xffff;
	[tilespmem:s28+$0xFFFFFEA0] =	vst v3  }
0x205: {  	s9 =	simm.s32 $0x489;
	v10 =	vadd.s32 s15, v0;
	v11 =	vld.idx.msk [tilespmem:v11+s17+$0x0], $0xffff  }
0x206: {  	s6 =	simm.s32 $0x50A;
	v17 =	vadd.s32 s9, v0;
	v9 =	vld.idx.msk [tilespmem:v9+s17+$0x0], $0xffff  }
0x207: {  	s2 =	simm.s32 $0x70E;
	v16 =	vadd.s32 s6, v0;
	v7 =	vld.idx.msk [tilespmem:v7+s17+$0x0], $0xffff  }
0x208: {  	s13 =	simm.s32 $0x132;
	v15 =	vadd.s32 s2, v0;
	v13 =	vld.idx.msk [tilespmem:v13+s17+$0x0], $0xffff  }
0x209: {  	s14 =	simm.s32 $0x40;
	v18 =	vadd.s32 s13, v0;
	[tilespmem:s28+$0xFFFFFF30] =	vst v2;
	v14 =	vld.idx.msk [tilespmem:v14+s17+$0x0], $0xffff  }
0x20a: {  	s15 =	simm.s32 $0x59B;
	[tilespmem:s28+$0xFFFFFCC0] =	vst v12;
	v12 =	vadd.s32 s14, v0;
	v10 =	vld.idx.msk [tilespmem:v10+s17+$0x0], $0xffff  }
0x20b: {  	s6 =	simm.s32 $0xC1;
	[tilespmem:s28+$0xFFFFFE40] =	vst v8;
	v8 =	vadd.s32 s15, v0;
	v17 =	vld.idx.msk [tilespmem:v17+s17+$0x0], $0xffff  }
0x20c: {  	s9 =	simm.s32 $0x418;
	[tilespmem:s28+$0xFFFFFC40] =	vst v5;
	v5 =	vld.idx.msk [tilespmem:v16+s17+$0x0], $0xffff;
	v16 =	vadd.s32 s6, v0  }
0x20d: {  	v19 =	vadd.s32 s9, v0;
	v15 =	vld.idx.msk [tilespmem:v15+s17+$0x0], $0xffff;
	s6 =	simm.s32 $0x61C;
	[tilespmem:s30+$0xFFFFFD90] =	vst v7  }
0x20e: {  	s13 =	simm.s32 $0x336;
	v3 =	vadd.s32 s6, v0;
	[tilespmem:s30+$0xFFFFFF90] =	vst v13;
	v7 =	vld.idx.msk [tilespmem:v18+s17+$0x0], $0xffff  }
0x20f: {  	s14 =	simm.s32 $0x79F;
	v13 =	vadd.s32 s13, v0;
	[tilespmem:s30+$0xFFFFFC10] =	vst v9;
	v9 =	vld.idx.msk [tilespmem:v12+s17+$0x0], $0xffff  }
0x210: {  	s15 =	simm.s32 $0x71E;
	[tilespmem:s28+$0xFFFFFDC0] =	vst v6;
	v18 =	vadd.s32 s14, v0;
	v8 =	vld.idx.msk [tilespmem:v8+s17+$0x0], $0xffff  }
0x211: {  	s9 =	simm.s32 $0x499;
	[tilespmem:s28+$0xFFFFFEB0] =	vst v11;
	v12 =	vadd.s32 s15, v0;
	v16 =	vld.idx.msk [tilespmem:v16+s17+$0x0], $0xffff  }
0x212: {  	s2 =	simm.s32 $0x50;
	[tilespmem:s30+$0xFFFFFE10] =	vst v14;
	v14 =	vadd.s32 s9, v0;
	v19 =	vld.idx.msk [tilespmem:v19+s17+$0x0], $0xffff  }
0x213: {  	v2 =	vadd.s32 s2, v0;
	[tilespmem:s30+$0xFFFFFC90] =	vst v17;
	s15 =	simm.s32 $0x5AB;
	v3 =	vld.idx.msk [tilespmem:v3+s17+$0x0], $0xffff  }
0x214: {  	s9 =	simm.s32 $0x142;
	[tilespmem:s30+$0xFFFFFF10] =	vst v15;
	v17 =	vadd.s32 s15, v0;
	v13 =	vld.idx.msk [tilespmem:v13+s17+$0x0], $0xffff  }
0x215: {  	s13 =	simm.s32 $0xD1;
	[tilespmem:s30+$0xFFFFFD10] =	vst v5;
	v5 =	vadd.s32 s9, v0;
	v15 =	vld.idx.msk [tilespmem:v18+s17+$0x0], $0xffff  }
0x216: {  	s14 =	simm.s32 $0x244;
	v12 =	vld.idx.msk [tilespmem:v12+s17+$0x0], $0xffff;
	[tilespmem:s28+$0xFFFFFC50] =	vst v9;
	v9 =	vadd.s32 s13, v0  }
0x217: {  	s6 =	simm.s32 $0x51A;
	v14 =	vld.idx.msk [tilespmem:v14+s17+$0x0], $0xffff;
	[tilespmem:s30+$0xFFFFFDA0] =	vst v8;
	v8 =	vadd.s32 s14, v0  }
0x218: {  	s13 =	simm.s32 $0x1C3;
	v2 =	vld.idx.msk [tilespmem:v2+s17+$0x0], $0xffff;
	[tilespmem:s28+$0xFFFFFCD0] =	vst v16;
	v16 =	vadd.s32 s6, v0  }
0x219: {  	s15 =	simm.s32 $0x72E;
	[tilespmem:s28+$0xFFFFFD40] =	vst v7;
	v7 =	vadd.s32 s13, v0;
	v17 =	vld.idx.msk [tilespmem:v17+s17+$0x0], $0xffff  }
0x21a: {  	s2 =	simm.s32 $0x4A9;
	v18 =	vadd.s32 s15, v0;
	[tilespmem:s30+$0xFFFFFE20] =	vst v3;
	v3 =	vld.idx.msk [tilespmem:v5+s17+$0x0], $0xffff  }
0x21b: {  	v6 =	vadd.s32 s2, v0;
	[tilespmem:s30+$0xFFFFFC20] =	vst v19;
	s6 =	simm.s32 $0x7AF;
	v9 =	vld.idx.msk [tilespmem:v9+s17+$0x0], $0xffff  }
0x21c: {  	s14 =	simm.s32 $0x62C;
	v19 =	vadd.s32 s6, v0;
	[tilespmem:s28+$0xFFFFFF40] =	vst v13;
	v8 =	vld.idx.msk [tilespmem:v8+s17+$0x0], $0xffff  }
0x21d: {  	s9 =	simm.s32 $0xE1;
	v13 =	vadd.s32 s14, v0;
	[tilespmem:s30+$0xFFFFFF20] =	vst v12;
	v16 =	vld.idx.msk [tilespmem:v16+s17+$0x0], $0xffff  }
0x21e: {  	s13 =	simm.s32 $0x2B5;
	v5 =	vadd.s32 s9, v0;
	[tilespmem:s30+$0xFFFFFCA0] =	vst v14;
	v7 =	vld.idx.msk [tilespmem:v7+s17+$0x0], $0xffff  }
0x21f: {  	s15 =	simm.s32 $0x1D3;
	v12 =	vadd.s32 s13, v0;
	[tilespmem:s28+$0xFFFFFC60] =	vst v2;
	v2 =	vld.idx.msk [tilespmem:v18+s17+$0x0], $0xffff  }
0x220: {  	s6 =	simm.s32 $0x152;
	[tilespmem:s30+$0xFFFFFFA0] =	vst v15;
	v18 =	vld.idx.msk [tilespmem:v6+s17+$0x0], $0xffff;
	v6 =	vadd.s32 s15, v0  }
0x221: {  	s14 =	simm.s32 $0x346;
	v15 =	vadd.s32 s6, v0;
	v14 =	vld.idx.msk [tilespmem:v19+s17+$0x0], $0xffff;
	[tilespmem:s28+$0xFFFFFD50] =	vst v3  }
0x222: {  	s2 =	simm.s32 $0x254;
	v11 =	vld.idx.msk [tilespmem:v13+s17+$0x0], $0xffff;
	v13 =	vadd.s32 s14, v0;
	[tilespmem:s28+$0xFFFFFCE0] =	vst v9  }
0x223: {  	s9 =	simm.s32 $0x69D;
	v9 =	vadd.s32 s2, v0;
	v5 =	vld.idx.msk [tilespmem:v5+s17+$0x0], $0xffff;
	[tilespmem:s28+$0xFFFFFE50] =	vst v8  }
0x224: {  	s13 =	simm.s32 $0x52A;
	v8 =	vadd.s32 s9, v0;
	[tilespmem:s28+$0xFFFFFDD0] =	vst v7;
	v7 =	vld.idx.msk [tilespmem:v12+s17+$0x0], $0xffff  }
0x225: {  	s15 =	simm.s32 $0x7BF;
	[tilespmem:s30+$0xFFFFFD20] =	vst v16;
	v12 =	vadd.s32 s13, v0;
	v6 =	vld.idx.msk [tilespmem:v6+s17+$0x0], $0xffff  }
0x226: {  	s14 =	simm.s32 $0x2C5;
	v16 =	vadd.s32 s15, v0;
	[tilespmem:s30+$0xFFFFFFB0] =	vst v14;
	v14 =	vld.idx.msk [tilespmem:v15+s17+$0x0], $0xffff  }
0x227: {  	[tilespmem:s30+$0xFFFFFE90] =	vst v10;
	v10 =	vadd.s32 s14, v0;
	s15 =	simm.s32 $0x60;
	v13 =	vld.idx.msk [tilespmem:v13+s17+$0x0], $0xffff  }
0x228: {  	s6 =	simm.s32 $0x356;
	[tilespmem:s30+$0xFFFFFDB0] =	vst v17;
	v17 =	vadd.s32 s15, v0;
	v9 =	vld.idx.msk [tilespmem:v9+s17+$0x0], $0xffff  }
0x229: {  	s13 =	simm.s32 $0x3E7;
	v15 =	vadd.s32 s6, v0;
	v3 =	vld.idx.msk [tilespmem:v8+s17+$0x0], $0xffff  }
0x22a: {  	s14 =	simm.s32 $0x162;
	v8 =	vld.idx.msk [tilespmem:v12+s17+$0x0], $0xffff;
	[tilespmem:s28+$0xFFFFFEC0] =	vst v7;
	v7 =	vadd.s32 s13, v0  }
0x22b: {  	s9 =	simm.s32 $0x264;
	[tilespmem:s28+$0xFFFFFCF0] =	vst v5;
	v12 =	vadd.s32 s14, v0;
	v16 =	vld.idx.msk [tilespmem:v16+s17+$0x0], $0xffff  }
0x22c: {  	s6 =	simm.s32 $0x428;
	v5 =	vadd.s32 s9, v0;
	v10 =	vld.idx.msk [tilespmem:v10+s17+$0x0], $0xffff;
	[tilespmem:s28+$0xFFFFFF50] =	vst v13  }
0x22d: {  	s2 =	simm.s32 $0x2D5;
	v19 =	vadd.s32 s6, v0;
	[tilespmem:s28+$0xFFFFFE60] =	vst v9;
	v9 =	vld.idx.msk [tilespmem:v17+s17+$0x0], $0xffff  }
0x22e: {  	[tilespmem:s28+$0xFFFFFFE0] =	vst v4;
	s13 =	simm.s32 $0x7CF;
	v13 =	vadd.s32 s2, v0;
	v15 =	vld.idx.msk [tilespmem:v15+s17+$0x0], $0xffff  }
0x22f: {  	s14 =	simm.s32 $0x1E3;
	[tilespmem:s28+$0xFFFFFD60] =	vst v14;
	v20 =	vld.idx.msk [tilespmem:v7+s17+$0x0], $0xffff;
	v7 =	vadd.s32 s13, v0  }
0x230: {  	s6 =	simm.s32 $0x63C;
	[tilespmem:s30+$0xFFFFFD30] =	vst v8;
	v8 =	vld.idx.msk [tilespmem:v12+s17+$0x0], $0xffff;
	v12 =	vadd.s32 s14, v0  }
0x231: {  	[tilespmem:s30+$0xFFFFFE30] =	vst v11;
	s9 =	simm.s32 $0x366;
	v17 =	vadd.s32 s6, v0;
	v5 =	vld.idx.msk [tilespmem:v5+s17+$0x0], $0xffff  }
0x232: {  	s15 =	simm.s32 $0x172;
	v4 =	vadd.s32 s9, v0;
	[tilespmem:s28+$0xFFFFFED0] =	vst v10;
	v10 =	vld.idx.msk [tilespmem:v19+s17+$0x0], $0xffff  }
0x233: {  	[tilespmem:s30+$0xFFFFFFC0] =	vst v16;
	v16 =	vadd.s32 s15, v0;
	s13 =	simm.s32 $0xF1;
	v13 =	vld.idx.msk [tilespmem:v13+s17+$0x0], $0xffff  }
0x234: {  	s9 =	simm.s32 $0x2E5;
	[tilespmem:s28+$0xFFFFFDE0] =	vst v6;
	v22 =	vadd.s32 s13, v0;
	v21 =	vld.idx.msk [tilespmem:v7+s17+$0x0], $0xffff  }
0x235: {  	v19 =	vadd.s32 s9, v0;
	[tilespmem:s28+$0xFFFFFF60] =	vst v15;
	v12 =	vld.idx.msk [tilespmem:v12+s17+$0x0], $0xffff  }
0x236: {  	v23 =	vadd.s32 s31, v0;
	p2 =	por $0x1, $0x1;
	s9 =	simm.s32 $0x7DF;
	[tilespmem:s28+$0xFFFFFD70] =	vst v8;
	v8 =	vld.idx.msk [tilespmem:v17+s17+$0x0], $0xffff  }
.Ltmp8:
0x237: {  	[tilespmem:s30+$0xFFFFFCB0] =	vst v18;
	s13 =	simm.s32 $0x4B9;
	v7 =	vadd.s32 s9, v0;
	v14 =	vld.idx.msk [tilespmem:v4+s17+$0x0], $0xffff;
	(pc) =	sbr.rel @!p2 .LBB2_15-.Ltmp8, $4  }
0x238: {  	s31 =	simm.s32 $0x8;
	s14 =	simm.s32 $0x438;
	s15 =	simm.s32 $0x5BB;
	[tilespmem:s28+$0xFFFFFE70] =	vst v5;
	v15 =	vld.idx.msk [tilespmem:v16+s17+$0x0], $0xffff;
	v16 =	vadd.s32 s13, v0  }
0x239: {  	p0 =	por $0x1, $0x1;
	s6 =	simm.s32 $0x6AD;
	v6 =	vadd.s32 s15, v0;
	s15 =	simm.s32 $0x274;
	v5 =	vadd.s32 s14, v0;
	[tilespmem:s28+$0xFFFFFEE0] =	vst v13;
	v13 =	vld.idx.msk [tilespmem:v22+s17+$0x0], $0xffff  }
0x23a: {  	s0 =	simm.s32 $0xC07;
	[tilespmem:s28+$0xFFFFFFF0] =	vst v20;
	v4 =	vadd.s32 s6, v0;
	s6 =	simm.s32 $0x2F5;
	s13 =	simm.s32 $0x376;
	v17 =	vld.idx.msk [tilespmem:v19+s17+$0x0], $0xffff;
	v19 =	vadd.s32 s15, v0  }
0x23b: {  	s2 =	simm.s32 $0x10FF0;
	s14 =	simm.s32 $0x70;
	s9 =	simm.s32 $0x1F3;
	v18 =	vadd.s32 s6, v0;
	v20 =	vadd.s32 s13, v0;
	[tilespmem:s30+$0xFFFFFFD0] =	vst v21;
	v21 =	vld.idx.msk [tilespmem:v23+s17+$0x0], $0xffff  }
.LBB2_16:
0x23c: {  	s6 =	sadd.s32 $0xFFFFFC09, s0;
	s13 =	sadd.s32 $0xFFFFFD8C, s0;
	s15 =	sadd.s32 $0xFFFFFE8E, s0;
	v7 =	vld.idx.msk [tilespmem:v7+s17+$0x0], $0xffff;
	v11 =	vadd.s32 s14, v0;
	v22 =	vadd.s32 s9, v0;
	[tilespmem:s28+$0xFFFFFF70] =	vst v14  }
0x23d: {  	s9 =	sadd.s32 $0xFFFFFE0D, s0;
	v14 =	vadd.s32 s6, v0;
	s6 =	sadd.s32 $0xFFFFFC8A, s0;
	v23 =	vadd.s32 s13, v0;
	v24 =	vadd.s32 s15, v0;
	s13 =	sadd.s32 $0xFFFFFF90, s0;
	v16 =	vld.idx.msk [tilespmem:v16+s17+$0x0], $0xffff  }
0x23e: {  	s31 =	sadd.s32 $0x8, s31;
	v26 =	vadd.s32 s9, v0;
	s9 =	sadd.s32 $0xFFFFFF0F, s0;
	v25 =	vadd.s32 s6, v0;
	s6 =	sadd.s32 $0xFFFFFD0B, s0;
	v27 =	vadd.s32 s13, v0;
	[tilespmem:s28+$0xFFFFFD80] =	vst v15  }
0x23f: {  	p2 =	slt.u32 s31, $0x38;
	v28 =	vadd.s32 s9, v0;
	s9 =	smov.u32 s29;
	s29 =	smov.u32 s0;
	v15 =	vadd.s32 s6, v0;
	[tilespmem:s30+$0xFFFFFC30] =	vst v10;
	v10 =	vld.idx.msk [tilespmem:v19+s17+$0x0], $0xffff  }
0x240: {  	[tilespmem:s28+$0xFFFFFEF0] =	vst v17;
	v17 =	vld.idx.msk [tilespmem:v20+s17+$0x0], $0xffff  }
0x241: {  	[tilespmem:s28+$0xFFFFFDF0] =	vst v12;
	v12 =	vld.idx.msk [tilespmem:v18+s17+$0x0], $0xffff  }
0x242: {  	v18 =	vld.idx.msk [tilespmem:v22+s17+$0x0], $0xffff;
	[tilespmem:s28+$0x0] =	vst v21  }
0x243: {  	s6 =	sadd.s32 $0xFFFFFC19, s0;
	v19 =	vld.idx.msk [tilespmem:v6+s17+$0x0], $0xffff;
	[tilespmem:s28+$0xFFFFFC70] =	vst v9  }
0x244: {  	v6 =	vadd.s32 s6, v0;
	s6 =	sadd.s32 $0xFFFFFFA0, s0;
	[tilespmem:s30+$0xFFFFFCC0] =	vst v16;
	v11 =	vld.idx.msk [tilespmem:v11+s17+$0x0], $0xffff  }
0x245: {  	s13 =	sadd.s32 $0xFFFFFF1F, s0;
	v16 =	vadd.s32 s6, v0;
	v5 =	vld.idx.msk [tilespmem:v5+s17+$0x0], $0xffff;
	[tilespmem:s30+$0xFFFFFE40] =	vst v8  }
0x246: {  	v20 =	vadd.s32 s13, v0;
	s6 =	sadd.s32 $0xFFFFFD9C, s0;
	v14 =	vld.idx.msk [tilespmem:v14+s17+$0x0], $0xffff;
	[tilespmem:s28+$0xFFFFFE80] =	vst v10  }
0x247: {  	v21 =	vadd.s32 s6, v0;
	v10 =	vld.idx.msk [tilespmem:v23+s17+$0x0], $0xffff;
	[tilespmem:s28+$0xFFFFFD00] =	vst v13  }
0x248: {  	s13 =	sadd.s32 $0xFFFFFD3B, s9;
	s6 =	sadd.s32 $0xFFFFFE1D, s0;
	v13 =	vld.idx.msk [tilespmem:v27+s17+$0x0], $0xffff;
	[tilespmem:s28+$0xFFFFFF80] =	vst v17  }
0x249: {  	s14 =	sadd.s32 $0xFFFFFC9A, s0;
	v22 =	vadd.s32 s6, v0;
	s6 =	sadd.s32 $0xFFFFFC49, s9;
	v23 =	vadd.s32 s13, v0;
	v17 =	vld.idx.msk [tilespmem:v26+s17+$0x0], $0xffff;
	[tilespmem:s28+$0xFFFFFE00] =	vst v18  }
0x24a: {  	s13 =	sadd.s32 $0xFFFFFC29, s0;
	v18 =	vadd.s32 s14, v0;
	v9 =	vld.idx.msk [tilespmem:v24+s17+$0x0], $0xffff;
	v24 =	vadd.s32 s6, v0;
	[tilespmem:s28+$0xFFFFFC80] =	vst v11  }
0x24b: {  	v8 =	vadd.s32 s13, v0;
	s13 =	sadd.s32 $0xFFFFFCCA, s9;
	s6 =	sadd.s32 $0xFFFFFFB0, s0;
	v11 =	vld.idx.msk [tilespmem:v28+s17+$0x0], $0xffff;
	[tilespmem:s30+$0xFFFFFC40] =	vst v5  }
0x24c: {  	s14 =	sadd.s32 $0xFFFFFF2F, s0;
	v26 =	vadd.s32 s6, v0;
	v5 =	vadd.s32 s13, v0;
	v15 =	vld.idx.msk [tilespmem:v15+s17+$0x0], $0xffff;
	[tilespmem:s28+$0xFFFFFF00] =	vst v12;
	s28 =	smov.u32 s30;
	s30 =	smov.u32 s2  }
0x24d: {  	s6 =	sadd.s32 $0xFFFFFDAC, s0;
	s13 =	sadd.s32 $0xFFFFFF3F, s9;
	v12 =	vld.idx.msk [tilespmem:v25+s17+$0x0], $0xffff;
	[tilespmem:s2+$0xFFFFFD90] =	vst v10;
	v10 =	vadd.s32 s14, v0  }
0x24e: {  	s14 =	sadd.s32 $0xFFFFFD1B, s0;
	v25 =	vadd.s32 s6, v0;
	[tilespmem:s2+$0xFFFFFF90] =	vst v13;
	v13 =	vld.idx.msk [tilespmem:v23+s17+$0x0], $0xffff;
	v23 =	vadd.s32 s13, v0  }
0x24f: {  	s6 =	sadd.s32 $0xFFFFFE2D, s0;
	[tilespmem:s2+$0xFFFFFC10] =	vst v14;
	v14 =	vadd.s32 s14, v0;
	v24 =	vld.idx.msk [tilespmem:v24+s17+$0x0], $0xffff  }
0x250: {  	s13 =	sadd.s32 $0xFFFFFCAA, s0;
	v27 =	vadd.s32 s6, v0;
	s6 =	sadd.s32 $0xFFFFFC59, s9;
	v21 =	vld.idx.msk [tilespmem:v21+s17+$0x0], $0xffff;
	[tilespmem:s28+$0xFFFFFF30] =	vst v2  }
0x251: {  	v28 =	vadd.s32 s13, v0;
	v2 =	vadd.s32 s6, v0;
	v29 =	vld.idx.msk [tilespmem:v5+s17+$0x0], $0xffff;
	[tilespmem:s28+$0xFFFFFEA0] =	vst v3  }
0x252: {  	v3 =	vld.idx.msk [tilespmem:v6+s17+$0x0], $0xffff;
	[tilespmem:s2+$0xFFFFFE10] =	vst v17  }
0x253: {  	s6 =	sadd.s32 $0xFFFFFC39, s0;
	[tilespmem:s2+$0xFFFFFC90] =	vst v12;
	v12 =	vld.idx.msk [tilespmem:v23+s17+$0x0], $0xffff  }
0x254: {  	v5 =	vadd.s32 s6, v0;
	s6 =	sadd.s32 $0xFFFFFCDA, s9;
	[tilespmem:s2+$0xFFFFFF10] =	vst v11;
	v11 =	vld.idx.msk [tilespmem:v16+s17+$0x0], $0xffff  }
0x255: {  	v17 =	vadd.s32 s6, v0;
	s6 =	sadd.s32 $0xFFFFFE4D, s9;
	v16 =	vld.idx.msk [tilespmem:v20+s17+$0x0], $0xffff;
	[tilespmem:s28+$0xFFFFFC50] =	vst v24  }
0x256: {  	v20 =	vadd.s32 s6, v0;
	[tilespmem:s2+$0xFFFFFDA0] =	vst v21;
	v2 =	vld.idx.msk [tilespmem:v2+s17+$0x0], $0xffff  }
0x257: {  	s13 =	sadd.s32 $0xFFFFFEAE, s0;
	s6 =	sadd.s32 $0xFFFFFDBC, s0;
	v21 =	vld.idx.msk [tilespmem:v22+s17+$0x0], $0xffff;
	[tilespmem:s28+$0xFFFFFCD0] =	vst v29  }
0x258: {  	v6 =	vadd.s32 s6, v0;
	s6 =	sadd.s32 $0xFFFFFD4B, s9;
	v18 =	vld.idx.msk [tilespmem:v18+s17+$0x0], $0xffff;
	[tilespmem:s2+$0xFFFFFD10] =	vst v15;
	v15 =	vadd.s32 s13, v0  }
0x259: {  	v22 =	vadd.s32 s6, v0;
	s6 =	sadd.s32 $0xFFFFFDCC, s9;
	v23 =	vld.idx.msk [tilespmem:v4+s17+$0x0], $0xffff;
	[tilespmem:s28+$0xFFFFFF40] =	vst v12;
	v4 =	vmov v15  }
0x25a: {  	v12 =	vld.idx.msk [tilespmem:v17+s17+$0x0], $0xffff;
	[tilespmem:s28+$0xFFFFFD40] =	vst v13;
	v13 =	vadd.s32 s6, v0  }
0x25b: {  	[tilespmem:s2+$0xFFFFFC20] =	vst v3;
	v3 =	vld.idx.msk [tilespmem:v20+s17+$0x0], $0xffff  }
0x25c: {  	v15 =	vld.idx.msk [tilespmem:v25+s17+$0x0], $0xffff;
	[tilespmem:s28+$0xFFFFFDC0] =	vst v19  }
0x25d: {  	v14 =	vld.idx.msk [tilespmem:v14+s17+$0x0], $0xffff;
	[tilespmem:s28+$0xFFFFFC60] =	vst v2  }
0x25e: {  	s6 =	sadd.s32 $0xFFFFFCEA, s9;
	[tilespmem:s2+$0xFFFFFE20] =	vst v21;
	v17 =	vld.idx.msk [tilespmem:v22+s17+$0x0], $0xffff  }
0x25f: {  	v19 =	vadd.s32 s6, v0;
	s6 =	sadd.s32 $0xFFFFFEBE, s9;
	v13 =	vld.idx.msk [tilespmem:v13+s17+$0x0], $0xffff;
	[tilespmem:s28+$0xFFFFFEB0] =	vst v23  }
0x260: {  	v20 =	vld.idx.msk [tilespmem:v27+s17+$0x0], $0xffff;
	[tilespmem:s2+$0xFFFFFF20] =	vst v16;
	v16 =	vadd.s32 s6, v0;
	s6 =	sadd.s32 $0xFFFFFF4F, s9  }
0x261: {  	s13 =	sadd.s32 $0xFFFFFDDC, s9;
	[tilespmem:s2+$0xFFFFFCA0] =	vst v18;
	v2 =	vld.idx.msk [tilespmem:v10+s17+$0x0], $0xffff;
	v10 =	vadd.s32 s6, v0  }
0x262: {  	s6 =	sadd.s32 $0xFFFFFE5D, s9;
	v18 =	vld.idx.msk [tilespmem:v28+s17+$0x0], $0xffff;
	[tilespmem:s2+$0xFFFFFFA0] =	vst v11;
	v11 =	vadd.s32 s13, v0  }
0x263: {  	s13 =	sadd.s32 $0xFFFFFD5B, s9;
	v21 =	vld.idx.msk [tilespmem:v26+s17+$0x0], $0xffff;
	[tilespmem:s28+$0xFFFFFCE0] =	vst v12;
	v12 =	vadd.s32 s6, v0  }
0x264: {  	s6 =	sadd.s32 $0xFFFFFE9E, s0;
	v22 =	vadd.s32 s13, v0;
	v19 =	vld.idx.msk [tilespmem:v19+s17+$0x0], $0xffff;
	[tilespmem:s28+$0xFFFFFE50] =	vst v3  }
0x265: {  	s13 =	sadd.s32 $0xFFFFFD2B, s0;
	v3 =	vadd.s32 s6, v0;
	[tilespmem:s28+$0xFFFFFDD0] =	vst v13;
	v13 =	vld.idx.msk [tilespmem:v16+s17+$0x0], $0xffff  }
0x266: {  	s6 =	sadd.s32 $0xFFFFFECE, s9;
	[tilespmem:s2+$0xFFFFFD20] =	vst v14;
	v14 =	vadd.s32 s13, v0;
	v10 =	vld.idx.msk [tilespmem:v10+s17+$0x0], $0xffff  }
0x267: {  	s13 =	sadd.s32 $0xFFFFFFC0, s0;
	[tilespmem:s2+$0xFFFFFE90] =	vst v9;
	v11 =	vld.idx.msk [tilespmem:v11+s17+$0x0], $0xffff;
	v9 =	vadd.s32 s6, v0  }
0x268: {  	v16 =	vadd.s32 s13, v0;
	s6 =	sadd.s32 $0xFFFFFF5F, s9;
	[tilespmem:s28+$0xFFFFFD50] =	vst v17;
	v12 =	vld.idx.msk [tilespmem:v12+s17+$0x0], $0xffff  }
0x269: {  	s13 =	sadd.s32 $0xFFFFFE6D, s9;
	[tilespmem:s2+$0xFFFFFFB0] =	vst v21;
	v17 =	vld.idx.msk [tilespmem:v22+s17+$0x0], $0xffff;
	v21 =	vadd.s32 s6, v0  }
0x26a: {  	s6 =	sadd.s32 $0xFFFFFFF0, s9;
	v3 =	vld.idx.msk [tilespmem:v3+s17+$0x0], $0xffff;
	[tilespmem:s28+$0xFFFFFCF0] =	vst v19;
	v19 =	vadd.s32 s13, v0  }
0x26b: {  	s13 =	sadd.s32 $0xFFFFFD6B, s9;
	v14 =	vld.idx.msk [tilespmem:v14+s17+$0x0], $0xffff;
	[tilespmem:s28+$0xFFFFFEC0] =	vst v13;
	v13 =	vadd.s32 s6, v0  }
0x26c: {  	s6 =	sadd.s32 $0xFFFFFC69, s9;
	[tilespmem:s2+$0xFFFFFDB0] =	vst v15;
	v15 =	vadd.s32 s13, v0;
	v22 =	vld.idx.msk [tilespmem:v9+s17+$0x0], $0xffff  }
0x26d: {  	v9 =	vadd.s32 s6, v0;
	s6 =	sadd.s32 $0xFFFFFEDE, s9;
	v16 =	vld.idx.msk [tilespmem:v16+s17+$0x0], $0xffff;
	[tilespmem:s28+$0xFFFFFF50] =	vst v10  }
0x26e: {  	v10 =	vadd.s32 s6, v0;
	[tilespmem:s28+$0xFFFFFE60] =	vst v12;
	v12 =	vld.idx.msk [tilespmem:v21+s17+$0x0], $0xffff  }
0x26f: {  	s6 =	sadd.s32 $0xFFFFFF6F, s9;
	v19 =	vld.idx.msk [tilespmem:v19+s17+$0x0], $0xffff;
	[tilespmem:s28+$0xFFFFFFE0] =	vst v7  }
0x270: {  	s13 =	sadd.s32 $0xFFFFFFD0, s0;
	v7 =	vadd.s32 s6, v0;
	[tilespmem:s28+$0xFFFFFD60] =	vst v17;
	v21 =	vld.idx.msk [tilespmem:v13+s17+$0x0], $0xffff  }
0x271: {  	s6 =	sadd.s32 $0xFFFFFDEC, s9;
	v13 =	vadd.s32 s13, v0;
	[tilespmem:s2+$0xFFFFFD30] =	vst v14;
	v15 =	vld.idx.msk [tilespmem:v15+s17+$0x0], $0xffff  }
0x272: {  	s13 =	sadd.s32 $0xFFFFFD7B, s9;
	v17 =	vadd.s32 s6, v0;
	v9 =	vld.idx.msk [tilespmem:v9+s17+$0x0], $0xffff;
	[tilespmem:s28+$0xFFFFFED0] =	vst v22  }
0x273: {  	s6 =	sadd.s32 $0xFFFFFE3D, s0;
	[tilespmem:s2+$0xFFFFFFC0] =	vst v16;
	v16 =	vadd.s32 s13, v0;
	v22 =	vld.idx.msk [tilespmem:v10+s17+$0x0], $0xffff  }
0x274: {  	v10 =	vld.idx.msk [tilespmem:v8+s17+$0x0], $0xffff;
	v8 =	vadd.s32 s6, v0;
	s6 =	sadd.s32 $0xFFFFFEEE, s9;
	[tilespmem:s28+$0xFFFFFF60] =	vst v12  }
0x275: {  	s13 =	sadd.s32 $0xFFFFFCFA, s9;
	[tilespmem:s28+$0xFFFFFE70] =	vst v19;
	v19 =	vadd.s32 s6, v0;
	v14 =	vld.idx.msk [tilespmem:v7+s17+$0x0], $0xffff  }
0x276: {  	v23 =	vld.idx.msk [tilespmem:v13+s17+$0x0], $0xffff;
	v13 =	vadd.s32 s13, v0;
	[tilespmem:s28+$0xFFFFFDE0] =	vst v11  }
0x277: {  	s6 =	sadd.s32 $0xFFFFFFE0, s0;
	v11 =	vadd.s32 s9, v0;
	[tilespmem:s28+$0xFFFFFD70] =	vst v15;
	v12 =	vld.idx.msk [tilespmem:v17+s17+$0x0], $0xffff  }
.Ltmp9:
0x278: {  	s13 =	sadd.s32 $0xFFFFFCBA, s0;
	v7 =	vadd.s32 s6, v0;
	[tilespmem:s2+$0xFFFFFE30] =	vst v20;
	v15 =	vld.idx.msk [tilespmem:v16+s17+$0x0], $0xffff;
	(pc) =	sbr.rel @p2 .LBB2_16-.Ltmp9, $4  }
0x279: {  	v16 =	vadd.s32 s13, v0;
	v8 =	vld.idx.msk [tilespmem:v8+s17+$0x0], $0xffff;
	[tilespmem:s28+$0xFFFFFEE0] =	vst v22  }
0x27a: {  	s6 =	sadd.s32 $0xFFFFFE7D, s9;
	[tilespmem:s2+$0xFFFFFCB0] =	vst v18;
	v17 =	vld.idx.msk [tilespmem:v19+s17+$0x0], $0xffff  }
0x27b: {  	s14 =	sadd.s32 $0xFFFFFC79, s9;
	s13 =	sadd.s32 $0xFFFFFF7F, s9;
	v19 =	vadd.s32 s6, v0;
	s6 =	sadd.s32 $0xFFFFFEFE, s9;
	v13 =	vld.idx.msk [tilespmem:v13+s17+$0x0], $0xffff;
	[tilespmem:s28+$0xFFFFFFF0] =	vst v21  }
0x27c: {  	s0 =	sadd.s32 $0x408, s0;
	v20 =	vadd.s32 s13, v0;
	s2 =	sadd.s32 $0x400, s2;
	s9 =	sadd.s32 $0xFFFFFDFC, s9;
	v18 =	vadd.s32 s6, v0;
	[tilespmem:s30+$0xFFFFFFD0] =	vst v23;
	v21 =	vld.idx.msk [tilespmem:v11+s17+$0x0], $0xffff  }
0x27d: {  	s0 =	smov.u32 s28;
	s28 =	smov.u32 s30;
	s31 =	smov.u32 s29;
	v11 =	vmov v4  }
.LBB2_18:
0x27e: {  	[tilespmem:s0+$0xFFFFFF70] =	vst @p0 v14  }
0x27f: {  	[tilespmem:s0+$0xFFFFFD80] =	vst @p0 v15  }
0x280: {  	[tilespmem:s28+$0xFFFFFC30] =	vst v10  }
0x281: {  	[tilespmem:s0+$0xFFFFFDF0] =	vst @p0 v12  }
0x282: {  	[tilespmem:s0+$0xFFFFFC70] =	vst @p0 v9  }
0x283: {  	[tilespmem:s28+$0xFFFFFE40] =	vst v8  }
0x284: {  	v4 =	vld.idx.msk [tilespmem:v16+s17+$0x0], $0xffff;
	[tilespmem:s28+$0xFFFFFEA0] =	vst v3  }
0x285: {  	v14 =	vld.idx.msk @p0 [tilespmem:v19+s17+$0x0], $0xffff;
	[tilespmem:s28+$0xFFFFFF30] =	vst v2  }
0x286: {  	v6 =	vld.idx.msk [tilespmem:v6+s17+$0x0], $0xffff;
	[tilespmem:s0+$0xFFFFFEF0] =	vst @p0 v17  }
0x287: {  	v10 =	vadd.s32 @p0 s9, v0;
	v7 =	vld.idx.msk [tilespmem:v7+s17+$0x0], $0xffff;
	[tilespmem:s0+$0xFFFFFD00] =	vst @p0 v13  }
0x288: {  	v12 =	vadd.s32 @p0 s14, v0;
	s6 =	sadd.s32 $0xFFFFFD3B, s31;
	v15 =	vld.idx.msk @p0 [tilespmem:v20+s17+$0x0], $0xffff;
	[tilespmem:s0+$0x0] =	vst @p0 v21  }
0x289: {  	s9 =	sadd.s32 $0xFFFFFF3F, s31;
	v26 =	vld.idx.msk [tilespmem:v5+s17+$0x0], $0xffff;
	v28 =	vadd.s32 s6, v0;
	[tilespmem:s28+$0xFFFFFCC0] =	vst v4  }
0x28a: {  	s6 =	sadd.s32 $0xFFFFFCCA, s31;
	v30 =	vadd.s32 s9, v0;
	v34 =	vld.idx.msk [tilespmem:v11+s17+$0x0], $0xffff;
	[tilespmem:s0+$0xFFFFFE80] =	vst @p0 v14  }
0x28b: {  	s2 =	sadd.s32 $0xFFFFFC49, s31;
	v29 =	vadd.s32 s6, v0;
	v13 =	vld.idx.msk @p0 [tilespmem:v18+s17+$0x0], $0xffff;
	[tilespmem:s28+$0xFFFFFDC0] =	vst v6  }
0x28c: {  	s15 =	sadd.s32 $0xFFFFFEBE, s31;
	v27 =	vadd.s32 s2, v0;
	v5 =	vld.idx.msk @p0 [tilespmem:v10+s17+$0x0], $0xffff;
	[tilespmem:s28+$0xFFFFFFE0] =	vst v7  }
0x28d: {  	v35 =	vadd.s32 s15, v0;
	s2 =	sadd.s32 $0xFFFFFDCC, s31;
	v10 =	vld.idx.msk @p0 [tilespmem:v12+s17+$0x0], $0xffff;
	[tilespmem:s0+$0xFFFFFF80] =	vst @p0 v15  }
0x28e: {  	s14 =	sadd.s32 $0xFFFFFD4B, s31;
	v38 =	vadd.s32 s2, v0;
	[tilespmem:s28+$0xFFFFFC40] =	vst v26;
	v32 =	vld.idx.msk [tilespmem:v28+s17+$0x0], $0xffff  }
0x28f: {  	s30 =	sadd.s32 $0xFFFFFE4D, s31;
	v3 =	vadd.s32 s14, v0;
	v4 =	vld.idx.msk [tilespmem:v30+s17+$0x0], $0xffff;
	[tilespmem:s28+$0xFFFFFEB0] =	vst v34  }
0x290: {  	v37 =	vadd.s32 s30, v0;
	s6 =	sadd.s32 $0xFFFFFF4F, s31;
	v2 =	vld.idx.msk [tilespmem:v29+s17+$0x0], $0xffff;
	[tilespmem:s0+$0xFFFFFF00] =	vst @p0 v13  }
0x291: {  	s13 =	sadd.s32 $0xFFFFFC59, s31;
	v39 =	vadd.s32 s6, v0;
	v31 =	vld.idx.msk [tilespmem:v27+s17+$0x0], $0xffff;
	[tilespmem:s0+$0xFFFFFE00] =	vst @p0 v5  }
0x292: {  	s29 =	sadd.s32 $0xFFFFFCDA, s31;
	v33 =	vadd.s32 s13, v0;
	v11 =	vld.idx.msk [tilespmem:v35+s17+$0x0], $0xffff;
	[tilespmem:s0+$0xFFFFFC80] =	vst @p0 v10  }
0x293: {  	v36 =	vadd.s32 s29, v0;
	s13 =	sadd.s32 $0xFFFFFECE, s31;
	v8 =	vld.idx.msk [tilespmem:v38+s17+$0x0], $0xffff;
	[tilespmem:s28+$0xFFFFFD40] =	vst v32  }
0x294: {  	s9 =	sadd.s32 $0xFFFFFD5B, s31;
	v41 =	vadd.s32 s13, v0;
	[tilespmem:s28+$0xFFFFFF40] =	vst v4;
	v3 =	vld.idx.msk [tilespmem:v3+s17+$0x0], $0xffff  }
0x295: {  	s6 =	sadd.s32 $0xFFFFFDDC, s31;
	v5 =	vld.idx.msk [tilespmem:v37+s17+$0x0], $0xffff;
	[tilespmem:s28+$0xFFFFFCD0] =	vst v2;
	v2 =	vadd.s32 s9, v0  }
0x296: {  	s15 =	sadd.s32 $0xFFFFFE5D, s31;
	v46 =	vadd.s32 s6, v0;
	[tilespmem:s28+$0xFFFFFC50] =	vst v31;
	v10 =	vld.idx.msk [tilespmem:v39+s17+$0x0], $0xffff  }
0x297: {  	v43 =	vadd.s32 s15, v0;
	s13 =	sadd.s32 $0xFFFFFFF0, s31;
	[tilespmem:s28+$0xFFFFFEC0] =	vst v11;
	v9 =	vld.idx.msk [tilespmem:v33+s17+$0x0], $0xffff  }
0x298: {  	s29 =	sadd.s32 $0xFFFFFF5F, s31;
	v49 =	vadd.s32 s13, v0;
	[tilespmem:s28+$0xFFFFFDD0] =	vst v8;
	v40 =	vld.idx.msk [tilespmem:v36+s17+$0x0], $0xffff  }
0x299: {  	s14 =	sadd.s32 $0xFFFFFCEA, s31;
	v11 =	vld.idx.msk [tilespmem:v41+s17+$0x0], $0xffff;
	[tilespmem:s28+$0xFFFFFD50] =	vst v3;
	v3 =	vadd.s32 s29, v0  }
0x29a: {  	s30 =	sadd.s32 $0xFFFFFD6B, s31;
	v42 =	vadd.s32 s14, v0;
	s2 =	sadd.s32 $0xFFFFFEDE, s31;
	[tilespmem:s28+$0xFFFFFE50] =	vst v5;
	v2 =	vld.idx.msk [tilespmem:v2+s17+$0x0], $0xffff  }
0x29b: {  	v44 =	vadd.s32 s30, v0;
	s30 =	sadd.s32 $0xFFFFFDEC, s31;
	v45 =	vadd.s32 s2, v0;
	v51 =	vld.idx.msk [tilespmem:v46+s17+$0x0], $0xffff;
	[tilespmem:s28+$0xFFFFFF50] =	vst v10  }
0x29c: {  	v53 =	vadd.s32 s30, v0;
	s6 =	sadd.s32 $0xFFFFFC69, s31;
	v47 =	vld.idx.msk [tilespmem:v43+s17+$0x0], $0xffff;
	[tilespmem:s28+$0xFFFFFC60] =	vst v9  }
0x29d: {  	v54 =	vadd.s32 s6, v0;
	s9 =	sadd.s32 $0xFFFFFE6D, s31;
	v10 =	vld.idx.msk [tilespmem:v49+s17+$0x0], $0xffff;
	[tilespmem:s28+$0xFFFFFCE0] =	vst v40  }
0x29e: {  	s14 =	sadd.s32 $0xFFFFFF6F, s31;
	v48 =	vadd.s32 s9, v0;
	[tilespmem:s28+$0xFFFFFED0] =	vst v11;
	v3 =	vld.idx.msk [tilespmem:v3+s17+$0x0], $0xffff  }
0x29f: {  	v6 =	vld.idx.msk [tilespmem:v42+s17+$0x0], $0xffff;
	[tilespmem:s28+$0xFFFFFD60] =	vst v2;
	v2 =	vadd.s32 s14, v0  }
0x2a0: {  	s29 =	sadd.s32 $0xFFFFFEEE, s31;
	[tilespmem:s28+$0xFFFFFDE0] =	vst v51;
	v5 =	vld.idx.msk [tilespmem:v45+s17+$0x0], $0xffff  }
0x2a1: {  	s13 =	sadd.s32 $0xFFFFFCFA, s31;
	v52 =	vadd.s32 s29, v0;
	v7 =	vld.idx.msk [tilespmem:v53+s17+$0x0], $0xffff;
	[tilespmem:s28+$0xFFFFFE60] =	vst v47  }
0x2a2: {  	s15 =	sadd.s32 $0xFFFFFD7B, s31;
	v56 =	vadd.s32 s13, v0;
	v58 =	vld.idx.msk [tilespmem:v54+s17+$0x0], $0xffff;
	[tilespmem:s28+$0xFFFFFFF0] =	vst v10  }
0x2a3: {  	v50 =	vadd.s32 s15, v0;
	s15 =	sadd.s32 $0xFFFFFDFC, s31;
	v9 =	vld.idx.msk [tilespmem:v48+s17+$0x0], $0xffff;
	[tilespmem:s28+$0xFFFFFF60] =	vst v3;
	v3 =	vadd.s32 s31, v0  }
0x2a4: {  	v59 =	vadd.s32 s15, v0;
	s9 =	sadd.s32 $0xFFFFFE7D, s31;
	[tilespmem:s28+$0xFFFFFCF0] =	vst v6;
	v2 =	vld.idx.msk [tilespmem:v2+s17+$0x0], $0xffff  }
0x2a5: {  	v55 =	vadd.s32 s9, v0;
	v4 =	vld.idx.msk [tilespmem:v44+s17+$0x0], $0xffff;
	[tilespmem:s28+$0xFFFFFEE0] =	vst v5  }
0x2a6: {  	s14 =	sadd.s32 $0xFFFFFF7F, s31;
	[tilespmem:s28+$0xFFFFFDF0] =	vst v7;
	v8 =	vld.idx.msk [tilespmem:v52+s17+$0x0], $0xffff  }
0x2a7: {  	s29 =	sadd.s32 $0xFFFFFC79, s31;
	v57 =	vadd.s32 s14, v0;
	[tilespmem:s28+$0xFFFFFC70] =	vst v58;
	v62 =	vld.idx.msk [tilespmem:v56+s17+$0x0], $0xffff  }
0x2a8: {  	s30 =	sadd.s32 $0xFFFFFEFE, s31;
	v60 =	vadd.s32 s29, v0;
	[tilespmem:s28+$0xFFFFFE70] =	vst v9;
	v3 =	vld.idx.msk [tilespmem:v3+s17+$0x0], $0xffff  }
0x2a9: {  	v7 =	vld.idx.msk [tilespmem:v59+s17+$0x0], $0xffff;
	[tilespmem:s28+$0xFFFFFF70] =	vst v2;
	v2 =	vadd.s32 s30, v0  }
0x2aa: {  	v61 =	vld.idx.msk [tilespmem:v55+s17+$0x0], $0xffff;
	[tilespmem:s28+$0xFFFFFD70] =	vst v4  }
0x2ab: {  	v4 =	vld.idx.msk [tilespmem:v50+s17+$0x0], $0xffff;
	[tilespmem:s28+$0xFFFFFEF0] =	vst v8  }
0x2ac: {  	[tilespmem:s28+$0xFFFFFD00] =	vst v62;
	v63 =	vld.idx.msk [tilespmem:v57+s17+$0x0], $0xffff  }
0x2ad: {  	[tilespmem:s28+$0x0] =	vst v3;
	v3 =	vld.idx.msk [tilespmem:v60+s17+$0x0], $0xffff  }
0x2ae: {  	[tilespmem:s28+$0xFFFFFE00] =	vst v7;
	v2 =	vld.idx.msk [tilespmem:v2+s17+$0x0], $0xffff  }
0x2af: {  	[tilespmem:s28+$0xFFFFFE80] =	vst v61  }
0x2b0: {  	[tilespmem:s28+$0xFFFFFD80] =	vst v4  }
0x2b1: {  	[tilespmem:s28+$0xFFFFFF80] =	vst v63  }
0x2b2: {  	s24 =	sadd.s32 $0x1, s24;
	s2 =	simm.s32 @!p1 $0x80;
	[tilespmem:s28+$0xFFFFFC80] =	vst v3  }
0x2b3: {  	s6 =	simm.s32 @!p1 $0xA400;
	s0 =	sadd.s32 @!p1 $0x180, s25;
	p0 =	sne.s32 s24, $0x64;
	[tilespmem:s28+$0xFFFFFF00] =	vst v2  }
0x2b4: {  	[tilespmem:s6], [sflag:$0x2] =	stream.indirect.gather @!p1 [hbm4b:s5+s2], $0x80, s0, s2, $0xb8;
	[tilespmem:$0x1A880] =	vst v63  }
.Ltmp10:
0x2b5: {  	s31 =	sshll.u32 s26, $0x12;
	(pc) =	sbr.rel @p0 .LBB2_2-.Ltmp10, $4  }
.Ltmp11:
0x2b6: {  	s0 =	sor.u32 s4, s31;
	(pc) =	sbr.rel @!p0 .LBB2_19-.Ltmp11, $4  }
0x2b7: {  	s0 =	sshrl.u32 s0, $0x3  }
0x2b8: {  	s0 =	sadd.s32 s1, s0  }
0x2b9: {  	[hbm4b:s0+s11] =	stream.strided.scatter [tilespmem:s20], [sflag:$0x4], $0x2000, s12, s11, $0x38;
	[tilespmem:$0x1A880] =	vst v63  }
0x2ba: {  	_ = 	snop  }
.LBB2_5:
.Ltmp12:
0x2bb: {  	(pc) =	sbr.rel .LBB2_10-.Ltmp12, $2  }
0x2bc: {  	_ =	sdelay $0x2  }
0x2bd: {  	_ = 	snop  }
.LBB2_13:
.Ltmp13:
0x2be: {  	(pc) =	sbr.rel .LBB2_18-.Ltmp13, $2  }
0x2bf: {  	_ =	sdelay $0x2  }
0x2c0: {  	_ = 	snop  }
.LBB2_7:
.Ltmp14:
0x2c1: {  	(pc) =	sbr.rel .LBB2_10-.Ltmp14, $2  }
0x2c2: {  	_ =	sdelay $0x2  }
0x2c3: {  	s0 =	simm.s32 $0xE600;
	s28 =	simm.s32 $0xEA00;
	s31 =	simm.s32 $0x7FF;
	v11 =	vmov v4  }
.LBB2_15:
.Ltmp15:
0x2c4: {  	(pc) =	sbr.rel .LBB2_18-.Ltmp15, $2  }
0x2c5: {  	_ =	sdelay $0x2  }
0x2c6: {  	s0 =	simm.s32 $0x107F0;
	s28 =	simm.s32 $0x10BF0;
	s31 =	simm.s32 $0x7FF;
	v11 =	vmov v4  }
.LBB2_20:
0x2c7: {  	_ =	sfence.sel $0x180000  }
0x2c8: {  	[bflag:$0x0] =	sbarrier.arrive $0xFFFF  }
0x2c9: {  	_ =	strace $0x90000047  }
0x2ca: {  	s0 =	stileid.u32;
	[bflag:$0x2] =	sbarrier.arrive $0xFFFF  }
0x2cb: {  	p0 =	sne.s32 s0, $0x0;
	s0 =	rddreg [dreg:$0x3]  }
0x2cc: {  	s0 =	sadd.s32 @!p0 $0x100000, s0  }
0x2cd: {  	[sflag:s0] =	ssyncadd.tile.s32 @!p0 $0x1;
	_ =	shalt  }
.Lfunc_end2:
_tile_overlayer_lowered:
.L_overlay_start_2:
0x2ce: {  	(tag) =	ssettag $0x2  }
0x2cf: {  	s0 =	rddreg [dreg:$0x0];
	s2 =	stileid.u32  }
0x2d0: {  	s1 =	rddreg [dreg:$0x1];
	p0 =	sne.s32 s2, $0x0  }
0x2d1: {  	s3 =	rddreg [dreg:$0x2];
	[bflag:$0x3] =	sbarrier.arrive $0xFFFF;
	s2 =	simm.s32 @!p0 $0x1C05  }
0x2d2: {  	[timem:s3], [sflag:s2] =	dma.local @!p0 [hbm:s0], s1  }
0x2d3: {  	s0 =	simm.s32 @!p0 $0x5  }
0x2d4: {  	_ =	swait.ge @!p0 [sflag:s0], s1  }
0x2d5: {  	s1 =	ssub.s32 @!p0 $0x0, s1;
	[sflag:s0] =	ssyncset.done @!p0 $0x0  }
0x2d6: {  	[sflag:s0] =	ssyncadd.s32 @!p0 s1  }
0x2d7: {  	[bflag:$0x3] =	sbarrier.arrive $0xFFFF  }
0x2d8: {  	_ =	shalt  }

</sc_bundles>
